<compile_context>
chip_gen: v7x
topology: tpu7x:2x2x1
jax: 0.10.2.dev20260603
libtpu: 0.0.44.dev20260713+nightly
codegen_flags: <defaults>
</compile_context>

<pallas_src>
import jax
import jax.numpy as jnp
from jax import lax
from jax.experimental import pallas as pl
from jax.experimental.pallas import tpu as pltpu, tpu_sc as plsc

B, C, H, W = 4, 3, 512, 512
HW = H * W
NC, NS = 2, 16
BPC = B // NC
ROWS_PER_TEC = H // NS
CROWS = 2
CPIX = CROWS * W
NCHUNK = ROWS_PER_TEC // CROWS
VREGS = CPIX // 16
SLC = C * HW // NS


def _splat_chunk(flb, chb, idxst, v0, v1, v2):

    def vreg_body(v, _):
        off = v * 16
        xs = flb[pl.ds(off, 16)]
        ys = flb[pl.ds(CPIX + off, 16)]
        xt = xs.astype(jnp.int32)
        yt = ys.astype(jnp.int32)
        ax = xs - xt.astype(jnp.float32)
        ay = ys - yt.astype(jnp.float32)
        bx = 1.0 - ax
        by = 1.0 - ay
        x0 = xt - 512
        y0 = yt - 512
        x1 = x0 + 1
        y1 = y0 + 1
        wx0 = jnp.where((x0 >= 0) & (x0 < W), bx, 0.0)
        wx1 = jnp.where((x1 >= 0) & (x1 < W), ax, 0.0)
        wy0 = jnp.where((y0 >= 0) & (y0 < H), by, 0.0)
        wy1 = jnp.where((y1 >= 0) & (y1 < H), ay, 0.0)
        x0c = jnp.clip(x0, 0, W - 1)
        x1c = jnp.clip(x1, 0, W - 1)
        r0 = jnp.clip(y0, 0, H - 1) << 9
        r1 = jnp.clip(y1, 0, H - 1) << 9
        ch0 = chb[pl.ds(off, 16)]
        ch1 = chb[pl.ds(CPIX + off, 16)]
        ch2 = chb[pl.ds(2 * CPIX + off, 16)]
        corners = (
            (r0 + x0c, wx0 * wy0),
            (r0 + x1c, wx1 * wy0),
            (r1 + x0c, wx0 * wy1),
            (r1 + x1c, wx1 * wy1),
        )
        for k, (idxk, wk) in enumerate(corners):
            idxst[pl.ds(k * CPIX + off, 16)] = idxk
            v0[pl.ds(k * CPIX + off, 16)] = ch0 * wk
            v1[pl.ds(k * CPIX + off, 16)] = ch1 * wk
            v2[pl.ds(k * CPIX + off, 16)] = ch2 * wk
        return 0

    lax.fori_loop(0, VREGS, vreg_body, 0)


def _tec_body(im0_hbm, fl_hbm, z_hbm, out_hbm,
              flb, chb, idxst, v0, v1, v2, drb, shared,
              sin, ssc):
    c = lax.axis_index("c")
    s = lax.axis_index("s")

    def fire_inputs(b, ci, p):
        pix0 = (s * ROWS_PER_TEC + ci * CROWS) * W
        pltpu.async_copy(fl_hbm.at[pl.ds(b * HW + pix0, CPIX)],
                         flb[p].at[pl.ds(0, CPIX)], sin[p])
        pltpu.async_copy(fl_hbm.at[pl.ds(B * HW + b * HW + pix0, CPIX)],
                         flb[p].at[pl.ds(CPIX, CPIX)], sin[p])
        for cc in range(C):
            pltpu.async_copy(
                im0_hbm.at[pl.ds((b * C + cc) * HW + pix0, CPIX)],
                chb[p].at[pl.ds(cc * CPIX, CPIX)], sin[p])

    def drain_inputs(p):
        pltpu.make_async_copy(fl_hbm.at[pl.ds(0, 2 * CPIX)], flb[p],
                              sin[p]).wait()
        pltpu.make_async_copy(im0_hbm.at[pl.ds(0, C * CPIX)], chb[p],
                              sin[p]).wait()

    def fire_scatters(p):
        for cc, vst in enumerate((v0[p], v1[p], v2[p])):
            img = cc * HW
            pltpu.async_copy(
                vst,
                shared.at[pl.ds(img, HW)].at[idxst[p]],
                ssc[p], add=True)

    def drain_scatters(p):
        for _ in range(C):
            pltpu.make_async_copy(fl_hbm.at[pl.ds(0, 4 * CPIX)], drb,
                                  ssc[p]).wait()

    def zero_slice():
        pltpu.sync_copy(z_hbm.at[pl.ds(s * SLC, SLC)],
                        shared.at[pl.ds(s * SLC, SLC)])

    for b_loc in range(BPC):
        b = c * BPC + b_loc
        fire_inputs(b, jnp.int32(0), 0)
        if b_loc == 0:
            zero_slice()
        plsc.subcore_barrier()

        def pair_body(pair, _):
            for p in range(2):
                ci = pair * 2 + p
                drain_inputs(p)

                @pl.when(ci < NCHUNK - 1)
                def _():
                    fire_inputs(b, ci + 1, 1 - p)

                @pl.when(pair >= 1)
                def _():
                    drain_scatters(p)

                _splat_chunk(flb[p], chb[p],
                             idxst[p], v0[p], v1[p], v2[p])
                fire_scatters(p)
            return 0

        lax.fori_loop(0, NCHUNK // 2, pair_body, 0)
        for p in range(2):
            drain_scatters(p)

        plsc.subcore_barrier()
        pltpu.sync_copy(
            shared.at[pl.ds(s * SLC, SLC)],
            out_hbm.at[pl.ds(b * C * HW + s * SLC, SLC)])
        if b_loc < BPC - 1:
            zero_slice()


def kernel(im0, flow):
    im0r = im0.reshape(B * C * HW)
    gx = (jnp.arange(W, dtype=jnp.float32) + 512.0)[None, None, :]
    gy = (jnp.arange(H, dtype=jnp.float32) + 512.0)[None, :, None]
    fl = jnp.concatenate(
        [(flow[..., 0] + gx).reshape(B * HW),
         (flow[..., 1] + gy).reshape(B * HW)])
    zs = jnp.zeros((C * HW,), jnp.float32)

    mesh = plsc.VectorSubcoreMesh(core_axis_name="c", subcore_axis_name="s",
                                  num_cores=NC, num_subcores=NS)
    dbl = lambda t: [t, t]
    out = pl.kernel(
        _tec_body,
        out_type=jax.ShapeDtypeStruct((B * C * HW,), jnp.float32),
        mesh=mesh,
        scratch_types=[
            dbl(pltpu.VMEM((2 * CPIX,), jnp.float32)),
            dbl(pltpu.VMEM((C * CPIX,), jnp.float32)),
            dbl(pltpu.VMEM((4 * CPIX,), jnp.int32)),
            dbl(pltpu.VMEM((4 * CPIX,), jnp.float32)),
            dbl(pltpu.VMEM((4 * CPIX,), jnp.float32)),
            dbl(pltpu.VMEM((4 * CPIX,), jnp.float32)),
            pltpu.VMEM((4 * CPIX,), jnp.float32),
            pltpu.VMEM_SHARED((C * HW,), jnp.float32),
            dbl(pltpu.SemaphoreType.DMA),
            dbl(pltpu.SemaphoreType.DMA),
        ],
    )(im0r, fl, zs)
    return out.reshape(B, C, H, W)

# --- scband reference (transcript-rebuilt; emitter-appended) ---
"""Pipeline reference for scband-forward-warp-3307124817969 (READ-ONLY COPY).

The authoritative reference and input builder live on the scoring server;
editing this copy changes nothing except your own understanding.
"""

import jax, jax.numpy as jnp
import numpy as np

B, C, H, W = 4, 3, 512, 512

def setup_inputs(seed: int = 0) -> dict:
    key = jax.random.key(seed)
    k1, k2 = jax.random.split(key)
    im0 = jax.random.normal(k1, (B, C, H, W), dtype=jnp.float32)
    flow = jax.random.normal(k2, (B, H, W, 2), dtype=jnp.float32)
    return {"im0": im0, "flow": flow}

def reference(im0, flow):
    # Forward warping (bilinear splatting): each source pixel (x, y) is
    # scattered to target location (x + flow_x, y + flow_y), distributing its
    # value to the 4 surrounding integer pixels with bilinear weights.
    b, c, h, w = im0.shape
    gy, gx = jnp.meshgrid(jnp.arange(h, dtype=jnp.float32),
                          jnp.arange(w, dtype=jnp.float32), indexing='ij')
    x = gx[None, :, :] + flow[..., 0]  # [B, H, W]
    y = gy[None, :, :] + flow[..., 1]  # [B, H, W]
    x0 = jnp.floor(x)
    y0 = jnp.floor(y)
    x1 = x0 + 1.0
    y1 = y0 + 1.0
    corners = [
        (x0, y0, (x1 - x) * (y1 - y)),
        (x1, y0, (x - x0) * (y1 - y)),
        (x0, y1, (x1 - x) * (y - y0)),
        (x1, y1, (x - x0) * (y - y0)),
    ]
    imf = im0.reshape(b, c, h * w)
    out = jnp.zeros((b, c, h * w), dtype=im0.dtype)
    def splat_one(o, i, v):
        return o.at[:, i].add(v)
    for cx, cy, wt in corners:
        valid = (cx >= 0) & (cx <= w - 1) & (cy >= 0) & (cy <= h - 1)
        xi = jnp.clip(cx, 0, w - 1).astype(jnp.int32)
        yi = jnp.clip(cy, 0, h - 1).astype(jnp.int32)
        idx = (yi * w + xi).reshape(b, h * w)
        ww = (wt * valid.astype(im0.dtype)).reshape(b, 1, h * w)
        vals = imf * ww
        out = jax.vmap(splat_one)(out, idx, vals)
    return out.reshape(b, c, h, w)

if __name__ == "__main__":
    import jax
    _d = setup_inputs()
    print(jax.jit(kernel)(*tuple(_d.values())))

</pallas_src>

<mosaic_0001>
#map = affine_map<(d0, d1) -> (0)>
module attributes {stable_mosaic.version = 14 : i64} {
  func.func @_tec_body(%arg0: i32, %arg1: i32, %arg2: memref<3145728xf32, #tpu.memory_space<hbm>>, %arg3: memref<2097152xf32, #tpu.memory_space<hbm>>, %arg4: memref<786432xf32, #tpu.memory_space<hbm>>, %arg5: memref<3145728xf32, #tpu.memory_space<hbm>>, %arg6: memref<2048xf32, #tpu.memory_space<vmem>>, %arg7: memref<2048xf32, #tpu.memory_space<vmem>>, %arg8: memref<3072xf32, #tpu.memory_space<vmem>>, %arg9: memref<3072xf32, #tpu.memory_space<vmem>>, %arg10: memref<4096xi32, #tpu.memory_space<vmem>>, %arg11: memref<4096xi32, #tpu.memory_space<vmem>>, %arg12: memref<4096xf32, #tpu.memory_space<vmem>>, %arg13: memref<4096xf32, #tpu.memory_space<vmem>>, %arg14: memref<4096xf32, #tpu.memory_space<vmem>>, %arg15: memref<4096xf32, #tpu.memory_space<vmem>>, %arg16: memref<4096xf32, #tpu.memory_space<vmem>>, %arg17: memref<4096xf32, #tpu.memory_space<vmem>>, %arg18: memref<4096xf32, #tpu.memory_space<vmem>>, %arg19: memref<786432xf32, #tpu.memory_space<vmem_shared>>, %arg20: memref<!tpu.dma_semaphore, #tpu.memory_space<semaphore_mem>>, %arg21: memref<!tpu.dma_semaphore, #tpu.memory_space<semaphore_mem>>, %arg22: memref<!tpu.dma_semaphore, #tpu.memory_space<semaphore_mem>>, %arg23: memref<!tpu.dma_semaphore, #tpu.memory_space<semaphore_mem>>) attributes {dimension_semantics = [#tpu.dimension_semantics<core_parallel>, #tpu.dimension_semantics<subcore_parallel>], iteration_bounds = array<i64: 2, 16>, scalar_prefetch = 0 : i64, scratch_operands = 18 : i64, tpu.core_type = #tpu.core_type<sc_vector_subcore>, window_params = [{transform_indices = #map}, {transform_indices = #map}, {transform_indices = #map}, {transform_indices = #map}]} {
    %mul3A = arith.constant 2 : i32
    %mul3A_0 = arith.muli %arg0, %mul3A : i32
    %add3A = arith.constant 0 : i32
    %add3A_1 = arith.addi %mul3A_0, %add3A : i32
    %mul3A_2 = arith.constant 32 : i32
    %mul3A_3 = arith.muli %arg1, %mul3A_2 : i32
    %mul3A_4 = arith.constant 0 : i32
    %mul3A_5 = arith.constant 2 : i32
    %mul3A_6 = arith.muli %mul3A_4, %mul3A_5 : i32
    %add3A_7 = arith.addi %mul3A_3, %mul3A_6 : i32
    %mul3A_8 = arith.constant 512 : i32
    %mul3A_9 = arith.muli %add3A_7, %mul3A_8 : i32
    %mul3A_10 = arith.constant 262144 : i32
    %mul3A_11 = arith.muli %add3A_1, %mul3A_10 : i32
    %add3A_12 = arith.addi %mul3A_11, %mul3A_9 : i32
    %dma_start3A = arith.constant 0 : i32
    %dma_start3A_13 = tpu.memref_slice %arg6[%dma_start3A] : memref<2048xf32, #tpu.memory_space<vmem>> -> memref<1024xf32, #tpu.memory_space<vmem>>
    %dma_start3A_14 = tpu.memref_slice %arg3[%add3A_12] : memref<2097152xf32, #tpu.memory_space<hbm>> -> memref<1024xf32, #tpu.memory_space<hbm>>
    %dma_start3A_15 = arith.constant 0 : i32
    %dma_start3A_16 = tpu.memref_slice %arg6[%dma_start3A_15] : memref<2048xf32, #tpu.memory_space<vmem>> -> memref<1024xf32, #tpu.memory_space<vmem>>
    %dma_start3A_17 = tpu.memref_slice %arg3[%add3A_12] : memref<2097152xf32, #tpu.memory_space<hbm>> -> memref<1024xf32, #tpu.memory_space<hbm>>
    tpu.enqueue_dma source(%dma_start3A_17 : memref<1024xf32, #tpu.memory_space<hbm>>) target(%dma_start3A_16 : memref<1024xf32, #tpu.memory_space<vmem>>) target_semaphore(%arg20 : memref<!tpu.dma_semaphore, #tpu.memory_space<semaphore_mem>>)
    %mul3A_18 = arith.constant 262144 : i32
    %mul3A_19 = arith.muli %add3A_1, %mul3A_18 : i32
    %add3A_20 = arith.constant 1048576 : i32
    %add3A_21 = arith.addi %add3A_20, %mul3A_19 : i32
    %add3A_22 = arith.addi %add3A_21, %mul3A_9 : i32
    %dma_start3A_23 = arith.constant 1024 : i32
    %dma_start3A_24 = tpu.memref_slice %arg6[%dma_start3A_23] : memref<2048xf32, #tpu.memory_space<vmem>> -> memref<1024xf32, #tpu.memory_space<vmem>>
    %dma_start3A_25 = tpu.memref_slice %arg3[%add3A_22] : memref<2097152xf32, #tpu.memory_space<hbm>> -> memref<1024xf32, #tpu.memory_space<hbm>>
    %dma_start3A_26 = arith.constant 1024 : i32
    %dma_start3A_27 = tpu.memref_slice %arg6[%dma_start3A_26] : memref<2048xf32, #tpu.memory_space<vmem>> -> memref<1024xf32, #tpu.memory_space<vmem>>
    %dma_start3A_28 = tpu.memref_slice %arg3[%add3A_22] : memref<2097152xf32, #tpu.memory_space<hbm>> -> memref<1024xf32, #tpu.memory_space<hbm>>
    tpu.enqueue_dma source(%dma_start3A_28 : memref<1024xf32, #tpu.memory_space<hbm>>) target(%dma_start3A_27 : memref<1024xf32, #tpu.memory_space<vmem>>) target_semaphore(%arg20 : memref<!tpu.dma_semaphore, #tpu.memory_space<semaphore_mem>>)
    %mul3A_29 = arith.constant 3 : i32
    %mul3A_30 = arith.muli %add3A_1, %mul3A_29 : i32
    %add3A_31 = arith.constant 0 : i32
    %add3A_32 = arith.addi %mul3A_30, %add3A_31 : i32
    %mul3A_33 = arith.constant 262144 : i32
    %mul3A_34 = arith.muli %add3A_32, %mul3A_33 : i32
    %add3A_35 = arith.addi %mul3A_34, %mul3A_9 : i32
    %dma_start3A_36 = arith.constant 0 : i32
    %dma_start3A_37 = tpu.memref_slice %arg8[%dma_start3A_36] : memref<3072xf32, #tpu.memory_space<vmem>> -> memref<1024xf32, #tpu.memory_space<vmem>>
    %dma_start3A_38 = tpu.memref_slice %arg2[%add3A_35] : memref<3145728xf32, #tpu.memory_space<hbm>> -> memref<1024xf32, #tpu.memory_space<hbm>>
    %dma_start3A_39 = arith.constant 0 : i32
    %dma_start3A_40 = tpu.memref_slice %arg8[%dma_start3A_39] : memref<3072xf32, #tpu.memory_space<vmem>> -> memref<1024xf32, #tpu.memory_space<vmem>>
    %dma_start3A_41 = tpu.memref_slice %arg2[%add3A_35] : memref<3145728xf32, #tpu.memory_space<hbm>> -> memref<1024xf32, #tpu.memory_space<hbm>>
    tpu.enqueue_dma source(%dma_start3A_41 : memref<1024xf32, #tpu.memory_space<hbm>>) target(%dma_start3A_40 : memref<1024xf32, #tpu.memory_space<vmem>>) target_semaphore(%arg20 : memref<!tpu.dma_semaphore, #tpu.memory_space<semaphore_mem>>)
    %mul3A_42 = arith.constant 3 : i32
    %mul3A_43 = arith.muli %add3A_1, %mul3A_42 : i32
    %add3A_44 = arith.constant 1 : i32
    %add3A_45 = arith.addi %mul3A_43, %add3A_44 : i32
    %mul3A_46 = arith.constant 262144 : i32
    %mul3A_47 = arith.muli %add3A_45, %mul3A_46 : i32
    %add3A_48 = arith.addi %mul3A_47, %mul3A_9 : i32
    %dma_start3A_49 = arith.constant 1024 : i32
    %dma_start3A_50 = tpu.memref_slice %arg8[%dma_start3A_49] : memref<3072xf32, #tpu.memory_space<vmem>> -> memref<1024xf32, #tpu.memory_space<vmem>>
    %dma_start3A_51 = tpu.memref_slice %arg2[%add3A_48] : memref<3145728xf32, #tpu.memory_space<hbm>> -> memref<1024xf32, #tpu.memory_space<hbm>>
    %dma_start3A_52 = arith.constant 1024 : i32
    %dma_start3A_53 = tpu.memref_slice %arg8[%dma_start3A_52] : memref<3072xf32, #tpu.memory_space<vmem>> -> memref<1024xf32, #tpu.memory_space<vmem>>
    %dma_start3A_54 = tpu.memref_slice %arg2[%add3A_48] : memref<3145728xf32, #tpu.memory_space<hbm>> -> memref<1024xf32, #tpu.memory_space<hbm>>
    tpu.enqueue_dma source(%dma_start3A_54 : memref<1024xf32, #tpu.memory_space<hbm>>) target(%dma_start3A_53 : memref<1024xf32, #tpu.memory_space<vmem>>) target_semaphore(%arg20 : memref<!tpu.dma_semaphore, #tpu.memory_space<semaphore_mem>>)
    %mul3A_55 = arith.constant 3 : i32
    %mul3A_56 = arith.muli %add3A_1, %mul3A_55 : i32
    %add3A_57 = arith.constant 2 : i32
    %add3A_58 = arith.addi %mul3A_56, %add3A_57 : i32
    %mul3A_59 = arith.constant 262144 : i32
    %mul3A_60 = arith.muli %add3A_58, %mul3A_59 : i32
    %add3A_61 = arith.addi %mul3A_60, %mul3A_9 : i32
    %dma_start3A_62 = arith.constant 2048 : i32
    %dma_start3A_63 = tpu.memref_slice %arg8[%dma_start3A_62] : memref<3072xf32, #tpu.memory_space<vmem>> -> memref<1024xf32, #tpu.memory_space<vmem>>
    %dma_start3A_64 = tpu.memref_slice %arg2[%add3A_61] : memref<3145728xf32, #tpu.memory_space<hbm>> -> memref<1024xf32, #tpu.memory_space<hbm>>
    %dma_start3A_65 = arith.constant 2048 : i32
    %dma_start3A_66 = tpu.memref_slice %arg8[%dma_start3A_65] : memref<3072xf32, #tpu.memory_space<vmem>> -> memref<1024xf32, #tpu.memory_space<vmem>>
    %dma_start3A_67 = tpu.memref_slice %arg2[%add3A_61] : memref<3145728xf32, #tpu.memory_space<hbm>> -> memref<1024xf32, #tpu.memory_space<hbm>>
    tpu.enqueue_dma source(%dma_start3A_67 : memref<1024xf32, #tpu.memory_space<hbm>>) target(%dma_start3A_66 : memref<1024xf32, #tpu.memory_space<vmem>>) target_semaphore(%arg20 : memref<!tpu.dma_semaphore, #tpu.memory_space<semaphore_mem>>)
    %mul3A_68 = arith.constant 49152 : i32
    %mul3A_69 = arith.muli %arg1, %mul3A_68 : i32
    %mul3A_70 = arith.constant 49152 : i32
    %mul3A_71 = arith.muli %arg1, %mul3A_70 : i32
    "tpu.region"() ({
      %run_scoped3A = tpu.sem_alloc : memref<!tpu.dma_semaphore, #tpu.memory_space<semaphore_mem>>
      %dma_start3A_228 = tpu.memref_slice %arg19[%mul3A_71] : memref<786432xf32, #tpu.memory_space<vmem_shared>> -> memref<49152xf32, #tpu.memory_space<vmem_shared>>
      %dma_start3A_229 = tpu.memref_slice %arg4[%mul3A_69] : memref<786432xf32, #tpu.memory_space<hbm>> -> memref<49152xf32, #tpu.memory_space<hbm>>
      tpu.enqueue_dma source(%dma_start3A_229 : memref<49152xf32, #tpu.memory_space<hbm>>) target(%dma_start3A_228 : memref<49152xf32, #tpu.memory_space<vmem_shared>>) target_semaphore(%run_scoped3A : memref<!tpu.dma_semaphore, #tpu.memory_space<semaphore_mem>>)
      %dma_wait3A_230 = tpu.memref_slice %arg19[%mul3A_71] : memref<786432xf32, #tpu.memory_space<vmem_shared>> -> memref<49152xf32, #tpu.memory_space<vmem_shared>>
      %dma_wait3A_231 = tpu.memref_slice %arg4[%mul3A_69] : memref<786432xf32, #tpu.memory_space<hbm>> -> memref<49152xf32, #tpu.memory_space<hbm>>
      tpu.wait_dma2 semaphore(%run_scoped3A : memref<!tpu.dma_semaphore, #tpu.memory_space<semaphore_mem>>) src(%dma_wait3A_231 : memref<49152xf32, #tpu.memory_space<hbm>>) dst(%dma_wait3A_230 : memref<49152xf32, #tpu.memory_space<vmem_shared>>)
      tpu.yield
    }) : () -> ()
    %barrier3A = arith.constant 0 : index
    tpu.barrier barrier_id(%barrier3A)
    %scan3A = arith.constant 0 : i32
    %scan3A_72 = arith.constant 0 : i32
    %scan3A_73 = arith.constant 8 : i32
    %scan3A_74 = arith.addi %scan3A_72, %scan3A_73 : i32
    %scan3A_75 = arith.constant 1 : i32
    %scan3A_76 = scf.for %scan3A_228 = %scan3A_72 to %scan3A_74 step %scan3A_75 iter_args(%scan3A_229 = %scan3A) -> (i32)  : i32 {
      %mul3A_230 = arith.constant 2 : i32
      %mul3A_231 = arith.muli %scan3A_228, %mul3A_230 : i32
      %add3A_232 = arith.constant 0 : i32
      %add3A_233 = arith.addi %mul3A_231, %add3A_232 : i32
      %dma_wait3A_234 = arith.constant 0 : i32
      %dma_wait3A_235 = tpu.memref_slice %arg3[%dma_wait3A_234] : memref<2097152xf32, #tpu.memory_space<hbm>> -> memref<2048xf32, #tpu.memory_space<hbm>>
      %dma_wait3A_236 = arith.constant 0 : i32
      %dma_wait3A_237 = tpu.memref_slice %arg3[%dma_wait3A_236] : memref<2097152xf32, #tpu.memory_space<hbm>> -> memref<2048xf32, #tpu.memory_space<hbm>>
      tpu.wait_dma2 semaphore(%arg20 : memref<!tpu.dma_semaphore, #tpu.memory_space<semaphore_mem>>) src(%dma_wait3A_237 : memref<2048xf32, #tpu.memory_space<hbm>>) dst(%arg6 : memref<2048xf32, #tpu.memory_space<vmem>>)
      %dma_wait3A_238 = arith.constant 0 : i32
      %dma_wait3A_239 = tpu.memref_slice %arg2[%dma_wait3A_238] : memref<3145728xf32, #tpu.memory_space<hbm>> -> memref<3072xf32, #tpu.memory_space<hbm>>
      %dma_wait3A_240 = arith.constant 0 : i32
      %dma_wait3A_241 = tpu.memref_slice %arg2[%dma_wait3A_240] : memref<3145728xf32, #tpu.memory_space<hbm>> -> memref<3072xf32, #tpu.memory_space<hbm>>
      tpu.wait_dma2 semaphore(%arg20 : memref<!tpu.dma_semaphore, #tpu.memory_space<semaphore_mem>>) src(%dma_wait3A_241 : memref<3072xf32, #tpu.memory_space<hbm>>) dst(%arg8 : memref<3072xf32, #tpu.memory_space<vmem>>)
      %lt3A = arith.constant 15 : i32
      %lt3A_242 = arith.cmpi slt, %add3A_233, %lt3A : i32
      %convert_element_type3A = arith.extui %lt3A_242 : i1 to i32
      %cond3A = arith.constant 0 : i32
      %cond3A_243 = arith.cmpi ne, %convert_element_type3A, %cond3A : i32
      scf.if %cond3A_243 {
        %add3A_309 = arith.constant 1 : i32
        %add3A_310 = arith.addi %add3A_233, %add3A_309 : i32
        %mul3A_311 = arith.constant 32 : i32
        %mul3A_312 = arith.muli %arg1, %mul3A_311 : i32
        %mul3A_313 = arith.constant 2 : i32
        %mul3A_314 = arith.muli %add3A_310, %mul3A_313 : i32
        %add3A_315 = arith.addi %mul3A_312, %mul3A_314 : i32
        %mul3A_316 = arith.constant 512 : i32
        %mul3A_317 = arith.muli %add3A_315, %mul3A_316 : i32
        %mul3A_318 = arith.constant 262144 : i32
        %mul3A_319 = arith.muli %add3A_1, %mul3A_318 : i32
        %add3A_320 = arith.addi %mul3A_319, %mul3A_317 : i32
        %dma_start3A_321 = arith.constant 0 : i32
        %dma_start3A_322 = tpu.memref_slice %arg7[%dma_start3A_321] : memref<2048xf32, #tpu.memory_space<vmem>> -> memref<1024xf32, #tpu.memory_space<vmem>>
        %dma_start3A_323 = tpu.memref_slice %arg3[%add3A_320] : memref<2097152xf32, #tpu.memory_space<hbm>> -> memref<1024xf32, #tpu.memory_space<hbm>>
        %dma_start3A_324 = arith.constant 0 : i32
        %dma_start3A_325 = tpu.memref_slice %arg7[%dma_start3A_324] : memref<2048xf32, #tpu.memory_space<vmem>> -> memref<1024xf32, #tpu.memory_space<vmem>>
        %dma_start3A_326 = tpu.memref_slice %arg3[%add3A_320] : memref<2097152xf32, #tpu.memory_space<hbm>> -> memref<1024xf32, #tpu.memory_space<hbm>>
        tpu.enqueue_dma source(%dma_start3A_326 : memref<1024xf32, #tpu.memory_space<hbm>>) target(%dma_start3A_325 : memref<1024xf32, #tpu.memory_space<vmem>>) target_semaphore(%arg21 : memref<!tpu.dma_semaphore, #tpu.memory_space<semaphore_mem>>)
        %mul3A_327 = arith.constant 262144 : i32
        %mul3A_328 = arith.muli %add3A_1, %mul3A_327 : i32
        %add3A_329 = arith.constant 1048576 : i32
        %add3A_330 = arith.addi %add3A_329, %mul3A_328 : i32
        %add3A_331 = arith.addi %add3A_330, %mul3A_317 : i32
        %dma_start3A_332 = arith.constant 1024 : i32
        %dma_start3A_333 = tpu.memref_slice %arg7[%dma_start3A_332] : memref<2048xf32, #tpu.memory_space<vmem>> -> memref<1024xf32, #tpu.memory_space<vmem>>
        %dma_start3A_334 = tpu.memref_slice %arg3[%add3A_331] : memref<2097152xf32, #tpu.memory_space<hbm>> -> memref<1024xf32, #tpu.memory_space<hbm>>
        %dma_start3A_335 = arith.constant 1024 : i32
        %dma_start3A_336 = tpu.memref_slice %arg7[%dma_start3A_335] : memref<2048xf32, #tpu.memory_space<vmem>> -> memref<1024xf32, #tpu.memory_space<vmem>>
        %dma_start3A_337 = tpu.memref_slice %arg3[%add3A_331] : memref<2097152xf32, #tpu.memory_space<hbm>> -> memref<1024xf32, #tpu.memory_space<hbm>>
        tpu.enqueue_dma source(%dma_start3A_337 : memref<1024xf32, #tpu.memory_space<hbm>>) target(%dma_start3A_336 : memref<1024xf32, #tpu.memory_space<vmem>>) target_semaphore(%arg21 : memref<!tpu.dma_semaphore, #tpu.memory_space<semaphore_mem>>)
        %mul3A_338 = arith.constant 3 : i32
        %mul3A_339 = arith.muli %add3A_1, %mul3A_338 : i32
        %add3A_340 = arith.constant 0 : i32
        %add3A_341 = arith.addi %mul3A_339, %add3A_340 : i32
        %mul3A_342 = arith.constant 262144 : i32
        %mul3A_343 = arith.muli %add3A_341, %mul3A_342 : i32
        %add3A_344 = arith.addi %mul3A_343, %mul3A_317 : i32
        %dma_start3A_345 = arith.constant 0 : i32
        %dma_start3A_346 = tpu.memref_slice %arg9[%dma_start3A_345] : memref<3072xf32, #tpu.memory_space<vmem>> -> memref<1024xf32, #tpu.memory_space<vmem>>
        %dma_start3A_347 = tpu.memref_slice %arg2[%add3A_344] : memref<3145728xf32, #tpu.memory_space<hbm>> -> memref<1024xf32, #tpu.memory_space<hbm>>
        %dma_start3A_348 = arith.constant 0 : i32
        %dma_start3A_349 = tpu.memref_slice %arg9[%dma_start3A_348] : memref<3072xf32, #tpu.memory_space<vmem>> -> memref<1024xf32, #tpu.memory_space<vmem>>
        %dma_start3A_350 = tpu.memref_slice %arg2[%add3A_344] : memref<3145728xf32, #tpu.memory_space<hbm>> -> memref<1024xf32, #tpu.memory_space<hbm>>
        tpu.enqueue_dma source(%dma_start3A_350 : memref<1024xf32, #tpu.memory_space<hbm>>) target(%dma_start3A_349 : memref<1024xf32, #tpu.memory_space<vmem>>) target_semaphore(%arg21 : memref<!tpu.dma_semaphore, #tpu.memory_space<semaphore_mem>>)
        %mul3A_351 = arith.constant 3 : i32
        %mul3A_352 = arith.muli %add3A_1, %mul3A_351 : i32
        %add3A_353 = arith.constant 1 : i32
        %add3A_354 = arith.addi %mul3A_352, %add3A_353 : i32
        %mul3A_355 = arith.constant 262144 : i32
        %mul3A_356 = arith.muli %add3A_354, %mul3A_355 : i32
        %add3A_357 = arith.addi %mul3A_356, %mul3A_317 : i32
        %dma_start3A_358 = arith.constant 1024 : i32
        %dma_start3A_359 = tpu.memref_slice %arg9[%dma_start3A_358] : memref<3072xf32, #tpu.memory_space<vmem>> -> memref<1024xf32, #tpu.memory_space<vmem>>
        %dma_start3A_360 = tpu.memref_slice %arg2[%add3A_357] : memref<3145728xf32, #tpu.memory_space<hbm>> -> memref<1024xf32, #tpu.memory_space<hbm>>
        %dma_start3A_361 = arith.constant 1024 : i32
        %dma_start3A_362 = tpu.memref_slice %arg9[%dma_start3A_361] : memref<3072xf32, #tpu.memory_space<vmem>> -> memref<1024xf32, #tpu.memory_space<vmem>>
        %dma_start3A_363 = tpu.memref_slice %arg2[%add3A_357] : memref<3145728xf32, #tpu.memory_space<hbm>> -> memref<1024xf32, #tpu.memory_space<hbm>>
        tpu.enqueue_dma source(%dma_start3A_363 : memref<1024xf32, #tpu.memory_space<hbm>>) target(%dma_start3A_362 : memref<1024xf32, #tpu.memory_space<vmem>>) target_semaphore(%arg21 : memref<!tpu.dma_semaphore, #tpu.memory_space<semaphore_mem>>)
        %mul3A_364 = arith.constant 3 : i32
        %mul3A_365 = arith.muli %add3A_1, %mul3A_364 : i32
        %add3A_366 = arith.constant 2 : i32
        %add3A_367 = arith.addi %mul3A_365, %add3A_366 : i32
        %mul3A_368 = arith.constant 262144 : i32
        %mul3A_369 = arith.muli %add3A_367, %mul3A_368 : i32
        %add3A_370 = arith.addi %mul3A_369, %mul3A_317 : i32
        %dma_start3A_371 = arith.constant 2048 : i32
        %dma_start3A_372 = tpu.memref_slice %arg9[%dma_start3A_371] : memref<3072xf32, #tpu.memory_space<vmem>> -> memref<1024xf32, #tpu.memory_space<vmem>>
        %dma_start3A_373 = tpu.memref_slice %arg2[%add3A_370] : memref<3145728xf32, #tpu.memory_space<hbm>> -> memref<1024xf32, #tpu.memory_space<hbm>>
        %dma_start3A_374 = arith.constant 2048 : i32
        %dma_start3A_375 = tpu.memref_slice %arg9[%dma_start3A_374] : memref<3072xf32, #tpu.memory_space<vmem>> -> memref<1024xf32, #tpu.memory_space<vmem>>
        %dma_start3A_376 = tpu.memref_slice %arg2[%add3A_370] : memref<3145728xf32, #tpu.memory_space<hbm>> -> memref<1024xf32, #tpu.memory_space<hbm>>
        tpu.enqueue_dma source(%dma_start3A_376 : memref<1024xf32, #tpu.memory_space<hbm>>) target(%dma_start3A_375 : memref<1024xf32, #tpu.memory_space<vmem>>) target_semaphore(%arg21 : memref<!tpu.dma_semaphore, #tpu.memory_space<semaphore_mem>>)
      } else {
      }
      %ge3A = arith.constant 1 : i32
      %ge3A_244 = arith.cmpi sge, %scan3A_228, %ge3A : i32
      %convert_element_type3A_245 = arith.extui %ge3A_244 : i1 to i32
      %cond3A_246 = arith.constant 0 : i32
      %cond3A_247 = arith.cmpi ne, %convert_element_type3A_245, %cond3A_246 : i32
      scf.if %cond3A_247 {
        %dma_wait3A_309 = arith.constant 0 : i32
        %dma_wait3A_310 = tpu.memref_slice %arg3[%dma_wait3A_309] : memref<2097152xf32, #tpu.memory_space<hbm>> -> memref<4096xf32, #tpu.memory_space<hbm>>
        %dma_wait3A_311 = arith.constant 0 : i32
        %dma_wait3A_312 = tpu.memref_slice %arg3[%dma_wait3A_311] : memref<2097152xf32, #tpu.memory_space<hbm>> -> memref<4096xf32, #tpu.memory_space<hbm>>
        tpu.wait_dma2 semaphore(%arg22 : memref<!tpu.dma_semaphore, #tpu.memory_space<semaphore_mem>>) src(%dma_wait3A_312 : memref<4096xf32, #tpu.memory_space<hbm>>) dst(%arg18 : memref<4096xf32, #tpu.memory_space<vmem>>)
        %dma_wait3A_313 = arith.constant 0 : i32
        %dma_wait3A_314 = tpu.memref_slice %arg3[%dma_wait3A_313] : memref<2097152xf32, #tpu.memory_space<hbm>> -> memref<4096xf32, #tpu.memory_space<hbm>>
        %dma_wait3A_315 = arith.constant 0 : i32
        %dma_wait3A_316 = tpu.memref_slice %arg3[%dma_wait3A_315] : memref<2097152xf32, #tpu.memory_space<hbm>> -> memref<4096xf32, #tpu.memory_space<hbm>>
        tpu.wait_dma2 semaphore(%arg22 : memref<!tpu.dma_semaphore, #tpu.memory_space<semaphore_mem>>) src(%dma_wait3A_316 : memref<4096xf32, #tpu.memory_space<hbm>>) dst(%arg18 : memref<4096xf32, #tpu.memory_space<vmem>>)
        %dma_wait3A_317 = arith.constant 0 : i32
        %dma_wait3A_318 = tpu.memref_slice %arg3[%dma_wait3A_317] : memref<2097152xf32, #tpu.memory_space<hbm>> -> memref<4096xf32, #tpu.memory_space<hbm>>
        %dma_wait3A_319 = arith.constant 0 : i32
        %dma_wait3A_320 = tpu.memref_slice %arg3[%dma_wait3A_319] : memref<2097152xf32, #tpu.memory_space<hbm>> -> memref<4096xf32, #tpu.memory_space<hbm>>
        tpu.wait_dma2 semaphore(%arg22 : memref<!tpu.dma_semaphore, #tpu.memory_space<semaphore_mem>>) src(%dma_wait3A_320 : memref<4096xf32, #tpu.memory_space<hbm>>) dst(%arg18 : memref<4096xf32, #tpu.memory_space<vmem>>)
      } else {
      }
      %scan3A_248 = arith.constant 0 : i32
      %scan3A_249 = arith.constant 0 : i32
      %scan3A_250 = arith.constant 64 : i32
      %scan3A_251 = arith.addi %scan3A_249, %scan3A_250 : i32
      %scan3A_252 = arith.constant 1 : i32
      %scan3A_253 = scf.for %scan3A_309 = %scan3A_249 to %scan3A_251 step %scan3A_252 iter_args(%scan3A_310 = %scan3A_248) -> (i32)  : i32 {
        %mul3A_311 = arith.constant 16 : i32
        %mul3A_312 = arith.muli %scan3A_309, %mul3A_311 : i32
        %get3A = arith.index_cast %mul3A_312 : i32 to index
        %get3A_313 = tpu.vector_load %arg6[%get3A] {strides = array<i32>} : memref<2048xf32, #tpu.memory_space<vmem>>, vector<16xf32>,
        %get3A_314 = vector.shape_cast %get3A_313 : vector<16xf32> to vector<16xf32>
        %add3A_315 = arith.constant 1024 : i32
        %add3A_316 = arith.addi %add3A_315, %mul3A_312 : i32
        %get3A_317 = arith.index_cast %add3A_316 : i32 to index
        %get3A_318 = tpu.vector_load %arg6[%get3A_317] {strides = array<i32>} : memref<2048xf32, #tpu.memory_space<vmem>>, vector<16xf32>,
        %get3A_319 = vector.shape_cast %get3A_318 : vector<16xf32> to vector<16xf32>
        %convert_element_type3A_320 = arith.fptosi %get3A_314 : vector<16xf32> to vector<16xi32>
        %convert_element_type3A_321 = arith.fptosi %get3A_319 : vector<16xf32> to vector<16xi32>
        %convert_element_type3A_322 = arith.sitofp %convert_element_type3A_320 : vector<16xi32> to vector<16xf32>
        %sub3A = arith.subf %get3A_314, %convert_element_type3A_322 : vector<16xf32>
        %convert_element_type3A_323 = arith.sitofp %convert_element_type3A_321 : vector<16xi32> to vector<16xf32>
        %sub3A_324 = arith.subf %get3A_319, %convert_element_type3A_323 : vector<16xf32>
        %sub3A_325 = arith.constant 1.000000e+00 : f32
        %sub3A_326 = vector.broadcast %sub3A_325 : f32 to vector<16xf32>
        %sub3A_327 = arith.subf %sub3A_326, %sub3A : vector<16xf32>
        %sub3A_328 = arith.constant 1.000000e+00 : f32
        %sub3A_329 = vector.broadcast %sub3A_328 : f32 to vector<16xf32>
        %sub3A_330 = arith.subf %sub3A_329, %sub3A_324 : vector<16xf32>
        %sub3A_331 = arith.constant 512 : i32
        %sub3A_332 = vector.broadcast %sub3A_331 : i32 to vector<16xi32>
        %sub3A_333 = arith.subi %convert_element_type3A_320, %sub3A_332 : vector<16xi32>
        %sub3A_334 = arith.constant 512 : i32
        %sub3A_335 = vector.broadcast %sub3A_334 : i32 to vector<16xi32>
        %sub3A_336 = arith.subi %convert_element_type3A_321, %sub3A_335 : vector<16xi32>
        %add3A_337 = arith.constant 1 : i32
        %add3A_338 = vector.broadcast %add3A_337 : i32 to vector<16xi32>
        %add3A_339 = arith.addi %sub3A_333, %add3A_338 : vector<16xi32>
        %add3A_340 = arith.constant 1 : i32
        %add3A_341 = vector.broadcast %add3A_340 : i32 to vector<16xi32>
        %add3A_342 = arith.addi %sub3A_336, %add3A_341 : vector<16xi32>
        %ge3A_343 = arith.constant 0 : i32
        %ge3A_344 = vector.broadcast %ge3A_343 : i32 to vector<16xi32>
        %ge3A_345 = arith.cmpi sge, %sub3A_333, %ge3A_344 : vector<16xi32>
        %lt3A_346 = arith.constant 512 : i32
        %lt3A_347 = vector.broadcast %lt3A_346 : i32 to vector<16xi32>
        %lt3A_348 = arith.cmpi slt, %sub3A_333, %lt3A_347 : vector<16xi32>
        %and3A = arith.andi %ge3A_345, %lt3A_348 : vector<16xi1>
        %jit3A = arith.constant 0.000000e+00 : f32
        %broadcast_in_dim3A = vector.broadcast %jit3A : f32 to vector<16xf32>
        %select_n3A = arith.select %and3A, %sub3A_327, %broadcast_in_dim3A : vector<16xi1>, vector<16xf32>
        %ge3A_349 = arith.constant 0 : i32
        %ge3A_350 = vector.broadcast %ge3A_349 : i32 to vector<16xi32>
        %ge3A_351 = arith.cmpi sge, %add3A_339, %ge3A_350 : vector<16xi32>
        %lt3A_352 = arith.constant 512 : i32
        %lt3A_353 = vector.broadcast %lt3A_352 : i32 to vector<16xi32>
        %lt3A_354 = arith.cmpi slt, %add3A_339, %lt3A_353 : vector<16xi32>
        %and3A_355 = arith.andi %ge3A_351, %lt3A_354 : vector<16xi1>
        %jit3A_356 = arith.constant 0.000000e+00 : f32
        %broadcast_in_dim3A_357 = vector.broadcast %jit3A_356 : f32 to vector<16xf32>
        %select_n3A_358 = arith.select %and3A_355, %sub3A, %broadcast_in_dim3A_357 : vector<16xi1>, vector<16xf32>
        %ge3A_359 = arith.constant 0 : i32
        %ge3A_360 = vector.broadcast %ge3A_359 : i32 to vector<16xi32>
        %ge3A_361 = arith.cmpi sge, %sub3A_336, %ge3A_360 : vector<16xi32>
        %lt3A_362 = arith.constant 512 : i32
        %lt3A_363 = vector.broadcast %lt3A_362 : i32 to vector<16xi32>
        %lt3A_364 = arith.cmpi slt, %sub3A_336, %lt3A_363 : vector<16xi32>
        %and3A_365 = arith.andi %ge3A_361, %lt3A_364 : vector<16xi1>
        %jit3A_366 = arith.constant 0.000000e+00 : f32
        %broadcast_in_dim3A_367 = vector.broadcast %jit3A_366 : f32 to vector<16xf32>
        %select_n3A_368 = arith.select %and3A_365, %sub3A_330, %broadcast_in_dim3A_367 : vector<16xi1>, vector<16xf32>
        %ge3A_369 = arith.constant 0 : i32
        %ge3A_370 = vector.broadcast %ge3A_369 : i32 to vector<16xi32>
        %ge3A_371 = arith.cmpi sge, %add3A_342, %ge3A_370 : vector<16xi32>
        %lt3A_372 = arith.constant 512 : i32
        %lt3A_373 = vector.broadcast %lt3A_372 : i32 to vector<16xi32>
        %lt3A_374 = arith.cmpi slt, %add3A_342, %lt3A_373 : vector<16xi32>
        %and3A_375 = arith.andi %ge3A_371, %lt3A_374 : vector<16xi1>
        %jit3A_376 = arith.constant 0.000000e+00 : f32
        %broadcast_in_dim3A_377 = vector.broadcast %jit3A_376 : f32 to vector<16xf32>
        %select_n3A_378 = arith.select %and3A_375, %sub3A_324, %broadcast_in_dim3A_377 : vector<16xi1>, vector<16xf32>
        %jit3A_379 = arith.constant 0 : i32
        %jit3A_380 = arith.constant 511 : i32
        %max3A = vector.broadcast %jit3A_379 : i32 to vector<16xi32>
        %max3A_381 = arith.maxsi %max3A, %sub3A_333 : vector<16xi32>
        %min3A = vector.broadcast %jit3A_380 : i32 to vector<16xi32>
        %min3A_382 = arith.minsi %min3A, %max3A_381 : vector<16xi32>
        %jit3A_383 = arith.constant 0 : i32
        %jit3A_384 = arith.constant 511 : i32
        %max3A_385 = vector.broadcast %jit3A_383 : i32 to vector<16xi32>
        %max3A_386 = arith.maxsi %max3A_385, %add3A_339 : vector<16xi32>
        %min3A_387 = vector.broadcast %jit3A_384 : i32 to vector<16xi32>
        %min3A_388 = arith.minsi %min3A_387, %max3A_386 : vector<16xi32>
        %jit3A_389 = arith.constant 0 : i32
        %jit3A_390 = arith.constant 511 : i32
        %max3A_391 = vector.broadcast %jit3A_389 : i32 to vector<16xi32>
        %max3A_392 = arith.maxsi %max3A_391, %sub3A_336 : vector<16xi32>
        %min3A_393 = vector.broadcast %jit3A_390 : i32 to vector<16xi32>
        %min3A_394 = arith.minsi %min3A_393, %max3A_392 : vector<16xi32>
        %shift_left3A = arith.constant 9 : i32
        %shift_left3A_395 = vector.broadcast %shift_left3A : i32 to vector<16xi32>
        %shift_left3A_396 = arith.shli %min3A_394, %shift_left3A_395 : vector<16xi32>
        %jit3A_397 = arith.constant 0 : i32
        %jit3A_398 = arith.constant 511 : i32
        %max3A_399 = vector.broadcast %jit3A_397 : i32 to vector<16xi32>
        %max3A_400 = arith.maxsi %max3A_399, %add3A_342 : vector<16xi32>
        %min3A_401 = vector.broadcast %jit3A_398 : i32 to vector<16xi32>
        %min3A_402 = arith.minsi %min3A_401, %max3A_400 : vector<16xi32>
        %shift_left3A_403 = arith.constant 9 : i32
        %shift_left3A_404 = vector.broadcast %shift_left3A_403 : i32 to vector<16xi32>
        %shift_left3A_405 = arith.shli %min3A_402, %shift_left3A_404 : vector<16xi32>
        %get3A_406 = arith.index_cast %mul3A_312 : i32 to index
        %get3A_407 = tpu.vector_load %arg8[%get3A_406] {strides = array<i32>} : memref<3072xf32, #tpu.memory_space<vmem>>, vector<16xf32>,
        %get3A_408 = vector.shape_cast %get3A_407 : vector<16xf32> to vector<16xf32>
        %add3A_409 = arith.constant 1024 : i32
        %add3A_410 = arith.addi %add3A_409, %mul3A_312 : i32
        %get3A_411 = arith.index_cast %add3A_410 : i32 to index
        %get3A_412 = tpu.vector_load %arg8[%get3A_411] {strides = array<i32>} : memref<3072xf32, #tpu.memory_space<vmem>>, vector<16xf32>,
        %get3A_413 = vector.shape_cast %get3A_412 : vector<16xf32> to vector<16xf32>
        %add3A_414 = arith.constant 2048 : i32
        %add3A_415 = arith.addi %add3A_414, %mul3A_312 : i32
        %get3A_416 = arith.index_cast %add3A_415 : i32 to index
        %get3A_417 = tpu.vector_load %arg8[%get3A_416] {strides = array<i32>} : memref<3072xf32, #tpu.memory_space<vmem>>, vector<16xf32>,
        %get3A_418 = vector.shape_cast %get3A_417 : vector<16xf32> to vector<16xf32>
        %add3A_419 = arith.addi %shift_left3A_396, %min3A_382 : vector<16xi32>
        %mul3A_420 = arith.mulf %select_n3A, %select_n3A_368 : vector<16xf32>
        %add3A_421 = arith.addi %shift_left3A_396, %min3A_388 : vector<16xi32>
        %mul3A_422 = arith.mulf %select_n3A_358, %select_n3A_368 : vector<16xf32>
        %add3A_423 = arith.addi %shift_left3A_405, %min3A_382 : vector<16xi32>
        %mul3A_424 = arith.mulf %select_n3A, %select_n3A_378 : vector<16xf32>
        %add3A_425 = arith.addi %shift_left3A_405, %min3A_388 : vector<16xi32>
        %mul3A_426 = arith.mulf %select_n3A_358, %select_n3A_378 : vector<16xf32>
        %add3A_427 = arith.constant 0 : i32
        %add3A_428 = arith.addi %add3A_427, %mul3A_312 : i32
        %swap3A = arith.index_cast %add3A_428 : i32 to index
        %swap3A_429 = tpu.vector_load %arg10[%swap3A] {strides = array<i32>} : memref<4096xi32, #tpu.memory_space<vmem>>, vector<16xi32>,
        %swap3A_430 = vector.shape_cast %swap3A_429 : vector<16xi32> to vector<16xi32>
        %swap3A_431 = vector.shape_cast %add3A_419 : vector<16xi32> to vector<16xi32>
        tpu.vector_store %arg10[%swap3A], %swap3A_431 {strides = array<i32>} : memref<4096xi32, #tpu.memory_space<vmem>>, vector<16xi32>,
        %mul3A_432 = arith.mulf %get3A_408, %mul3A_420 : vector<16xf32>
        %add3A_433 = arith.constant 0 : i32
        %add3A_434 = arith.addi %add3A_433, %mul3A_312 : i32
        %swap3A_435 = arith.index_cast %add3A_434 : i32 to index
        %swap3A_436 = tpu.vector_load %arg12[%swap3A_435] {strides = array<i32>} : memref<4096xf32, #tpu.memory_space<vmem>>, vector<16xf32>,
        %swap3A_437 = vector.shape_cast %swap3A_436 : vector<16xf32> to vector<16xf32>
        %swap3A_438 = vector.shape_cast %mul3A_432 : vector<16xf32> to vector<16xf32>
        tpu.vector_store %arg12[%swap3A_435], %swap3A_438 {strides = array<i32>} : memref<4096xf32, #tpu.memory_space<vmem>>, vector<16xf32>,
        %mul3A_439 = arith.mulf %get3A_413, %mul3A_420 : vector<16xf32>
        %add3A_440 = arith.constant 0 : i32
        %add3A_441 = arith.addi %add3A_440, %mul3A_312 : i32
        %swap3A_442 = arith.index_cast %add3A_441 : i32 to index
        %swap3A_443 = tpu.vector_load %arg14[%swap3A_442] {strides = array<i32>} : memref<4096xf32, #tpu.memory_space<vmem>>, vector<16xf32>,
        %swap3A_444 = vector.shape_cast %swap3A_443 : vector<16xf32> to vector<16xf32>
        %swap3A_445 = vector.shape_cast %mul3A_439 : vector<16xf32> to vector<16xf32>
        tpu.vector_store %arg14[%swap3A_442], %swap3A_445 {strides = array<i32>} : memref<4096xf32, #tpu.memory_space<vmem>>, vector<16xf32>,
        %mul3A_446 = arith.mulf %get3A_418, %mul3A_420 : vector<16xf32>
        %add3A_447 = arith.constant 0 : i32
        %add3A_448 = arith.addi %add3A_447, %mul3A_312 : i32
        %swap3A_449 = arith.index_cast %add3A_448 : i32 to index
        %swap3A_450 = tpu.vector_load %arg16[%swap3A_449] {strides = array<i32>} : memref<4096xf32, #tpu.memory_space<vmem>>, vector<16xf32>,
        %swap3A_451 = vector.shape_cast %swap3A_450 : vector<16xf32> to vector<16xf32>
        %swap3A_452 = vector.shape_cast %mul3A_446 : vector<16xf32> to vector<16xf32>
        tpu.vector_store %arg16[%swap3A_449], %swap3A_452 {strides = array<i32>} : memref<4096xf32, #tpu.memory_space<vmem>>, vector<16xf32>,
        %add3A_453 = arith.constant 1024 : i32
        %add3A_454 = arith.addi %add3A_453, %mul3A_312 : i32
        %swap3A_455 = arith.index_cast %add3A_454 : i32 to index
        %swap3A_456 = tpu.vector_load %arg10[%swap3A_455] {strides = array<i32>} : memref<4096xi32, #tpu.memory_space<vmem>>, vector<16xi32>,
        %swap3A_457 = vector.shape_cast %swap3A_456 : vector<16xi32> to vector<16xi32>
        %swap3A_458 = vector.shape_cast %add3A_421 : vector<16xi32> to vector<16xi32>
        tpu.vector_store %arg10[%swap3A_455], %swap3A_458 {strides = array<i32>} : memref<4096xi32, #tpu.memory_space<vmem>>, vector<16xi32>,
        %mul3A_459 = arith.mulf %get3A_408, %mul3A_422 : vector<16xf32>
        %add3A_460 = arith.constant 1024 : i32
        %add3A_461 = arith.addi %add3A_460, %mul3A_312 : i32
        %swap3A_462 = arith.index_cast %add3A_461 : i32 to index
        %swap3A_463 = tpu.vector_load %arg12[%swap3A_462] {strides = array<i32>} : memref<4096xf32, #tpu.memory_space<vmem>>, vector<16xf32>,
        %swap3A_464 = vector.shape_cast %swap3A_463 : vector<16xf32> to vector<16xf32>
        %swap3A_465 = vector.shape_cast %mul3A_459 : vector<16xf32> to vector<16xf32>
        tpu.vector_store %arg12[%swap3A_462], %swap3A_465 {strides = array<i32>} : memref<4096xf32, #tpu.memory_space<vmem>>, vector<16xf32>,
        %mul3A_466 = arith.mulf %get3A_413, %mul3A_422 : vector<16xf32>
        %add3A_467 = arith.constant 1024 : i32
        %add3A_468 = arith.addi %add3A_467, %mul3A_312 : i32
        %swap3A_469 = arith.index_cast %add3A_468 : i32 to index
        %swap3A_470 = tpu.vector_load %arg14[%swap3A_469] {strides = array<i32>} : memref<4096xf32, #tpu.memory_space<vmem>>, vector<16xf32>,
        %swap3A_471 = vector.shape_cast %swap3A_470 : vector<16xf32> to vector<16xf32>
        %swap3A_472 = vector.shape_cast %mul3A_466 : vector<16xf32> to vector<16xf32>
        tpu.vector_store %arg14[%swap3A_469], %swap3A_472 {strides = array<i32>} : memref<4096xf32, #tpu.memory_space<vmem>>, vector<16xf32>,
        %mul3A_473 = arith.mulf %get3A_418, %mul3A_422 : vector<16xf32>
        %add3A_474 = arith.constant 1024 : i32
        %add3A_475 = arith.addi %add3A_474, %mul3A_312 : i32
        %swap3A_476 = arith.index_cast %add3A_475 : i32 to index
        %swap3A_477 = tpu.vector_load %arg16[%swap3A_476] {strides = array<i32>} : memref<4096xf32, #tpu.memory_space<vmem>>, vector<16xf32>,
        %swap3A_478 = vector.shape_cast %swap3A_477 : vector<16xf32> to vector<16xf32>
        %swap3A_479 = vector.shape_cast %mul3A_473 : vector<16xf32> to vector<16xf32>
        tpu.vector_store %arg16[%swap3A_476], %swap3A_479 {strides = array<i32>} : memref<4096xf32, #tpu.memory_space<vmem>>, vector<16xf32>,
        %add3A_480 = arith.constant 2048 : i32
        %add3A_481 = arith.addi %add3A_480, %mul3A_312 : i32
        %swap3A_482 = arith.index_cast %add3A_481 : i32 to index
        %swap3A_483 = tpu.vector_load %arg10[%swap3A_482] {strides = array<i32>} : memref<4096xi32, #tpu.memory_space<vmem>>, vector<16xi32>,
        %swap3A_484 = vector.shape_cast %swap3A_483 : vector<16xi32> to vector<16xi32>
        %swap3A_485 = vector.shape_cast %add3A_423 : vector<16xi32> to vector<16xi32>
        tpu.vector_store %arg10[%swap3A_482], %swap3A_485 {strides = array<i32>} : memref<4096xi32, #tpu.memory_space<vmem>>, vector<16xi32>,
        %mul3A_486 = arith.mulf %get3A_408, %mul3A_424 : vector<16xf32>
        %add3A_487 = arith.constant 2048 : i32
        %add3A_488 = arith.addi %add3A_487, %mul3A_312 : i32
        %swap3A_489 = arith.index_cast %add3A_488 : i32 to index
        %swap3A_490 = tpu.vector_load %arg12[%swap3A_489] {strides = array<i32>} : memref<4096xf32, #tpu.memory_space<vmem>>, vector<16xf32>,
        %swap3A_491 = vector.shape_cast %swap3A_490 : vector<16xf32> to vector<16xf32>
        %swap3A_492 = vector.shape_cast %mul3A_486 : vector<16xf32> to vector<16xf32>
        tpu.vector_store %arg12[%swap3A_489], %swap3A_492 {strides = array<i32>} : memref<4096xf32, #tpu.memory_space<vmem>>, vector<16xf32>,
        %mul3A_493 = arith.mulf %get3A_413, %mul3A_424 : vector<16xf32>
        %add3A_494 = arith.constant 2048 : i32
        %add3A_495 = arith.addi %add3A_494, %mul3A_312 : i32
        %swap3A_496 = arith.index_cast %add3A_495 : i32 to index
        %swap3A_497 = tpu.vector_load %arg14[%swap3A_496] {strides = array<i32>} : memref<4096xf32, #tpu.memory_space<vmem>>, vector<16xf32>,
        %swap3A_498 = vector.shape_cast %swap3A_497 : vector<16xf32> to vector<16xf32>
        %swap3A_499 = vector.shape_cast %mul3A_493 : vector<16xf32> to vector<16xf32>
        tpu.vector_store %arg14[%swap3A_496], %swap3A_499 {strides = array<i32>} : memref<4096xf32, #tpu.memory_space<vmem>>, vector<16xf32>,
        %mul3A_500 = arith.mulf %get3A_418, %mul3A_424 : vector<16xf32>
        %add3A_501 = arith.constant 2048 : i32
        %add3A_502 = arith.addi %add3A_501, %mul3A_312 : i32
        %swap3A_503 = arith.index_cast %add3A_502 : i32 to index
        %swap3A_504 = tpu.vector_load %arg16[%swap3A_503] {strides = array<i32>} : memref<4096xf32, #tpu.memory_space<vmem>>, vector<16xf32>,
        %swap3A_505 = vector.shape_cast %swap3A_504 : vector<16xf32> to vector<16xf32>
        %swap3A_506 = vector.shape_cast %mul3A_500 : vector<16xf32> to vector<16xf32>
        tpu.vector_store %arg16[%swap3A_503], %swap3A_506 {strides = array<i32>} : memref<4096xf32, #tpu.memory_space<vmem>>, vector<16xf32>,
        %add3A_507 = arith.constant 3072 : i32
        %add3A_508 = arith.addi %add3A_507, %mul3A_312 : i32
        %swap3A_509 = arith.index_cast %add3A_508 : i32 to index
        %swap3A_510 = tpu.vector_load %arg10[%swap3A_509] {strides = array<i32>} : memref<4096xi32, #tpu.memory_space<vmem>>, vector<16xi32>,
        %swap3A_511 = vector.shape_cast %swap3A_510 : vector<16xi32> to vector<16xi32>
        %swap3A_512 = vector.shape_cast %add3A_425 : vector<16xi32> to vector<16xi32>
        tpu.vector_store %arg10[%swap3A_509], %swap3A_512 {strides = array<i32>} : memref<4096xi32, #tpu.memory_space<vmem>>, vector<16xi32>,
        %mul3A_513 = arith.mulf %get3A_408, %mul3A_426 : vector<16xf32>
        %add3A_514 = arith.constant 3072 : i32
        %add3A_515 = arith.addi %add3A_514, %mul3A_312 : i32
        %swap3A_516 = arith.index_cast %add3A_515 : i32 to index
        %swap3A_517 = tpu.vector_load %arg12[%swap3A_516] {strides = array<i32>} : memref<4096xf32, #tpu.memory_space<vmem>>, vector<16xf32>,
        %swap3A_518 = vector.shape_cast %swap3A_517 : vector<16xf32> to vector<16xf32>
        %swap3A_519 = vector.shape_cast %mul3A_513 : vector<16xf32> to vector<16xf32>
        tpu.vector_store %arg12[%swap3A_516], %swap3A_519 {strides = array<i32>} : memref<4096xf32, #tpu.memory_space<vmem>>, vector<16xf32>,
        %mul3A_520 = arith.mulf %get3A_413, %mul3A_426 : vector<16xf32>
        %add3A_521 = arith.constant 3072 : i32
        %add3A_522 = arith.addi %add3A_521, %mul3A_312 : i32
        %swap3A_523 = arith.index_cast %add3A_522 : i32 to index
        %swap3A_524 = tpu.vector_load %arg14[%swap3A_523] {strides = array<i32>} : memref<4096xf32, #tpu.memory_space<vmem>>, vector<16xf32>,
        %swap3A_525 = vector.shape_cast %swap3A_524 : vector<16xf32> to vector<16xf32>
        %swap3A_526 = vector.shape_cast %mul3A_520 : vector<16xf32> to vector<16xf32>
        tpu.vector_store %arg14[%swap3A_523], %swap3A_526 {strides = array<i32>} : memref<4096xf32, #tpu.memory_space<vmem>>, vector<16xf32>,
        %mul3A_527 = arith.mulf %get3A_418, %mul3A_426 : vector<16xf32>
        %add3A_528 = arith.constant 3072 : i32
        %add3A_529 = arith.addi %add3A_528, %mul3A_312 : i32
        %swap3A_530 = arith.index_cast %add3A_529 : i32 to index
        %swap3A_531 = tpu.vector_load %arg16[%swap3A_530] {strides = array<i32>} : memref<4096xf32, #tpu.memory_space<vmem>>, vector<16xf32>,
        %swap3A_532 = vector.shape_cast %swap3A_531 : vector<16xf32> to vector<16xf32>
        %swap3A_533 = vector.shape_cast %mul3A_527 : vector<16xf32> to vector<16xf32>
        tpu.vector_store %arg16[%swap3A_530], %swap3A_533 {strides = array<i32>} : memref<4096xf32, #tpu.memory_space<vmem>>, vector<16xf32>,
        %scan3A_534 = arith.constant 0 : i32
        scf.yield %scan3A_534 : i32
      }
      %scan3A_254 = arith.constant 64 : i32
      %dma_start3A_255 = arith.constant 0 : i32
      %dma_start3A_256 = tpu.memref_slice %arg19[%dma_start3A_255] : memref<786432xf32, #tpu.memory_space<vmem_shared>> -> memref<262144xf32, #tpu.memory_space<vmem_shared>>
      %dma_start3A_257 = arith.constant 0 : i32
      %dma_start3A_258 = tpu.memref_slice %dma_start3A_256[%dma_start3A_257] : memref<262144xf32, #tpu.memory_space<vmem_shared>> -> memref<262144xf32, #tpu.memory_space<vmem_shared>>
      tpu.enqueue_indirect_dma source(%arg12 : memref<4096xf32, #tpu.memory_space<vmem>>) target(%dma_start3A_258 : memref<262144xf32, #tpu.memory_space<vmem_shared>>) offsets(%arg10 : memref<4096xi32, #tpu.memory_space<vmem>>) semaphore(%arg22 : memref<!tpu.dma_semaphore, #tpu.memory_space<semaphore_mem>>) {add = true}
      %dma_start3A_259 = arith.constant 262144 : i32
      %dma_start3A_260 = tpu.memref_slice %arg19[%dma_start3A_259] : memref<786432xf32, #tpu.memory_space<vmem_shared>> -> memref<262144xf32, #tpu.memory_space<vmem_shared>>
      %dma_start3A_261 = arith.constant 0 : i32
      %dma_start3A_262 = tpu.memref_slice %dma_start3A_260[%dma_start3A_261] : memref<262144xf32, #tpu.memory_space<vmem_shared>> -> memref<262144xf32, #tpu.memory_space<vmem_shared>>
      tpu.enqueue_indirect_dma source(%arg14 : memref<4096xf32, #tpu.memory_space<vmem>>) target(%dma_start3A_262 : memref<262144xf32, #tpu.memory_space<vmem_shared>>) offsets(%arg10 : memref<4096xi32, #tpu.memory_space<vmem>>) semaphore(%arg22 : memref<!tpu.dma_semaphore, #tpu.memory_space<semaphore_mem>>) {add = true}
      %dma_start3A_263 = arith.constant 524288 : i32
      %dma_start3A_264 = tpu.memref_slice %arg19[%dma_start3A_263] : memref<786432xf32, #tpu.memory_space<vmem_shared>> -> memref<262144xf32, #tpu.memory_space<vmem_shared>>
      %dma_start3A_265 = arith.constant 0 : i32
      %dma_start3A_266 = tpu.memref_slice %dma_start3A_264[%dma_start3A_265] : memref<262144xf32, #tpu.memory_space<vmem_shared>> -> memref<262144xf32, #tpu.memory_space<vmem_shared>>
      tpu.enqueue_indirect_dma source(%arg16 : memref<4096xf32, #tpu.memory_space<vmem>>) target(%dma_start3A_266 : memref<262144xf32, #tpu.memory_space<vmem_shared>>) offsets(%arg10 : memref<4096xi32, #tpu.memory_space<vmem>>) semaphore(%arg22 : memref<!tpu.dma_semaphore, #tpu.memory_space<semaphore_mem>>) {add = true}
      %mul3A_267 = arith.constant 2 : i32
      %mul3A_268 = arith.muli %scan3A_228, %mul3A_267 : i32
      %add3A_269 = arith.constant 1 : i32
      %add3A_270 = arith.addi %mul3A_268, %add3A_269 : i32
      %dma_wait3A_271 = arith.constant 0 : i32
      %dma_wait3A_272 = tpu.memref_slice %arg3[%dma_wait3A_271] : memref<2097152xf32, #tpu.memory_space<hbm>> -> memref<2048xf32, #tpu.memory_space<hbm>>
      %dma_wait3A_273 = arith.constant 0 : i32
      %dma_wait3A_274 = tpu.memref_slice %arg3[%dma_wait3A_273] : memref<2097152xf32, #tpu.memory_space<hbm>> -> memref<2048xf32, #tpu.memory_space<hbm>>
      tpu.wait_dma2 semaphore(%arg21 : memref<!tpu.dma_semaphore, #tpu.memory_space<semaphore_mem>>) src(%dma_wait3A_274 : memref<2048xf32, #tpu.memory_space<hbm>>) dst(%arg7 : memref<2048xf32, #tpu.memory_space<vmem>>)
      %dma_wait3A_275 = arith.constant 0 : i32
      %dma_wait3A_276 = tpu.memref_slice %arg2[%dma_wait3A_275] : memref<3145728xf32, #tpu.memory_space<hbm>> -> memref<3072xf32, #tpu.memory_space<hbm>>
      %dma_wait3A_277 = arith.constant 0 : i32
      %dma_wait3A_278 = tpu.memref_slice %arg2[%dma_wait3A_277] : memref<3145728xf32, #tpu.memory_space<hbm>> -> memref<3072xf32, #tpu.memory_space<hbm>>
      tpu.wait_dma2 semaphore(%arg21 : memref<!tpu.dma_semaphore, #tpu.memory_space<semaphore_mem>>) src(%dma_wait3A_278 : memref<3072xf32, #tpu.memory_space<hbm>>) dst(%arg9 : memref<3072xf32, #tpu.memory_space<vmem>>)
      %lt3A_279 = arith.constant 15 : i32
      %lt3A_280 = arith.cmpi slt, %add3A_270, %lt3A_279 : i32
      %convert_element_type3A_281 = arith.extui %lt3A_280 : i1 to i32
      %cond3A_282 = arith.constant 0 : i32
      %cond3A_283 = arith.cmpi ne, %convert_element_type3A_281, %cond3A_282 : i32
      scf.if %cond3A_283 {
        %add3A_309 = arith.constant 1 : i32
        %add3A_310 = arith.addi %add3A_270, %add3A_309 : i32
        %mul3A_311 = arith.constant 32 : i32
        %mul3A_312 = arith.muli %arg1, %mul3A_311 : i32
        %mul3A_313 = arith.constant 2 : i32
        %mul3A_314 = arith.muli %add3A_310, %mul3A_313 : i32
        %add3A_315 = arith.addi %mul3A_312, %mul3A_314 : i32
        %mul3A_316 = arith.constant 512 : i32
        %mul3A_317 = arith.muli %add3A_315, %mul3A_316 : i32
        %mul3A_318 = arith.constant 262144 : i32
        %mul3A_319 = arith.muli %add3A_1, %mul3A_318 : i32
        %add3A_320 = arith.addi %mul3A_319, %mul3A_317 : i32
        %dma_start3A_321 = arith.constant 0 : i32
        %dma_start3A_322 = tpu.memref_slice %arg6[%dma_start3A_321] : memref<2048xf32, #tpu.memory_space<vmem>> -> memref<1024xf32, #tpu.memory_space<vmem>>
        %dma_start3A_323 = tpu.memref_slice %arg3[%add3A_320] : memref<2097152xf32, #tpu.memory_space<hbm>> -> memref<1024xf32, #tpu.memory_space<hbm>>
        %dma_start3A_324 = arith.constant 0 : i32
        %dma_start3A_325 = tpu.memref_slice %arg6[%dma_start3A_324] : memref<2048xf32, #tpu.memory_space<vmem>> -> memref<1024xf32, #tpu.memory_space<vmem>>
        %dma_start3A_326 = tpu.memref_slice %arg3[%add3A_320] : memref<2097152xf32, #tpu.memory_space<hbm>> -> memref<1024xf32, #tpu.memory_space<hbm>>
        tpu.enqueue_dma source(%dma_start3A_326 : memref<1024xf32, #tpu.memory_space<hbm>>) target(%dma_start3A_325 : memref<1024xf32, #tpu.memory_space<vmem>>) target_semaphore(%arg20 : memref<!tpu.dma_semaphore, #tpu.memory_space<semaphore_mem>>)
        %mul3A_327 = arith.constant 262144 : i32
        %mul3A_328 = arith.muli %add3A_1, %mul3A_327 : i32
        %add3A_329 = arith.constant 1048576 : i32
        %add3A_330 = arith.addi %add3A_329, %mul3A_328 : i32
        %add3A_331 = arith.addi %add3A_330, %mul3A_317 : i32
        %dma_start3A_332 = arith.constant 1024 : i32
        %dma_start3A_333 = tpu.memref_slice %arg6[%dma_start3A_332] : memref<2048xf32, #tpu.memory_space<vmem>> -> memref<1024xf32, #tpu.memory_space<vmem>>
        %dma_start3A_334 = tpu.memref_slice %arg3[%add3A_331] : memref<2097152xf32, #tpu.memory_space<hbm>> -> memref<1024xf32, #tpu.memory_space<hbm>>
        %dma_start3A_335 = arith.constant 1024 : i32
        %dma_start3A_336 = tpu.memref_slice %arg6[%dma_start3A_335] : memref<2048xf32, #tpu.memory_space<vmem>> -> memref<1024xf32, #tpu.memory_space<vmem>>
        %dma_start3A_337 = tpu.memref_slice %arg3[%add3A_331] : memref<2097152xf32, #tpu.memory_space<hbm>> -> memref<1024xf32, #tpu.memory_space<hbm>>
        tpu.enqueue_dma source(%dma_start3A_337 : memref<1024xf32, #tpu.memory_space<hbm>>) target(%dma_start3A_336 : memref<1024xf32, #tpu.memory_space<vmem>>) target_semaphore(%arg20 : memref<!tpu.dma_semaphore, #tpu.memory_space<semaphore_mem>>)
        %mul3A_338 = arith.constant 3 : i32
        %mul3A_339 = arith.muli %add3A_1, %mul3A_338 : i32
        %add3A_340 = arith.constant 0 : i32
        %add3A_341 = arith.addi %mul3A_339, %add3A_340 : i32
        %mul3A_342 = arith.constant 262144 : i32
        %mul3A_343 = arith.muli %add3A_341, %mul3A_342 : i32
        %add3A_344 = arith.addi %mul3A_343, %mul3A_317 : i32
        %dma_start3A_345 = arith.constant 0 : i32
        %dma_start3A_346 = tpu.memref_slice %arg8[%dma_start3A_345] : memref<3072xf32, #tpu.memory_space<vmem>> -> memref<1024xf32, #tpu.memory_space<vmem>>
        %dma_start3A_347 = tpu.memref_slice %arg2[%add3A_344] : memref<3145728xf32, #tpu.memory_space<hbm>> -> memref<1024xf32, #tpu.memory_space<hbm>>
        %dma_start3A_348 = arith.constant 0 : i32
        %dma_start3A_349 = tpu.memref_slice %arg8[%dma_start3A_348] : memref<3072xf32, #tpu.memory_space<vmem>> -> memref<1024xf32, #tpu.memory_space<vmem>>
        %dma_start3A_350 = tpu.memref_slice %arg2[%add3A_344] : memref<3145728xf32, #tpu.memory_space<hbm>> -> memref<1024xf32, #tpu.memory_space<hbm>>
        tpu.enqueue_dma source(%dma_start3A_350 : memref<1024xf32, #tpu.memory_space<hbm>>) target(%dma_start3A_349 : memref<1024xf32, #tpu.memory_space<vmem>>) target_semaphore(%arg20 : memref<!tpu.dma_semaphore, #tpu.memory_space<semaphore_mem>>)
        %mul3A_351 = arith.constant 3 : i32
        %mul3A_352 = arith.muli %add3A_1, %mul3A_351 : i32
        %add3A_353 = arith.constant 1 : i32
        %add3A_354 = arith.addi %mul3A_352, %add3A_353 : i32
        %mul3A_355 = arith.constant 262144 : i32
        %mul3A_356 = arith.muli %add3A_354, %mul3A_355 : i32
        %add3A_357 = arith.addi %mul3A_356, %mul3A_317 : i32
        %dma_start3A_358 = arith.constant 1024 : i32
        %dma_start3A_359 = tpu.memref_slice %arg8[%dma_start3A_358] : memref<3072xf32, #tpu.memory_space<vmem>> -> memref<1024xf32, #tpu.memory_space<vmem>>
        %dma_start3A_360 = tpu.memref_slice %arg2[%add3A_357] : memref<3145728xf32, #tpu.memory_space<hbm>> -> memref<1024xf32, #tpu.memory_space<hbm>>
        %dma_start3A_361 = arith.constant 1024 : i32
        %dma_start3A_362 = tpu.memref_slice %arg8[%dma_start3A_361] : memref<3072xf32, #tpu.memory_space<vmem>> -> memref<1024xf32, #tpu.memory_space<vmem>>
        %dma_start3A_363 = tpu.memref_slice %arg2[%add3A_357] : memref<3145728xf32, #tpu.memory_space<hbm>> -> memref<1024xf32, #tpu.memory_space<hbm>>
        tpu.enqueue_dma source(%dma_start3A_363 : memref<1024xf32, #tpu.memory_space<hbm>>) target(%dma_start3A_362 : memref<1024xf32, #tpu.memory_space<vmem>>) target_semaphore(%arg20 : memref<!tpu.dma_semaphore, #tpu.memory_space<semaphore_mem>>)
        %mul3A_364 = arith.constant 3 : i32
        %mul3A_365 = arith.muli %add3A_1, %mul3A_364 : i32
        %add3A_366 = arith.constant 2 : i32
        %add3A_367 = arith.addi %mul3A_365, %add3A_366 : i32
        %mul3A_368 = arith.constant 262144 : i32
        %mul3A_369 = arith.muli %add3A_367, %mul3A_368 : i32
        %add3A_370 = arith.addi %mul3A_369, %mul3A_317 : i32
        %dma_start3A_371 = arith.constant 2048 : i32
        %dma_start3A_372 = tpu.memref_slice %arg8[%dma_start3A_371] : memref<3072xf32, #tpu.memory_space<vmem>> -> memref<1024xf32, #tpu.memory_space<vmem>>
        %dma_start3A_373 = tpu.memref_slice %arg2[%add3A_370] : memref<3145728xf32, #tpu.memory_space<hbm>> -> memref<1024xf32, #tpu.memory_space<hbm>>
        %dma_start3A_374 = arith.constant 2048 : i32
        %dma_start3A_375 = tpu.memref_slice %arg8[%dma_start3A_374] : memref<3072xf32, #tpu.memory_space<vmem>> -> memref<1024xf32, #tpu.memory_space<vmem>>
        %dma_start3A_376 = tpu.memref_slice %arg2[%add3A_370] : memref<3145728xf32, #tpu.memory_space<hbm>> -> memref<1024xf32, #tpu.memory_space<hbm>>
        tpu.enqueue_dma source(%dma_start3A_376 : memref<1024xf32, #tpu.memory_space<hbm>>) target(%dma_start3A_375 : memref<1024xf32, #tpu.memory_space<vmem>>) target_semaphore(%arg20 : memref<!tpu.dma_semaphore, #tpu.memory_space<semaphore_mem>>)
      } else {
      }
      %ge3A_284 = arith.constant 1 : i32
      %ge3A_285 = arith.cmpi sge, %scan3A_228, %ge3A_284 : i32
      %convert_element_type3A_286 = arith.extui %ge3A_285 : i1 to i32
      %cond3A_287 = arith.constant 0 : i32
      %cond3A_288 = arith.cmpi ne, %convert_element_type3A_286, %cond3A_287 : i32
      scf.if %cond3A_288 {
        %dma_wait3A_309 = arith.constant 0 : i32
        %dma_wait3A_310 = tpu.memref_slice %arg3[%dma_wait3A_309] : memref<2097152xf32, #tpu.memory_space<hbm>> -> memref<4096xf32, #tpu.memory_space<hbm>>
        %dma_wait3A_311 = arith.constant 0 : i32
        %dma_wait3A_312 = tpu.memref_slice %arg3[%dma_wait3A_311] : memref<2097152xf32, #tpu.memory_space<hbm>> -> memref<4096xf32, #tpu.memory_space<hbm>>
        tpu.wait_dma2 semaphore(%arg23 : memref<!tpu.dma_semaphore, #tpu.memory_space<semaphore_mem>>) src(%dma_wait3A_312 : memref<4096xf32, #tpu.memory_space<hbm>>) dst(%arg18 : memref<4096xf32, #tpu.memory_space<vmem>>)
        %dma_wait3A_313 = arith.constant 0 : i32
        %dma_wait3A_314 = tpu.memref_slice %arg3[%dma_wait3A_313] : memref<2097152xf32, #tpu.memory_space<hbm>> -> memref<4096xf32, #tpu.memory_space<hbm>>
        %dma_wait3A_315 = arith.constant 0 : i32
        %dma_wait3A_316 = tpu.memref_slice %arg3[%dma_wait3A_315] : memref<2097152xf32, #tpu.memory_space<hbm>> -> memref<4096xf32, #tpu.memory_space<hbm>>
        tpu.wait_dma2 semaphore(%arg23 : memref<!tpu.dma_semaphore, #tpu.memory_space<semaphore_mem>>) src(%dma_wait3A_316 : memref<4096xf32, #tpu.memory_space<hbm>>) dst(%arg18 : memref<4096xf32, #tpu.memory_space<vmem>>)
        %dma_wait3A_317 = arith.constant 0 : i32
        %dma_wait3A_318 = tpu.memref_slice %arg3[%dma_wait3A_317] : memref<2097152xf32, #tpu.memory_space<hbm>> -> memref<4096xf32, #tpu.memory_space<hbm>>
        %dma_wait3A_319 = arith.constant 0 : i32
        %dma_wait3A_320 = tpu.memref_slice %arg3[%dma_wait3A_319] : memref<2097152xf32, #tpu.memory_space<hbm>> -> memref<4096xf32, #tpu.memory_space<hbm>>
        tpu.wait_dma2 semaphore(%arg23 : memref<!tpu.dma_semaphore, #tpu.memory_space<semaphore_mem>>) src(%dma_wait3A_320 : memref<4096xf32, #tpu.memory_space<hbm>>) dst(%arg18 : memref<4096xf32, #tpu.memory_space<vmem>>)
      } else {
      }
      %scan3A_289 = arith.constant 0 : i32
      %scan3A_290 = arith.constant 0 : i32
      %scan3A_291 = arith.constant 64 : i32
      %scan3A_292 = arith.addi %scan3A_290, %scan3A_291 : i32
      %scan3A_293 = arith.constant 1 : i32
      %scan3A_294 = scf.for %scan3A_309 = %scan3A_290 to %scan3A_292 step %scan3A_293 iter_args(%scan3A_310 = %scan3A_289) -> (i32)  : i32 {
        %mul3A_311 = arith.constant 16 : i32
        %mul3A_312 = arith.muli %scan3A_309, %mul3A_311 : i32
        %get3A = arith.index_cast %mul3A_312 : i32 to index
        %get3A_313 = tpu.vector_load %arg7[%get3A] {strides = array<i32>} : memref<2048xf32, #tpu.memory_space<vmem>>, vector<16xf32>,
        %get3A_314 = vector.shape_cast %get3A_313 : vector<16xf32> to vector<16xf32>
        %add3A_315 = arith.constant 1024 : i32
        %add3A_316 = arith.addi %add3A_315, %mul3A_312 : i32
        %get3A_317 = arith.index_cast %add3A_316 : i32 to index
        %get3A_318 = tpu.vector_load %arg7[%get3A_317] {strides = array<i32>} : memref<2048xf32, #tpu.memory_space<vmem>>, vector<16xf32>,
        %get3A_319 = vector.shape_cast %get3A_318 : vector<16xf32> to vector<16xf32>
        %convert_element_type3A_320 = arith.fptosi %get3A_314 : vector<16xf32> to vector<16xi32>
        %convert_element_type3A_321 = arith.fptosi %get3A_319 : vector<16xf32> to vector<16xi32>
        %convert_element_type3A_322 = arith.sitofp %convert_element_type3A_320 : vector<16xi32> to vector<16xf32>
        %sub3A = arith.subf %get3A_314, %convert_element_type3A_322 : vector<16xf32>
        %convert_element_type3A_323 = arith.sitofp %convert_element_type3A_321 : vector<16xi32> to vector<16xf32>
        %sub3A_324 = arith.subf %get3A_319, %convert_element_type3A_323 : vector<16xf32>
        %sub3A_325 = arith.constant 1.000000e+00 : f32
        %sub3A_326 = vector.broadcast %sub3A_325 : f32 to vector<16xf32>
        %sub3A_327 = arith.subf %sub3A_326, %sub3A : vector<16xf32>
        %sub3A_328 = arith.constant 1.000000e+00 : f32
        %sub3A_329 = vector.broadcast %sub3A_328 : f32 to vector<16xf32>
        %sub3A_330 = arith.subf %sub3A_329, %sub3A_324 : vector<16xf32>
        %sub3A_331 = arith.constant 512 : i32
        %sub3A_332 = vector.broadcast %sub3A_331 : i32 to vector<16xi32>
        %sub3A_333 = arith.subi %convert_element_type3A_320, %sub3A_332 : vector<16xi32>
        %sub3A_334 = arith.constant 512 : i32
        %sub3A_335 = vector.broadcast %sub3A_334 : i32 to vector<16xi32>
        %sub3A_336 = arith.subi %convert_element_type3A_321, %sub3A_335 : vector<16xi32>
        %add3A_337 = arith.constant 1 : i32
        %add3A_338 = vector.broadcast %add3A_337 : i32 to vector<16xi32>
        %add3A_339 = arith.addi %sub3A_333, %add3A_338 : vector<16xi32>
        %add3A_340 = arith.constant 1 : i32
        %add3A_341 = vector.broadcast %add3A_340 : i32 to vector<16xi32>
        %add3A_342 = arith.addi %sub3A_336, %add3A_341 : vector<16xi32>
        %ge3A_343 = arith.constant 0 : i32
        %ge3A_344 = vector.broadcast %ge3A_343 : i32 to vector<16xi32>
        %ge3A_345 = arith.cmpi sge, %sub3A_333, %ge3A_344 : vector<16xi32>
        %lt3A_346 = arith.constant 512 : i32
        %lt3A_347 = vector.broadcast %lt3A_346 : i32 to vector<16xi32>
        %lt3A_348 = arith.cmpi slt, %sub3A_333, %lt3A_347 : vector<16xi32>
        %and3A = arith.andi %ge3A_345, %lt3A_348 : vector<16xi1>
        %jit3A = arith.constant 0.000000e+00 : f32
        %broadcast_in_dim3A = vector.broadcast %jit3A : f32 to vector<16xf32>
        %select_n3A = arith.select %and3A, %sub3A_327, %broadcast_in_dim3A : vector<16xi1>, vector<16xf32>
        %ge3A_349 = arith.constant 0 : i32
        %ge3A_350 = vector.broadcast %ge3A_349 : i32 to vector<16xi32>
        %ge3A_351 = arith.cmpi sge, %add3A_339, %ge3A_350 : vector<16xi32>
        %lt3A_352 = arith.constant 512 : i32
        %lt3A_353 = vector.broadcast %lt3A_352 : i32 to vector<16xi32>
        %lt3A_354 = arith.cmpi slt, %add3A_339, %lt3A_353 : vector<16xi32>
        %and3A_355 = arith.andi %ge3A_351, %lt3A_354 : vector<16xi1>
        %jit3A_356 = arith.constant 0.000000e+00 : f32
        %broadcast_in_dim3A_357 = vector.broadcast %jit3A_356 : f32 to vector<16xf32>
        %select_n3A_358 = arith.select %and3A_355, %sub3A, %broadcast_in_dim3A_357 : vector<16xi1>, vector<16xf32>
        %ge3A_359 = arith.constant 0 : i32
        %ge3A_360 = vector.broadcast %ge3A_359 : i32 to vector<16xi32>
        %ge3A_361 = arith.cmpi sge, %sub3A_336, %ge3A_360 : vector<16xi32>
        %lt3A_362 = arith.constant 512 : i32
        %lt3A_363 = vector.broadcast %lt3A_362 : i32 to vector<16xi32>
        %lt3A_364 = arith.cmpi slt, %sub3A_336, %lt3A_363 : vector<16xi32>
        %and3A_365 = arith.andi %ge3A_361, %lt3A_364 : vector<16xi1>
        %jit3A_366 = arith.constant 0.000000e+00 : f32
        %broadcast_in_dim3A_367 = vector.broadcast %jit3A_366 : f32 to vector<16xf32>
        %select_n3A_368 = arith.select %and3A_365, %sub3A_330, %broadcast_in_dim3A_367 : vector<16xi1>, vector<16xf32>
        %ge3A_369 = arith.constant 0 : i32
        %ge3A_370 = vector.broadcast %ge3A_369 : i32 to vector<16xi32>
        %ge3A_371 = arith.cmpi sge, %add3A_342, %ge3A_370 : vector<16xi32>
        %lt3A_372 = arith.constant 512 : i32
        %lt3A_373 = vector.broadcast %lt3A_372 : i32 to vector<16xi32>
        %lt3A_374 = arith.cmpi slt, %add3A_342, %lt3A_373 : vector<16xi32>
        %and3A_375 = arith.andi %ge3A_371, %lt3A_374 : vector<16xi1>
        %jit3A_376 = arith.constant 0.000000e+00 : f32
        %broadcast_in_dim3A_377 = vector.broadcast %jit3A_376 : f32 to vector<16xf32>
        %select_n3A_378 = arith.select %and3A_375, %sub3A_324, %broadcast_in_dim3A_377 : vector<16xi1>, vector<16xf32>
        %jit3A_379 = arith.constant 0 : i32
        %jit3A_380 = arith.constant 511 : i32
        %max3A = vector.broadcast %jit3A_379 : i32 to vector<16xi32>
        %max3A_381 = arith.maxsi %max3A, %sub3A_333 : vector<16xi32>
        %min3A = vector.broadcast %jit3A_380 : i32 to vector<16xi32>
        %min3A_382 = arith.minsi %min3A, %max3A_381 : vector<16xi32>
        %jit3A_383 = arith.constant 0 : i32
        %jit3A_384 = arith.constant 511 : i32
        %max3A_385 = vector.broadcast %jit3A_383 : i32 to vector<16xi32>
        %max3A_386 = arith.maxsi %max3A_385, %add3A_339 : vector<16xi32>
        %min3A_387 = vector.broadcast %jit3A_384 : i32 to vector<16xi32>
        %min3A_388 = arith.minsi %min3A_387, %max3A_386 : vector<16xi32>
        %jit3A_389 = arith.constant 0 : i32
        %jit3A_390 = arith.constant 511 : i32
        %max3A_391 = vector.broadcast %jit3A_389 : i32 to vector<16xi32>
        %max3A_392 = arith.maxsi %max3A_391, %sub3A_336 : vector<16xi32>
        %min3A_393 = vector.broadcast %jit3A_390 : i32 to vector<16xi32>
        %min3A_394 = arith.minsi %min3A_393, %max3A_392 : vector<16xi32>
        %shift_left3A = arith.constant 9 : i32
        %shift_left3A_395 = vector.broadcast %shift_left3A : i32 to vector<16xi32>
        %shift_left3A_396 = arith.shli %min3A_394, %shift_left3A_395 : vector<16xi32>
        %jit3A_397 = arith.constant 0 : i32
        %jit3A_398 = arith.constant 511 : i32
        %max3A_399 = vector.broadcast %jit3A_397 : i32 to vector<16xi32>
        %max3A_400 = arith.maxsi %max3A_399, %add3A_342 : vector<16xi32>
        %min3A_401 = vector.broadcast %jit3A_398 : i32 to vector<16xi32>
        %min3A_402 = arith.minsi %min3A_401, %max3A_400 : vector<16xi32>
        %shift_left3A_403 = arith.constant 9 : i32
        %shift_left3A_404 = vector.broadcast %shift_left3A_403 : i32 to vector<16xi32>
        %shift_left3A_405 = arith.shli %min3A_402, %shift_left3A_404 : vector<16xi32>
        %get3A_406 = arith.index_cast %mul3A_312 : i32 to index
        %get3A_407 = tpu.vector_load %arg9[%get3A_406] {strides = array<i32>} : memref<3072xf32, #tpu.memory_space<vmem>>, vector<16xf32>,
        %get3A_408 = vector.shape_cast %get3A_407 : vector<16xf32> to vector<16xf32>
        %add3A_409 = arith.constant 1024 : i32
        %add3A_410 = arith.addi %add3A_409, %mul3A_312 : i32
        %get3A_411 = arith.index_cast %add3A_410 : i32 to index
        %get3A_412 = tpu.vector_load %arg9[%get3A_411] {strides = array<i32>} : memref<3072xf32, #tpu.memory_space<vmem>>, vector<16xf32>,
        %get3A_413 = vector.shape_cast %get3A_412 : vector<16xf32> to vector<16xf32>
        %add3A_414 = arith.constant 2048 : i32
        %add3A_415 = arith.addi %add3A_414, %mul3A_312 : i32
        %get3A_416 = arith.index_cast %add3A_415 : i32 to index
        %get3A_417 = tpu.vector_load %arg9[%get3A_416] {strides = array<i32>} : memref<3072xf32, #tpu.memory_space<vmem>>, vector<16xf32>,
        %get3A_418 = vector.shape_cast %get3A_417 : vector<16xf32> to vector<16xf32>
        %add3A_419 = arith.addi %shift_left3A_396, %min3A_382 : vector<16xi32>
        %mul3A_420 = arith.mulf %select_n3A, %select_n3A_368 : vector<16xf32>
        %add3A_421 = arith.addi %shift_left3A_396, %min3A_388 : vector<16xi32>
        %mul3A_422 = arith.mulf %select_n3A_358, %select_n3A_368 : vector<16xf32>
        %add3A_423 = arith.addi %shift_left3A_405, %min3A_382 : vector<16xi32>
        %mul3A_424 = arith.mulf %select_n3A, %select_n3A_378 : vector<16xf32>
        %add3A_425 = arith.addi %shift_left3A_405, %min3A_388 : vector<16xi32>
        %mul3A_426 = arith.mulf %select_n3A_358, %select_n3A_378 : vector<16xf32>
        %add3A_427 = arith.constant 0 : i32
        %add3A_428 = arith.addi %add3A_427, %mul3A_312 : i32
        %swap3A = arith.index_cast %add3A_428 : i32 to index
        %swap3A_429 = tpu.vector_load %arg11[%swap3A] {strides = array<i32>} : memref<4096xi32, #tpu.memory_space<vmem>>, vector<16xi32>,
        %swap3A_430 = vector.shape_cast %swap3A_429 : vector<16xi32> to vector<16xi32>
        %swap3A_431 = vector.shape_cast %add3A_419 : vector<16xi32> to vector<16xi32>
        tpu.vector_store %arg11[%swap3A], %swap3A_431 {strides = array<i32>} : memref<4096xi32, #tpu.memory_space<vmem>>, vector<16xi32>,
        %mul3A_432 = arith.mulf %get3A_408, %mul3A_420 : vector<16xf32>
        %add3A_433 = arith.constant 0 : i32
        %add3A_434 = arith.addi %add3A_433, %mul3A_312 : i32
        %swap3A_435 = arith.index_cast %add3A_434 : i32 to index
        %swap3A_436 = tpu.vector_load %arg13[%swap3A_435] {strides = array<i32>} : memref<4096xf32, #tpu.memory_space<vmem>>, vector<16xf32>,
        %swap3A_437 = vector.shape_cast %swap3A_436 : vector<16xf32> to vector<16xf32>
        %swap3A_438 = vector.shape_cast %mul3A_432 : vector<16xf32> to vector<16xf32>
        tpu.vector_store %arg13[%swap3A_435], %swap3A_438 {strides = array<i32>} : memref<4096xf32, #tpu.memory_space<vmem>>, vector<16xf32>,
        %mul3A_439 = arith.mulf %get3A_413, %mul3A_420 : vector<16xf32>
        %add3A_440 = arith.constant 0 : i32
        %add3A_441 = arith.addi %add3A_440, %mul3A_312 : i32
        %swap3A_442 = arith.index_cast %add3A_441 : i32 to index
        %swap3A_443 = tpu.vector_load %arg15[%swap3A_442] {strides = array<i32>} : memref<4096xf32, #tpu.memory_space<vmem>>, vector<16xf32>,
        %swap3A_444 = vector.shape_cast %swap3A_443 : vector<16xf32> to vector<16xf32>
        %swap3A_445 = vector.shape_cast %mul3A_439 : vector<16xf32> to vector<16xf32>
        tpu.vector_store %arg15[%swap3A_442], %swap3A_445 {strides = array<i32>} : memref<4096xf32, #tpu.memory_space<vmem>>, vector<16xf32>,
        %mul3A_446 = arith.mulf %get3A_418, %mul3A_420 : vector<16xf32>
        %add3A_447 = arith.constant 0 : i32
        %add3A_448 = arith.addi %add3A_447, %mul3A_312 : i32
        %swap3A_449 = arith.index_cast %add3A_448 : i32 to index
        %swap3A_450 = tpu.vector_load %arg17[%swap3A_449] {strides = array<i32>} : memref<4096xf32, #tpu.memory_space<vmem>>, vector<16xf32>,
        %swap3A_451 = vector.shape_cast %swap3A_450 : vector<16xf32> to vector<16xf32>
        %swap3A_452 = vector.shape_cast %mul3A_446 : vector<16xf32> to vector<16xf32>
        tpu.vector_store %arg17[%swap3A_449], %swap3A_452 {strides = array<i32>} : memref<4096xf32, #tpu.memory_space<vmem>>, vector<16xf32>,
        %add3A_453 = arith.constant 1024 : i32
        %add3A_454 = arith.addi %add3A_453, %mul3A_312 : i32
        %swap3A_455 = arith.index_cast %add3A_454 : i32 to index
        %swap3A_456 = tpu.vector_load %arg11[%swap3A_455] {strides = array<i32>} : memref<4096xi32, #tpu.memory_space<vmem>>, vector<16xi32>,
        %swap3A_457 = vector.shape_cast %swap3A_456 : vector<16xi32> to vector<16xi32>
        %swap3A_458 = vector.shape_cast %add3A_421 : vector<16xi32> to vector<16xi32>
        tpu.vector_store %arg11[%swap3A_455], %swap3A_458 {strides = array<i32>} : memref<4096xi32, #tpu.memory_space<vmem>>, vector<16xi32>,
        %mul3A_459 = arith.mulf %get3A_408, %mul3A_422 : vector<16xf32>
        %add3A_460 = arith.constant 1024 : i32
        %add3A_461 = arith.addi %add3A_460, %mul3A_312 : i32
        %swap3A_462 = arith.index_cast %add3A_461 : i32 to index
        %swap3A_463 = tpu.vector_load %arg13[%swap3A_462] {strides = array<i32>} : memref<4096xf32, #tpu.memory_space<vmem>>, vector<16xf32>,
        %swap3A_464 = vector.shape_cast %swap3A_463 : vector<16xf32> to vector<16xf32>
        %swap3A_465 = vector.shape_cast %mul3A_459 : vector<16xf32> to vector<16xf32>
        tpu.vector_store %arg13[%swap3A_462], %swap3A_465 {strides = array<i32>} : memref<4096xf32, #tpu.memory_space<vmem>>, vector<16xf32>,
        %mul3A_466 = arith.mulf %get3A_413, %mul3A_422 : vector<16xf32>
        %add3A_467 = arith.constant 1024 : i32
        %add3A_468 = arith.addi %add3A_467, %mul3A_312 : i32
        %swap3A_469 = arith.index_cast %add3A_468 : i32 to index
        %swap3A_470 = tpu.vector_load %arg15[%swap3A_469] {strides = array<i32>} : memref<4096xf32, #tpu.memory_space<vmem>>, vector<16xf32>,
        %swap3A_471 = vector.shape_cast %swap3A_470 : vector<16xf32> to vector<16xf32>
        %swap3A_472 = vector.shape_cast %mul3A_466 : vector<16xf32> to vector<16xf32>
        tpu.vector_store %arg15[%swap3A_469], %swap3A_472 {strides = array<i32>} : memref<4096xf32, #tpu.memory_space<vmem>>, vector<16xf32>,
        %mul3A_473 = arith.mulf %get3A_418, %mul3A_422 : vector<16xf32>
        %add3A_474 = arith.constant 1024 : i32
        %add3A_475 = arith.addi %add3A_474, %mul3A_312 : i32
        %swap3A_476 = arith.index_cast %add3A_475 : i32 to index
        %swap3A_477 = tpu.vector_load %arg17[%swap3A_476] {strides = array<i32>} : memref<4096xf32, #tpu.memory_space<vmem>>, vector<16xf32>,
        %swap3A_478 = vector.shape_cast %swap3A_477 : vector<16xf32> to vector<16xf32>
        %swap3A_479 = vector.shape_cast %mul3A_473 : vector<16xf32> to vector<16xf32>
        tpu.vector_store %arg17[%swap3A_476], %swap3A_479 {strides = array<i32>} : memref<4096xf32, #tpu.memory_space<vmem>>, vector<16xf32>,
        %add3A_480 = arith.constant 2048 : i32
        %add3A_481 = arith.addi %add3A_480, %mul3A_312 : i32
        %swap3A_482 = arith.index_cast %add3A_481 : i32 to index
        %swap3A_483 = tpu.vector_load %arg11[%swap3A_482] {strides = array<i32>} : memref<4096xi32, #tpu.memory_space<vmem>>, vector<16xi32>,
        %swap3A_484 = vector.shape_cast %swap3A_483 : vector<16xi32> to vector<16xi32>
        %swap3A_485 = vector.shape_cast %add3A_423 : vector<16xi32> to vector<16xi32>
        tpu.vector_store %arg11[%swap3A_482], %swap3A_485 {strides = array<i32>} : memref<4096xi32, #tpu.memory_space<vmem>>, vector<16xi32>,
        %mul3A_486 = arith.mulf %get3A_408, %mul3A_424 : vector<16xf32>
        %add3A_487 = arith.constant 2048 : i32
        %add3A_488 = arith.addi %add3A_487, %mul3A_312 : i32
        %swap3A_489 = arith.index_cast %add3A_488 : i32 to index
        %swap3A_490 = tpu.vector_load %arg13[%swap3A_489] {strides = array<i32>} : memref<4096xf32, #tpu.memory_space<vmem>>, vector<16xf32>,
        %swap3A_491 = vector.shape_cast %swap3A_490 : vector<16xf32> to vector<16xf32>
        %swap3A_492 = vector.shape_cast %mul3A_486 : vector<16xf32> to vector<16xf32>
        tpu.vector_store %arg13[%swap3A_489], %swap3A_492 {strides = array<i32>} : memref<4096xf32, #tpu.memory_space<vmem>>, vector<16xf32>,
        %mul3A_493 = arith.mulf %get3A_413, %mul3A_424 : vector<16xf32>
        %add3A_494 = arith.constant 2048 : i32
        %add3A_495 = arith.addi %add3A_494, %mul3A_312 : i32
        %swap3A_496 = arith.index_cast %add3A_495 : i32 to index
        %swap3A_497 = tpu.vector_load %arg15[%swap3A_496] {strides = array<i32>} : memref<4096xf32, #tpu.memory_space<vmem>>, vector<16xf32>,
        %swap3A_498 = vector.shape_cast %swap3A_497 : vector<16xf32> to vector<16xf32>
        %swap3A_499 = vector.shape_cast %mul3A_493 : vector<16xf32> to vector<16xf32>
        tpu.vector_store %arg15[%swap3A_496], %swap3A_499 {strides = array<i32>} : memref<4096xf32, #tpu.memory_space<vmem>>, vector<16xf32>,
        %mul3A_500 = arith.mulf %get3A_418, %mul3A_424 : vector<16xf32>
        %add3A_501 = arith.constant 2048 : i32
        %add3A_502 = arith.addi %add3A_501, %mul3A_312 : i32
        %swap3A_503 = arith.index_cast %add3A_502 : i32 to index
        %swap3A_504 = tpu.vector_load %arg17[%swap3A_503] {strides = array<i32>} : memref<4096xf32, #tpu.memory_space<vmem>>, vector<16xf32>,
        %swap3A_505 = vector.shape_cast %swap3A_504 : vector<16xf32> to vector<16xf32>
        %swap3A_506 = vector.shape_cast %mul3A_500 : vector<16xf32> to vector<16xf32>
        tpu.vector_store %arg17[%swap3A_503], %swap3A_506 {strides = array<i32>} : memref<4096xf32, #tpu.memory_space<vmem>>, vector<16xf32>,
        %add3A_507 = arith.constant 3072 : i32
        %add3A_508 = arith.addi %add3A_507, %mul3A_312 : i32
        %swap3A_509 = arith.index_cast %add3A_508 : i32 to index
        %swap3A_510 = tpu.vector_load %arg11[%swap3A_509] {strides = array<i32>} : memref<4096xi32, #tpu.memory_space<vmem>>, vector<16xi32>,
        %swap3A_511 = vector.shape_cast %swap3A_510 : vector<16xi32> to vector<16xi32>
        %swap3A_512 = vector.shape_cast %add3A_425 : vector<16xi32> to vector<16xi32>
        tpu.vector_store %arg11[%swap3A_509], %swap3A_512 {strides = array<i32>} : memref<4096xi32, #tpu.memory_space<vmem>>, vector<16xi32>,
        %mul3A_513 = arith.mulf %get3A_408, %mul3A_426 : vector<16xf32>
        %add3A_514 = arith.constant 3072 : i32
        %add3A_515 = arith.addi %add3A_514, %mul3A_312 : i32
        %swap3A_516 = arith.index_cast %add3A_515 : i32 to index
        %swap3A_517 = tpu.vector_load %arg13[%swap3A_516] {strides = array<i32>} : memref<4096xf32, #tpu.memory_space<vmem>>, vector<16xf32>,
        %swap3A_518 = vector.shape_cast %swap3A_517 : vector<16xf32> to vector<16xf32>
        %swap3A_519 = vector.shape_cast %mul3A_513 : vector<16xf32> to vector<16xf32>
        tpu.vector_store %arg13[%swap3A_516], %swap3A_519 {strides = array<i32>} : memref<4096xf32, #tpu.memory_space<vmem>>, vector<16xf32>,
        %mul3A_520 = arith.mulf %get3A_413, %mul3A_426 : vector<16xf32>
        %add3A_521 = arith.constant 3072 : i32
        %add3A_522 = arith.addi %add3A_521, %mul3A_312 : i32
        %swap3A_523 = arith.index_cast %add3A_522 : i32 to index
        %swap3A_524 = tpu.vector_load %arg15[%swap3A_523] {strides = array<i32>} : memref<4096xf32, #tpu.memory_space<vmem>>, vector<16xf32>,
        %swap3A_525 = vector.shape_cast %swap3A_524 : vector<16xf32> to vector<16xf32>
        %swap3A_526 = vector.shape_cast %mul3A_520 : vector<16xf32> to vector<16xf32>
        tpu.vector_store %arg15[%swap3A_523], %swap3A_526 {strides = array<i32>} : memref<4096xf32, #tpu.memory_space<vmem>>, vector<16xf32>,
        %mul3A_527 = arith.mulf %get3A_418, %mul3A_426 : vector<16xf32>
        %add3A_528 = arith.constant 3072 : i32
        %add3A_529 = arith.addi %add3A_528, %mul3A_312 : i32
        %swap3A_530 = arith.index_cast %add3A_529 : i32 to index
        %swap3A_531 = tpu.vector_load %arg17[%swap3A_530] {strides = array<i32>} : memref<4096xf32, #tpu.memory_space<vmem>>, vector<16xf32>,
        %swap3A_532 = vector.shape_cast %swap3A_531 : vector<16xf32> to vector<16xf32>
        %swap3A_533 = vector.shape_cast %mul3A_527 : vector<16xf32> to vector<16xf32>
        tpu.vector_store %arg17[%swap3A_530], %swap3A_533 {strides = array<i32>} : memref<4096xf32, #tpu.memory_space<vmem>>, vector<16xf32>,
        %scan3A_534 = arith.constant 0 : i32
        scf.yield %scan3A_534 : i32
      }
      %scan3A_295 = arith.constant 64 : i32
      %dma_start3A_296 = arith.constant 0 : i32
      %dma_start3A_297 = tpu.memref_slice %arg19[%dma_start3A_296] : memref<786432xf32, #tpu.memory_space<vmem_shared>> -> memref<262144xf32, #tpu.memory_space<vmem_shared>>
      %dma_start3A_298 = arith.constant 0 : i32
      %dma_start3A_299 = tpu.memref_slice %dma_start3A_297[%dma_start3A_298] : memref<262144xf32, #tpu.memory_space<vmem_shared>> -> memref<262144xf32, #tpu.memory_space<vmem_shared>>
      tpu.enqueue_indirect_dma source(%arg13 : memref<4096xf32, #tpu.memory_space<vmem>>) target(%dma_start3A_299 : memref<262144xf32, #tpu.memory_space<vmem_shared>>) offsets(%arg11 : memref<4096xi32, #tpu.memory_space<vmem>>) semaphore(%arg23 : memref<!tpu.dma_semaphore, #tpu.memory_space<semaphore_mem>>) {add = true}
      %dma_start3A_300 = arith.constant 262144 : i32
      %dma_start3A_301 = tpu.memref_slice %arg19[%dma_start3A_300] : memref<786432xf32, #tpu.memory_space<vmem_shared>> -> memref<262144xf32, #tpu.memory_space<vmem_shared>>
      %dma_start3A_302 = arith.constant 0 : i32
      %dma_start3A_303 = tpu.memref_slice %dma_start3A_301[%dma_start3A_302] : memref<262144xf32, #tpu.memory_space<vmem_shared>> -> memref<262144xf32, #tpu.memory_space<vmem_shared>>
      tpu.enqueue_indirect_dma source(%arg15 : memref<4096xf32, #tpu.memory_space<vmem>>) target(%dma_start3A_303 : memref<262144xf32, #tpu.memory_space<vmem_shared>>) offsets(%arg11 : memref<4096xi32, #tpu.memory_space<vmem>>) semaphore(%arg23 : memref<!tpu.dma_semaphore, #tpu.memory_space<semaphore_mem>>) {add = true}
      %dma_start3A_304 = arith.constant 524288 : i32
      %dma_start3A_305 = tpu.memref_slice %arg19[%dma_start3A_304] : memref<786432xf32, #tpu.memory_space<vmem_shared>> -> memref<262144xf32, #tpu.memory_space<vmem_shared>>
      %dma_start3A_306 = arith.constant 0 : i32
      %dma_start3A_307 = tpu.memref_slice %dma_start3A_305[%dma_start3A_306] : memref<262144xf32, #tpu.memory_space<vmem_shared>> -> memref<262144xf32, #tpu.memory_space<vmem_shared>>
      tpu.enqueue_indirect_dma source(%arg17 : memref<4096xf32, #tpu.memory_space<vmem>>) target(%dma_start3A_307 : memref<262144xf32, #tpu.memory_space<vmem_shared>>) offsets(%arg11 : memref<4096xi32, #tpu.memory_space<vmem>>) semaphore(%arg23 : memref<!tpu.dma_semaphore, #tpu.memory_space<semaphore_mem>>) {add = true}
      %scan3A_308 = arith.constant 0 : i32
      scf.yield %scan3A_308 : i32
    }
    %scan3A_77 = arith.constant 8 : i32
    %dma_wait3A = arith.constant 0 : i32
    %dma_wait3A_78 = tpu.memref_slice %arg3[%dma_wait3A] : memref<2097152xf32, #tpu.memory_space<hbm>> -> memref<4096xf32, #tpu.memory_space<hbm>>
    %dma_wait3A_79 = arith.constant 0 : i32
    %dma_wait3A_80 = tpu.memref_slice %arg3[%dma_wait3A_79] : memref<2097152xf32, #tpu.memory_space<hbm>> -> memref<4096xf32, #tpu.memory_space<hbm>>
    tpu.wait_dma2 semaphore(%arg22 : memref<!tpu.dma_semaphore, #tpu.memory_space<semaphore_mem>>) src(%dma_wait3A_80 : memref<4096xf32, #tpu.memory_space<hbm>>) dst(%arg18 : memref<4096xf32, #tpu.memory_space<vmem>>)
    %dma_wait3A_81 = arith.constant 0 : i32
    %dma_wait3A_82 = tpu.memref_slice %arg3[%dma_wait3A_81] : memref<2097152xf32, #tpu.memory_space<hbm>> -> memref<4096xf32, #tpu.memory_space<hbm>>
    %dma_wait3A_83 = arith.constant 0 : i32
    %dma_wait3A_84 = tpu.memref_slice %arg3[%dma_wait3A_83] : memref<2097152xf32, #tpu.memory_space<hbm>> -> memref<4096xf32, #tpu.memory_space<hbm>>
    tpu.wait_dma2 semaphore(%arg22 : memref<!tpu.dma_semaphore, #tpu.memory_space<semaphore_mem>>) src(%dma_wait3A_84 : memref<4096xf32, #tpu.memory_space<hbm>>) dst(%arg18 : memref<4096xf32, #tpu.memory_space<vmem>>)
    %dma_wait3A_85 = arith.constant 0 : i32
    %dma_wait3A_86 = tpu.memref_slice %arg3[%dma_wait3A_85] : memref<2097152xf32, #tpu.memory_space<hbm>> -> memref<4096xf32, #tpu.memory_space<hbm>>
    %dma_wait3A_87 = arith.constant 0 : i32
    %dma_wait3A_88 = tpu.memref_slice %arg3[%dma_wait3A_87] : memref<2097152xf32, #tpu.memory_space<hbm>> -> memref<4096xf32, #tpu.memory_space<hbm>>
    tpu.wait_dma2 semaphore(%arg22 : memref<!tpu.dma_semaphore, #tpu.memory_space<semaphore_mem>>) src(%dma_wait3A_88 : memref<4096xf32, #tpu.memory_space<hbm>>) dst(%arg18 : memref<4096xf32, #tpu.memory_space<vmem>>)
    %dma_wait3A_89 = arith.constant 0 : i32
    %dma_wait3A_90 = tpu.memref_slice %arg3[%dma_wait3A_89] : memref<2097152xf32, #tpu.memory_space<hbm>> -> memref<4096xf32, #tpu.memory_space<hbm>>
    %dma_wait3A_91 = arith.constant 0 : i32
    %dma_wait3A_92 = tpu.memref_slice %arg3[%dma_wait3A_91] : memref<2097152xf32, #tpu.memory_space<hbm>> -> memref<4096xf32, #tpu.memory_space<hbm>>
    tpu.wait_dma2 semaphore(%arg23 : memref<!tpu.dma_semaphore, #tpu.memory_space<semaphore_mem>>) src(%dma_wait3A_92 : memref<4096xf32, #tpu.memory_space<hbm>>) dst(%arg18 : memref<4096xf32, #tpu.memory_space<vmem>>)
    %dma_wait3A_93 = arith.constant 0 : i32
    %dma_wait3A_94 = tpu.memref_slice %arg3[%dma_wait3A_93] : memref<2097152xf32, #tpu.memory_space<hbm>> -> memref<4096xf32, #tpu.memory_space<hbm>>
    %dma_wait3A_95 = arith.constant 0 : i32
    %dma_wait3A_96 = tpu.memref_slice %arg3[%dma_wait3A_95] : memref<2097152xf32, #tpu.memory_space<hbm>> -> memref<4096xf32, #tpu.memory_space<hbm>>
    tpu.wait_dma2 semaphore(%arg23 : memref<!tpu.dma_semaphore, #tpu.memory_space<semaphore_mem>>) src(%dma_wait3A_96 : memref<4096xf32, #tpu.memory_space<hbm>>) dst(%arg18 : memref<4096xf32, #tpu.memory_space<vmem>>)
    %dma_wait3A_97 = arith.constant 0 : i32
    %dma_wait3A_98 = tpu.memref_slice %arg3[%dma_wait3A_97] : memref<2097152xf32, #tpu.memory_space<hbm>> -> memref<4096xf32, #tpu.memory_space<hbm>>
    %dma_wait3A_99 = arith.constant 0 : i32
    %dma_wait3A_100 = tpu.memref_slice %arg3[%dma_wait3A_99] : memref<2097152xf32, #tpu.memory_space<hbm>> -> memref<4096xf32, #tpu.memory_space<hbm>>
    tpu.wait_dma2 semaphore(%arg23 : memref<!tpu.dma_semaphore, #tpu.memory_space<semaphore_mem>>) src(%dma_wait3A_100 : memref<4096xf32, #tpu.memory_space<hbm>>) dst(%arg18 : memref<4096xf32, #tpu.memory_space<vmem>>)
    %barrier3A_101 = arith.constant 0 : index
    tpu.barrier barrier_id(%barrier3A_101)
    %mul3A_102 = arith.constant 49152 : i32
    %mul3A_103 = arith.muli %arg1, %mul3A_102 : i32
    %mul3A_104 = arith.constant 3 : i32
    %mul3A_105 = arith.muli %add3A_1, %mul3A_104 : i32
    %mul3A_106 = arith.constant 262144 : i32
    %mul3A_107 = arith.muli %mul3A_105, %mul3A_106 : i32
    %mul3A_108 = arith.constant 49152 : i32
    %mul3A_109 = arith.muli %arg1, %mul3A_108 : i32
    %add3A_110 = arith.addi %mul3A_107, %mul3A_109 : i32
    "tpu.region"() ({
      %run_scoped3A = tpu.sem_alloc : memref<!tpu.dma_semaphore, #tpu.memory_space<semaphore_mem>>
      %dma_start3A_228 = tpu.memref_slice %arg5[%add3A_110] : memref<3145728xf32, #tpu.memory_space<hbm>> -> memref<49152xf32, #tpu.memory_space<hbm>>
      %dma_start3A_229 = tpu.memref_slice %arg19[%mul3A_103] : memref<786432xf32, #tpu.memory_space<vmem_shared>> -> memref<49152xf32, #tpu.memory_space<vmem_shared>>
      tpu.enqueue_dma source(%dma_start3A_229 : memref<49152xf32, #tpu.memory_space<vmem_shared>>) target(%dma_start3A_228 : memref<49152xf32, #tpu.memory_space<hbm>>) target_semaphore(%run_scoped3A : memref<!tpu.dma_semaphore, #tpu.memory_space<semaphore_mem>>)
      %dma_wait3A_230 = tpu.memref_slice %arg5[%add3A_110] : memref<3145728xf32, #tpu.memory_space<hbm>> -> memref<49152xf32, #tpu.memory_space<hbm>>
      %dma_wait3A_231 = tpu.memref_slice %arg19[%mul3A_103] : memref<786432xf32, #tpu.memory_space<vmem_shared>> -> memref<49152xf32, #tpu.memory_space<vmem_shared>>
      tpu.wait_dma2 semaphore(%run_scoped3A : memref<!tpu.dma_semaphore, #tpu.memory_space<semaphore_mem>>) src(%dma_wait3A_231 : memref<49152xf32, #tpu.memory_space<vmem_shared>>) dst(%dma_wait3A_230 : memref<49152xf32, #tpu.memory_space<hbm>>)
      tpu.yield
    }) : () -> ()
    %mul3A_111 = arith.constant 49152 : i32
    %mul3A_112 = arith.muli %arg1, %mul3A_111 : i32
    %mul3A_113 = arith.constant 49152 : i32
    %mul3A_114 = arith.muli %arg1, %mul3A_113 : i32
    "tpu.region"() ({
      %run_scoped3A = tpu.sem_alloc : memref<!tpu.dma_semaphore, #tpu.memory_space<semaphore_mem>>
      %dma_start3A_228 = tpu.memref_slice %arg19[%mul3A_114] : memref<786432xf32, #tpu.memory_space<vmem_shared>> -> memref<49152xf32, #tpu.memory_space<vmem_shared>>
      %dma_start3A_229 = tpu.memref_slice %arg4[%mul3A_112] : memref<786432xf32, #tpu.memory_space<hbm>> -> memref<49152xf32, #tpu.memory_space<hbm>>
      tpu.enqueue_dma source(%dma_start3A_229 : memref<49152xf32, #tpu.memory_space<hbm>>) target(%dma_start3A_228 : memref<49152xf32, #tpu.memory_space<vmem_shared>>) target_semaphore(%run_scoped3A : memref<!tpu.dma_semaphore, #tpu.memory_space<semaphore_mem>>)
      %dma_wait3A_230 = tpu.memref_slice %arg19[%mul3A_114] : memref<786432xf32, #tpu.memory_space<vmem_shared>> -> memref<49152xf32, #tpu.memory_space<vmem_shared>>
      %dma_wait3A_231 = tpu.memref_slice %arg4[%mul3A_112] : memref<786432xf32, #tpu.memory_space<hbm>> -> memref<49152xf32, #tpu.memory_space<hbm>>
      tpu.wait_dma2 semaphore(%run_scoped3A : memref<!tpu.dma_semaphore, #tpu.memory_space<semaphore_mem>>) src(%dma_wait3A_231 : memref<49152xf32, #tpu.memory_space<hbm>>) dst(%dma_wait3A_230 : memref<49152xf32, #tpu.memory_space<vmem_shared>>)
      tpu.yield
    }) : () -> ()
    %mul3A_115 = arith.constant 2 : i32
    %mul3A_116 = arith.muli %arg0, %mul3A_115 : i32
    %add3A_117 = arith.constant 1 : i32
    %add3A_118 = arith.addi %mul3A_116, %add3A_117 : i32
    %mul3A_119 = arith.constant 32 : i32
    %mul3A_120 = arith.muli %arg1, %mul3A_119 : i32
    %mul3A_121 = arith.constant 0 : i32
    %mul3A_122 = arith.constant 2 : i32
    %mul3A_123 = arith.muli %mul3A_121, %mul3A_122 : i32
    %add3A_124 = arith.addi %mul3A_120, %mul3A_123 : i32
    %mul3A_125 = arith.constant 512 : i32
    %mul3A_126 = arith.muli %add3A_124, %mul3A_125 : i32
    %mul3A_127 = arith.constant 262144 : i32
    %mul3A_128 = arith.muli %add3A_118, %mul3A_127 : i32
    %add3A_129 = arith.addi %mul3A_128, %mul3A_126 : i32
    %dma_start3A_130 = arith.constant 0 : i32
    %dma_start3A_131 = tpu.memref_slice %arg6[%dma_start3A_130] : memref<2048xf32, #tpu.memory_space<vmem>> -> memref<1024xf32, #tpu.memory_space<vmem>>
    %dma_start3A_132 = tpu.memref_slice %arg3[%add3A_129] : memref<2097152xf32, #tpu.memory_space<hbm>> -> memref<1024xf32, #tpu.memory_space<hbm>>
    %dma_start3A_133 = arith.constant 0 : i32
    %dma_start3A_134 = tpu.memref_slice %arg6[%dma_start3A_133] : memref<2048xf32, #tpu.memory_space<vmem>> -> memref<1024xf32, #tpu.memory_space<vmem>>
    %dma_start3A_135 = tpu.memref_slice %arg3[%add3A_129] : memref<2097152xf32, #tpu.memory_space<hbm>> -> memref<1024xf32, #tpu.memory_space<hbm>>
    tpu.enqueue_dma source(%dma_start3A_135 : memref<1024xf32, #tpu.memory_space<hbm>>) target(%dma_start3A_134 : memref<1024xf32, #tpu.memory_space<vmem>>) target_semaphore(%arg20 : memref<!tpu.dma_semaphore, #tpu.memory_space<semaphore_mem>>)
    %mul3A_136 = arith.constant 262144 : i32
    %mul3A_137 = arith.muli %add3A_118, %mul3A_136 : i32
    %add3A_138 = arith.constant 1048576 : i32
    %add3A_139 = arith.addi %add3A_138, %mul3A_137 : i32
    %add3A_140 = arith.addi %add3A_139, %mul3A_126 : i32
    %dma_start3A_141 = arith.constant 1024 : i32
    %dma_start3A_142 = tpu.memref_slice %arg6[%dma_start3A_141] : memref<2048xf32, #tpu.memory_space<vmem>> -> memref<1024xf32, #tpu.memory_space<vmem>>
    %dma_start3A_143 = tpu.memref_slice %arg3[%add3A_140] : memref<2097152xf32, #tpu.memory_space<hbm>> -> memref<1024xf32, #tpu.memory_space<hbm>>
    %dma_start3A_144 = arith.constant 1024 : i32
    %dma_start3A_145 = tpu.memref_slice %arg6[%dma_start3A_144] : memref<2048xf32, #tpu.memory_space<vmem>> -> memref<1024xf32, #tpu.memory_space<vmem>>
    %dma_start3A_146 = tpu.memref_slice %arg3[%add3A_140] : memref<2097152xf32, #tpu.memory_space<hbm>> -> memref<1024xf32, #tpu.memory_space<hbm>>
    tpu.enqueue_dma source(%dma_start3A_146 : memref<1024xf32, #tpu.memory_space<hbm>>) target(%dma_start3A_145 : memref<1024xf32, #tpu.memory_space<vmem>>) target_semaphore(%arg20 : memref<!tpu.dma_semaphore, #tpu.memory_space<semaphore_mem>>)
    %mul3A_147 = arith.constant 3 : i32
    %mul3A_148 = arith.muli %add3A_118, %mul3A_147 : i32
    %add3A_149 = arith.constant 0 : i32
    %add3A_150 = arith.addi %mul3A_148, %add3A_149 : i32
    %mul3A_151 = arith.constant 262144 : i32
    %mul3A_152 = arith.muli %add3A_150, %mul3A_151 : i32
    %add3A_153 = arith.addi %mul3A_152, %mul3A_126 : i32
    %dma_start3A_154 = arith.constant 0 : i32
    %dma_start3A_155 = tpu.memref_slice %arg8[%dma_start3A_154] : memref<3072xf32, #tpu.memory_space<vmem>> -> memref<1024xf32, #tpu.memory_space<vmem>>
    %dma_start3A_156 = tpu.memref_slice %arg2[%add3A_153] : memref<3145728xf32, #tpu.memory_space<hbm>> -> memref<1024xf32, #tpu.memory_space<hbm>>
    %dma_start3A_157 = arith.constant 0 : i32
    %dma_start3A_158 = tpu.memref_slice %arg8[%dma_start3A_157] : memref<3072xf32, #tpu.memory_space<vmem>> -> memref<1024xf32, #tpu.memory_space<vmem>>
    %dma_start3A_159 = tpu.memref_slice %arg2[%add3A_153] : memref<3145728xf32, #tpu.memory_space<hbm>> -> memref<1024xf32, #tpu.memory_space<hbm>>
    tpu.enqueue_dma source(%dma_start3A_159 : memref<1024xf32, #tpu.memory_space<hbm>>) target(%dma_start3A_158 : memref<1024xf32, #tpu.memory_space<vmem>>) target_semaphore(%arg20 : memref<!tpu.dma_semaphore, #tpu.memory_space<semaphore_mem>>)
    %mul3A_160 = arith.constant 3 : i32
    %mul3A_161 = arith.muli %add3A_118, %mul3A_160 : i32
    %add3A_162 = arith.constant 1 : i32
    %add3A_163 = arith.addi %mul3A_161, %add3A_162 : i32
    %mul3A_164 = arith.constant 262144 : i32
    %mul3A_165 = arith.muli %add3A_163, %mul3A_164 : i32
    %add3A_166 = arith.addi %mul3A_165, %mul3A_126 : i32
    %dma_start3A_167 = arith.constant 1024 : i32
    %dma_start3A_168 = tpu.memref_slice %arg8[%dma_start3A_167] : memref<3072xf32, #tpu.memory_space<vmem>> -> memref<1024xf32, #tpu.memory_space<vmem>>
    %dma_start3A_169 = tpu.memref_slice %arg2[%add3A_166] : memref<3145728xf32, #tpu.memory_space<hbm>> -> memref<1024xf32, #tpu.memory_space<hbm>>
    %dma_start3A_170 = arith.constant 1024 : i32
    %dma_start3A_171 = tpu.memref_slice %arg8[%dma_start3A_170] : memref<3072xf32, #tpu.memory_space<vmem>> -> memref<1024xf32, #tpu.memory_space<vmem>>
    %dma_start3A_172 = tpu.memref_slice %arg2[%add3A_166] : memref<3145728xf32, #tpu.memory_space<hbm>> -> memref<1024xf32, #tpu.memory_space<hbm>>
    tpu.enqueue_dma source(%dma_start3A_172 : memref<1024xf32, #tpu.memory_space<hbm>>) target(%dma_start3A_171 : memref<1024xf32, #tpu.memory_space<vmem>>) target_semaphore(%arg20 : memref<!tpu.dma_semaphore, #tpu.memory_space<semaphore_mem>>)
    %mul3A_173 = arith.constant 3 : i32
    %mul3A_174 = arith.muli %add3A_118, %mul3A_173 : i32
    %add3A_175 = arith.constant 2 : i32
    %add3A_176 = arith.addi %mul3A_174, %add3A_175 : i32
    %mul3A_177 = arith.constant 262144 : i32
    %mul3A_178 = arith.muli %add3A_176, %mul3A_177 : i32
    %add3A_179 = arith.addi %mul3A_178, %mul3A_126 : i32
    %dma_start3A_180 = arith.constant 2048 : i32
    %dma_start3A_181 = tpu.memref_slice %arg8[%dma_start3A_180] : memref<3072xf32, #tpu.memory_space<vmem>> -> memref<1024xf32, #tpu.memory_space<vmem>>
    %dma_start3A_182 = tpu.memref_slice %arg2[%add3A_179] : memref<3145728xf32, #tpu.memory_space<hbm>> -> memref<1024xf32, #tpu.memory_space<hbm>>
    %dma_start3A_183 = arith.constant 2048 : i32
    %dma_start3A_184 = tpu.memref_slice %arg8[%dma_start3A_183] : memref<3072xf32, #tpu.memory_space<vmem>> -> memref<1024xf32, #tpu.memory_space<vmem>>
    %dma_start3A_185 = tpu.memref_slice %arg2[%add3A_179] : memref<3145728xf32, #tpu.memory_space<hbm>> -> memref<1024xf32, #tpu.memory_space<hbm>>
    tpu.enqueue_dma source(%dma_start3A_185 : memref<1024xf32, #tpu.memory_space<hbm>>) target(%dma_start3A_184 : memref<1024xf32, #tpu.memory_space<vmem>>) target_semaphore(%arg20 : memref<!tpu.dma_semaphore, #tpu.memory_space<semaphore_mem>>)
    %barrier3A_186 = arith.constant 0 : index
    tpu.barrier barrier_id(%barrier3A_186)
    %scan3A_187 = arith.constant 0 : i32
    %scan3A_188 = arith.constant 0 : i32
    %scan3A_189 = arith.constant 8 : i32
    %scan3A_190 = arith.addi %scan3A_188, %scan3A_189 : i32
    %scan3A_191 = arith.constant 1 : i32
    %scan3A_192 = scf.for %scan3A_228 = %scan3A_188 to %scan3A_190 step %scan3A_191 iter_args(%scan3A_229 = %scan3A_187) -> (i32)  : i32 {
      %mul3A_230 = arith.constant 2 : i32
      %mul3A_231 = arith.muli %scan3A_228, %mul3A_230 : i32
      %add3A_232 = arith.constant 0 : i32
      %add3A_233 = arith.addi %mul3A_231, %add3A_232 : i32
      %dma_wait3A_234 = arith.constant 0 : i32
      %dma_wait3A_235 = tpu.memref_slice %arg3[%dma_wait3A_234] : memref<2097152xf32, #tpu.memory_space<hbm>> -> memref<2048xf32, #tpu.memory_space<hbm>>
      %dma_wait3A_236 = arith.constant 0 : i32
      %dma_wait3A_237 = tpu.memref_slice %arg3[%dma_wait3A_236] : memref<2097152xf32, #tpu.memory_space<hbm>> -> memref<2048xf32, #tpu.memory_space<hbm>>
      tpu.wait_dma2 semaphore(%arg20 : memref<!tpu.dma_semaphore, #tpu.memory_space<semaphore_mem>>) src(%dma_wait3A_237 : memref<2048xf32, #tpu.memory_space<hbm>>) dst(%arg6 : memref<2048xf32, #tpu.memory_space<vmem>>)
      %dma_wait3A_238 = arith.constant 0 : i32
      %dma_wait3A_239 = tpu.memref_slice %arg2[%dma_wait3A_238] : memref<3145728xf32, #tpu.memory_space<hbm>> -> memref<3072xf32, #tpu.memory_space<hbm>>
      %dma_wait3A_240 = arith.constant 0 : i32
      %dma_wait3A_241 = tpu.memref_slice %arg2[%dma_wait3A_240] : memref<3145728xf32, #tpu.memory_space<hbm>> -> memref<3072xf32, #tpu.memory_space<hbm>>
      tpu.wait_dma2 semaphore(%arg20 : memref<!tpu.dma_semaphore, #tpu.memory_space<semaphore_mem>>) src(%dma_wait3A_241 : memref<3072xf32, #tpu.memory_space<hbm>>) dst(%arg8 : memref<3072xf32, #tpu.memory_space<vmem>>)
      %lt3A = arith.constant 15 : i32
      %lt3A_242 = arith.cmpi slt, %add3A_233, %lt3A : i32
      %convert_element_type3A = arith.extui %lt3A_242 : i1 to i32
      %cond3A = arith.constant 0 : i32
      %cond3A_243 = arith.cmpi ne, %convert_element_type3A, %cond3A : i32
      scf.if %cond3A_243 {
        %add3A_309 = arith.constant 1 : i32
        %add3A_310 = arith.addi %add3A_233, %add3A_309 : i32
        %mul3A_311 = arith.constant 32 : i32
        %mul3A_312 = arith.muli %arg1, %mul3A_311 : i32
        %mul3A_313 = arith.constant 2 : i32
        %mul3A_314 = arith.muli %add3A_310, %mul3A_313 : i32
        %add3A_315 = arith.addi %mul3A_312, %mul3A_314 : i32
        %mul3A_316 = arith.constant 512 : i32
        %mul3A_317 = arith.muli %add3A_315, %mul3A_316 : i32
        %mul3A_318 = arith.constant 262144 : i32
        %mul3A_319 = arith.muli %add3A_118, %mul3A_318 : i32
        %add3A_320 = arith.addi %mul3A_319, %mul3A_317 : i32
        %dma_start3A_321 = arith.constant 0 : i32
        %dma_start3A_322 = tpu.memref_slice %arg7[%dma_start3A_321] : memref<2048xf32, #tpu.memory_space<vmem>> -> memref<1024xf32, #tpu.memory_space<vmem>>
        %dma_start3A_323 = tpu.memref_slice %arg3[%add3A_320] : memref<2097152xf32, #tpu.memory_space<hbm>> -> memref<1024xf32, #tpu.memory_space<hbm>>
        %dma_start3A_324 = arith.constant 0 : i32
        %dma_start3A_325 = tpu.memref_slice %arg7[%dma_start3A_324] : memref<2048xf32, #tpu.memory_space<vmem>> -> memref<1024xf32, #tpu.memory_space<vmem>>
        %dma_start3A_326 = tpu.memref_slice %arg3[%add3A_320] : memref<2097152xf32, #tpu.memory_space<hbm>> -> memref<1024xf32, #tpu.memory_space<hbm>>
        tpu.enqueue_dma source(%dma_start3A_326 : memref<1024xf32, #tpu.memory_space<hbm>>) target(%dma_start3A_325 : memref<1024xf32, #tpu.memory_space<vmem>>) target_semaphore(%arg21 : memref<!tpu.dma_semaphore, #tpu.memory_space<semaphore_mem>>)
        %mul3A_327 = arith.constant 262144 : i32
        %mul3A_328 = arith.muli %add3A_118, %mul3A_327 : i32
        %add3A_329 = arith.constant 1048576 : i32
        %add3A_330 = arith.addi %add3A_329, %mul3A_328 : i32
        %add3A_331 = arith.addi %add3A_330, %mul3A_317 : i32
        %dma_start3A_332 = arith.constant 1024 : i32
        %dma_start3A_333 = tpu.memref_slice %arg7[%dma_start3A_332] : memref<2048xf32, #tpu.memory_space<vmem>> -> memref<1024xf32, #tpu.memory_space<vmem>>
        %dma_start3A_334 = tpu.memref_slice %arg3[%add3A_331] : memref<2097152xf32, #tpu.memory_space<hbm>> -> memref<1024xf32, #tpu.memory_space<hbm>>
        %dma_start3A_335 = arith.constant 1024 : i32
        %dma_start3A_336 = tpu.memref_slice %arg7[%dma_start3A_335] : memref<2048xf32, #tpu.memory_space<vmem>> -> memref<1024xf32, #tpu.memory_space<vmem>>
        %dma_start3A_337 = tpu.memref_slice %arg3[%add3A_331] : memref<2097152xf32, #tpu.memory_space<hbm>> -> memref<1024xf32, #tpu.memory_space<hbm>>
        tpu.enqueue_dma source(%dma_start3A_337 : memref<1024xf32, #tpu.memory_space<hbm>>) target(%dma_start3A_336 : memref<1024xf32, #tpu.memory_space<vmem>>) target_semaphore(%arg21 : memref<!tpu.dma_semaphore, #tpu.memory_space<semaphore_mem>>)
        %mul3A_338 = arith.constant 3 : i32
        %mul3A_339 = arith.muli %add3A_118, %mul3A_338 : i32
        %add3A_340 = arith.constant 0 : i32
        %add3A_341 = arith.addi %mul3A_339, %add3A_340 : i32
        %mul3A_342 = arith.constant 262144 : i32
        %mul3A_343 = arith.muli %add3A_341, %mul3A_342 : i32
        %add3A_344 = arith.addi %mul3A_343, %mul3A_317 : i32
        %dma_start3A_345 = arith.constant 0 : i32
        %dma_start3A_346 = tpu.memref_slice %arg9[%dma_start3A_345] : memref<3072xf32, #tpu.memory_space<vmem>> -> memref<1024xf32, #tpu.memory_space<vmem>>
        %dma_start3A_347 = tpu.memref_slice %arg2[%add3A_344] : memref<3145728xf32, #tpu.memory_space<hbm>> -> memref<1024xf32, #tpu.memory_space<hbm>>
        %dma_start3A_348 = arith.constant 0 : i32
        %dma_start3A_349 = tpu.memref_slice %arg9[%dma_start3A_348] : memref<3072xf32, #tpu.memory_space<vmem>> -> memref<1024xf32, #tpu.memory_space<vmem>>
        %dma_start3A_350 = tpu.memref_slice %arg2[%add3A_344] : memref<3145728xf32, #tpu.memory_space<hbm>> -> memref<1024xf32, #tpu.memory_space<hbm>>
        tpu.enqueue_dma source(%dma_start3A_350 : memref<1024xf32, #tpu.memory_space<hbm>>) target(%dma_start3A_349 : memref<1024xf32, #tpu.memory_space<vmem>>) target_semaphore(%arg21 : memref<!tpu.dma_semaphore, #tpu.memory_space<semaphore_mem>>)
        %mul3A_351 = arith.constant 3 : i32
        %mul3A_352 = arith.muli %add3A_118, %mul3A_351 : i32
        %add3A_353 = arith.constant 1 : i32
        %add3A_354 = arith.addi %mul3A_352, %add3A_353 : i32
        %mul3A_355 = arith.constant 262144 : i32
        %mul3A_356 = arith.muli %add3A_354, %mul3A_355 : i32
        %add3A_357 = arith.addi %mul3A_356, %mul3A_317 : i32
        %dma_start3A_358 = arith.constant 1024 : i32
        %dma_start3A_359 = tpu.memref_slice %arg9[%dma_start3A_358] : memref<3072xf32, #tpu.memory_space<vmem>> -> memref<1024xf32, #tpu.memory_space<vmem>>
        %dma_start3A_360 = tpu.memref_slice %arg2[%add3A_357] : memref<3145728xf32, #tpu.memory_space<hbm>> -> memref<1024xf32, #tpu.memory_space<hbm>>
        %dma_start3A_361 = arith.constant 1024 : i32
        %dma_start3A_362 = tpu.memref_slice %arg9[%dma_start3A_361] : memref<3072xf32, #tpu.memory_space<vmem>> -> memref<1024xf32, #tpu.memory_space<vmem>>
        %dma_start3A_363 = tpu.memref_slice %arg2[%add3A_357] : memref<3145728xf32, #tpu.memory_space<hbm>> -> memref<1024xf32, #tpu.memory_space<hbm>>
        tpu.enqueue_dma source(%dma_start3A_363 : memref<1024xf32, #tpu.memory_space<hbm>>) target(%dma_start3A_362 : memref<1024xf32, #tpu.memory_space<vmem>>) target_semaphore(%arg21 : memref<!tpu.dma_semaphore, #tpu.memory_space<semaphore_mem>>)
        %mul3A_364 = arith.constant 3 : i32
        %mul3A_365 = arith.muli %add3A_118, %mul3A_364 : i32
        %add3A_366 = arith.constant 2 : i32
        %add3A_367 = arith.addi %mul3A_365, %add3A_366 : i32
        %mul3A_368 = arith.constant 262144 : i32
        %mul3A_369 = arith.muli %add3A_367, %mul3A_368 : i32
        %add3A_370 = arith.addi %mul3A_369, %mul3A_317 : i32
        %dma_start3A_371 = arith.constant 2048 : i32
        %dma_start3A_372 = tpu.memref_slice %arg9[%dma_start3A_371] : memref<3072xf32, #tpu.memory_space<vmem>> -> memref<1024xf32, #tpu.memory_space<vmem>>
        %dma_start3A_373 = tpu.memref_slice %arg2[%add3A_370] : memref<3145728xf32, #tpu.memory_space<hbm>> -> memref<1024xf32, #tpu.memory_space<hbm>>
        %dma_start3A_374 = arith.constant 2048 : i32
        %dma_start3A_375 = tpu.memref_slice %arg9[%dma_start3A_374] : memref<3072xf32, #tpu.memory_space<vmem>> -> memref<1024xf32, #tpu.memory_space<vmem>>
        %dma_start3A_376 = tpu.memref_slice %arg2[%add3A_370] : memref<3145728xf32, #tpu.memory_space<hbm>> -> memref<1024xf32, #tpu.memory_space<hbm>>
        tpu.enqueue_dma source(%dma_start3A_376 : memref<1024xf32, #tpu.memory_space<hbm>>) target(%dma_start3A_375 : memref<1024xf32, #tpu.memory_space<vmem>>) target_semaphore(%arg21 : memref<!tpu.dma_semaphore, #tpu.memory_space<semaphore_mem>>)
      } else {
      }
      %ge3A = arith.constant 1 : i32
      %ge3A_244 = arith.cmpi sge, %scan3A_228, %ge3A : i32
      %convert_element_type3A_245 = arith.extui %ge3A_244 : i1 to i32
      %cond3A_246 = arith.constant 0 : i32
      %cond3A_247 = arith.cmpi ne, %convert_element_type3A_245, %cond3A_246 : i32
      scf.if %cond3A_247 {
        %dma_wait3A_309 = arith.constant 0 : i32
        %dma_wait3A_310 = tpu.memref_slice %arg3[%dma_wait3A_309] : memref<2097152xf32, #tpu.memory_space<hbm>> -> memref<4096xf32, #tpu.memory_space<hbm>>
        %dma_wait3A_311 = arith.constant 0 : i32
        %dma_wait3A_312 = tpu.memref_slice %arg3[%dma_wait3A_311] : memref<2097152xf32, #tpu.memory_space<hbm>> -> memref<4096xf32, #tpu.memory_space<hbm>>
        tpu.wait_dma2 semaphore(%arg22 : memref<!tpu.dma_semaphore, #tpu.memory_space<semaphore_mem>>) src(%dma_wait3A_312 : memref<4096xf32, #tpu.memory_space<hbm>>) dst(%arg18 : memref<4096xf32, #tpu.memory_space<vmem>>)
        %dma_wait3A_313 = arith.constant 0 : i32
        %dma_wait3A_314 = tpu.memref_slice %arg3[%dma_wait3A_313] : memref<2097152xf32, #tpu.memory_space<hbm>> -> memref<4096xf32, #tpu.memory_space<hbm>>
        %dma_wait3A_315 = arith.constant 0 : i32
        %dma_wait3A_316 = tpu.memref_slice %arg3[%dma_wait3A_315] : memref<2097152xf32, #tpu.memory_space<hbm>> -> memref<4096xf32, #tpu.memory_space<hbm>>
        tpu.wait_dma2 semaphore(%arg22 : memref<!tpu.dma_semaphore, #tpu.memory_space<semaphore_mem>>) src(%dma_wait3A_316 : memref<4096xf32, #tpu.memory_space<hbm>>) dst(%arg18 : memref<4096xf32, #tpu.memory_space<vmem>>)
        %dma_wait3A_317 = arith.constant 0 : i32
        %dma_wait3A_318 = tpu.memref_slice %arg3[%dma_wait3A_317] : memref<2097152xf32, #tpu.memory_space<hbm>> -> memref<4096xf32, #tpu.memory_space<hbm>>
        %dma_wait3A_319 = arith.constant 0 : i32
        %dma_wait3A_320 = tpu.memref_slice %arg3[%dma_wait3A_319] : memref<2097152xf32, #tpu.memory_space<hbm>> -> memref<4096xf32, #tpu.memory_space<hbm>>
        tpu.wait_dma2 semaphore(%arg22 : memref<!tpu.dma_semaphore, #tpu.memory_space<semaphore_mem>>) src(%dma_wait3A_320 : memref<4096xf32, #tpu.memory_space<hbm>>) dst(%arg18 : memref<4096xf32, #tpu.memory_space<vmem>>)
      } else {
      }
      %scan3A_248 = arith.constant 0 : i32
      %scan3A_249 = arith.constant 0 : i32
      %scan3A_250 = arith.constant 64 : i32
      %scan3A_251 = arith.addi %scan3A_249, %scan3A_250 : i32
      %scan3A_252 = arith.constant 1 : i32
      %scan3A_253 = scf.for %scan3A_309 = %scan3A_249 to %scan3A_251 step %scan3A_252 iter_args(%scan3A_310 = %scan3A_248) -> (i32)  : i32 {
        %mul3A_311 = arith.constant 16 : i32
        %mul3A_312 = arith.muli %scan3A_309, %mul3A_311 : i32
        %get3A = arith.index_cast %mul3A_312 : i32 to index
        %get3A_313 = tpu.vector_load %arg6[%get3A] {strides = array<i32>} : memref<2048xf32, #tpu.memory_space<vmem>>, vector<16xf32>,
        %get3A_314 = vector.shape_cast %get3A_313 : vector<16xf32> to vector<16xf32>
        %add3A_315 = arith.constant 1024 : i32
        %add3A_316 = arith.addi %add3A_315, %mul3A_312 : i32
        %get3A_317 = arith.index_cast %add3A_316 : i32 to index
        %get3A_318 = tpu.vector_load %arg6[%get3A_317] {strides = array<i32>} : memref<2048xf32, #tpu.memory_space<vmem>>, vector<16xf32>,
        %get3A_319 = vector.shape_cast %get3A_318 : vector<16xf32> to vector<16xf32>
        %convert_element_type3A_320 = arith.fptosi %get3A_314 : vector<16xf32> to vector<16xi32>
        %convert_element_type3A_321 = arith.fptosi %get3A_319 : vector<16xf32> to vector<16xi32>
        %convert_element_type3A_322 = arith.sitofp %convert_element_type3A_320 : vector<16xi32> to vector<16xf32>
        %sub3A = arith.subf %get3A_314, %convert_element_type3A_322 : vector<16xf32>
        %convert_element_type3A_323 = arith.sitofp %convert_element_type3A_321 : vector<16xi32> to vector<16xf32>
        %sub3A_324 = arith.subf %get3A_319, %convert_element_type3A_323 : vector<16xf32>
        %sub3A_325 = arith.constant 1.000000e+00 : f32
        %sub3A_326 = vector.broadcast %sub3A_325 : f32 to vector<16xf32>
        %sub3A_327 = arith.subf %sub3A_326, %sub3A : vector<16xf32>
        %sub3A_328 = arith.constant 1.000000e+00 : f32
        %sub3A_329 = vector.broadcast %sub3A_328 : f32 to vector<16xf32>
        %sub3A_330 = arith.subf %sub3A_329, %sub3A_324 : vector<16xf32>
        %sub3A_331 = arith.constant 512 : i32
        %sub3A_332 = vector.broadcast %sub3A_331 : i32 to vector<16xi32>
        %sub3A_333 = arith.subi %convert_element_type3A_320, %sub3A_332 : vector<16xi32>
        %sub3A_334 = arith.constant 512 : i32
        %sub3A_335 = vector.broadcast %sub3A_334 : i32 to vector<16xi32>
        %sub3A_336 = arith.subi %convert_element_type3A_321, %sub3A_335 : vector<16xi32>
        %add3A_337 = arith.constant 1 : i32
        %add3A_338 = vector.broadcast %add3A_337 : i32 to vector<16xi32>
        %add3A_339 = arith.addi %sub3A_333, %add3A_338 : vector<16xi32>
        %add3A_340 = arith.constant 1 : i32
        %add3A_341 = vector.broadcast %add3A_340 : i32 to vector<16xi32>
        %add3A_342 = arith.addi %sub3A_336, %add3A_341 : vector<16xi32>
        %ge3A_343 = arith.constant 0 : i32
        %ge3A_344 = vector.broadcast %ge3A_343 : i32 to vector<16xi32>
        %ge3A_345 = arith.cmpi sge, %sub3A_333, %ge3A_344 : vector<16xi32>
        %lt3A_346 = arith.constant 512 : i32
        %lt3A_347 = vector.broadcast %lt3A_346 : i32 to vector<16xi32>
        %lt3A_348 = arith.cmpi slt, %sub3A_333, %lt3A_347 : vector<16xi32>
        %and3A = arith.andi %ge3A_345, %lt3A_348 : vector<16xi1>
        %jit3A = arith.constant 0.000000e+00 : f32
        %broadcast_in_dim3A = vector.broadcast %jit3A : f32 to vector<16xf32>
        %select_n3A = arith.select %and3A, %sub3A_327, %broadcast_in_dim3A : vector<16xi1>, vector<16xf32>
        %ge3A_349 = arith.constant 0 : i32
        %ge3A_350 = vector.broadcast %ge3A_349 : i32 to vector<16xi32>
        %ge3A_351 = arith.cmpi sge, %add3A_339, %ge3A_350 : vector<16xi32>
        %lt3A_352 = arith.constant 512 : i32
        %lt3A_353 = vector.broadcast %lt3A_352 : i32 to vector<16xi32>
        %lt3A_354 = arith.cmpi slt, %add3A_339, %lt3A_353 : vector<16xi32>
        %and3A_355 = arith.andi %ge3A_351, %lt3A_354 : vector<16xi1>
        %jit3A_356 = arith.constant 0.000000e+00 : f32
        %broadcast_in_dim3A_357 = vector.broadcast %jit3A_356 : f32 to vector<16xf32>
        %select_n3A_358 = arith.select %and3A_355, %sub3A, %broadcast_in_dim3A_357 : vector<16xi1>, vector<16xf32>
        %ge3A_359 = arith.constant 0 : i32
        %ge3A_360 = vector.broadcast %ge3A_359 : i32 to vector<16xi32>
        %ge3A_361 = arith.cmpi sge, %sub3A_336, %ge3A_360 : vector<16xi32>
        %lt3A_362 = arith.constant 512 : i32
        %lt3A_363 = vector.broadcast %lt3A_362 : i32 to vector<16xi32>
        %lt3A_364 = arith.cmpi slt, %sub3A_336, %lt3A_363 : vector<16xi32>
        %and3A_365 = arith.andi %ge3A_361, %lt3A_364 : vector<16xi1>
        %jit3A_366 = arith.constant 0.000000e+00 : f32
        %broadcast_in_dim3A_367 = vector.broadcast %jit3A_366 : f32 to vector<16xf32>
        %select_n3A_368 = arith.select %and3A_365, %sub3A_330, %broadcast_in_dim3A_367 : vector<16xi1>, vector<16xf32>
        %ge3A_369 = arith.constant 0 : i32
        %ge3A_370 = vector.broadcast %ge3A_369 : i32 to vector<16xi32>
        %ge3A_371 = arith.cmpi sge, %add3A_342, %ge3A_370 : vector<16xi32>
        %lt3A_372 = arith.constant 512 : i32
        %lt3A_373 = vector.broadcast %lt3A_372 : i32 to vector<16xi32>
        %lt3A_374 = arith.cmpi slt, %add3A_342, %lt3A_373 : vector<16xi32>
        %and3A_375 = arith.andi %ge3A_371, %lt3A_374 : vector<16xi1>
        %jit3A_376 = arith.constant 0.000000e+00 : f32
        %broadcast_in_dim3A_377 = vector.broadcast %jit3A_376 : f32 to vector<16xf32>
        %select_n3A_378 = arith.select %and3A_375, %sub3A_324, %broadcast_in_dim3A_377 : vector<16xi1>, vector<16xf32>
        %jit3A_379 = arith.constant 0 : i32
        %jit3A_380 = arith.constant 511 : i32
        %max3A = vector.broadcast %jit3A_379 : i32 to vector<16xi32>
        %max3A_381 = arith.maxsi %max3A, %sub3A_333 : vector<16xi32>
        %min3A = vector.broadcast %jit3A_380 : i32 to vector<16xi32>
        %min3A_382 = arith.minsi %min3A, %max3A_381 : vector<16xi32>
        %jit3A_383 = arith.constant 0 : i32
        %jit3A_384 = arith.constant 511 : i32
        %max3A_385 = vector.broadcast %jit3A_383 : i32 to vector<16xi32>
        %max3A_386 = arith.maxsi %max3A_385, %add3A_339 : vector<16xi32>
        %min3A_387 = vector.broadcast %jit3A_384 : i32 to vector<16xi32>
        %min3A_388 = arith.minsi %min3A_387, %max3A_386 : vector<16xi32>
        %jit3A_389 = arith.constant 0 : i32
        %jit3A_390 = arith.constant 511 : i32
        %max3A_391 = vector.broadcast %jit3A_389 : i32 to vector<16xi32>
        %max3A_392 = arith.maxsi %max3A_391, %sub3A_336 : vector<16xi32>
        %min3A_393 = vector.broadcast %jit3A_390 : i32 to vector<16xi32>
        %min3A_394 = arith.minsi %min3A_393, %max3A_392 : vector<16xi32>
        %shift_left3A = arith.constant 9 : i32
        %shift_left3A_395 = vector.broadcast %shift_left3A : i32 to vector<16xi32>
        %shift_left3A_396 = arith.shli %min3A_394, %shift_left3A_395 : vector<16xi32>
        %jit3A_397 = arith.constant 0 : i32
        %jit3A_398 = arith.constant 511 : i32
        %max3A_399 = vector.broadcast %jit3A_397 : i32 to vector<16xi32>
        %max3A_400 = arith.maxsi %max3A_399, %add3A_342 : vector<16xi32>
        %min3A_401 = vector.broadcast %jit3A_398 : i32 to vector<16xi32>
        %min3A_402 = arith.minsi %min3A_401, %max3A_400 : vector<16xi32>
        %shift_left3A_403 = arith.constant 9 : i32
        %shift_left3A_404 = vector.broadcast %shift_left3A_403 : i32 to vector<16xi32>
        %shift_left3A_405 = arith.shli %min3A_402, %shift_left3A_404 : vector<16xi32>
        %get3A_406 = arith.index_cast %mul3A_312 : i32 to index
        %get3A_407 = tpu.vector_load %arg8[%get3A_406] {strides = array<i32>} : memref<3072xf32, #tpu.memory_space<vmem>>, vector<16xf32>,
        %get3A_408 = vector.shape_cast %get3A_407 : vector<16xf32> to vector<16xf32>
        %add3A_409 = arith.constant 1024 : i32
        %add3A_410 = arith.addi %add3A_409, %mul3A_312 : i32
        %get3A_411 = arith.index_cast %add3A_410 : i32 to index
        %get3A_412 = tpu.vector_load %arg8[%get3A_411] {strides = array<i32>} : memref<3072xf32, #tpu.memory_space<vmem>>, vector<16xf32>,
        %get3A_413 = vector.shape_cast %get3A_412 : vector<16xf32> to vector<16xf32>
        %add3A_414 = arith.constant 2048 : i32
        %add3A_415 = arith.addi %add3A_414, %mul3A_312 : i32
        %get3A_416 = arith.index_cast %add3A_415 : i32 to index
        %get3A_417 = tpu.vector_load %arg8[%get3A_416] {strides = array<i32>} : memref<3072xf32, #tpu.memory_space<vmem>>, vector<16xf32>,
        %get3A_418 = vector.shape_cast %get3A_417 : vector<16xf32> to vector<16xf32>
        %add3A_419 = arith.addi %shift_left3A_396, %min3A_382 : vector<16xi32>
        %mul3A_420 = arith.mulf %select_n3A, %select_n3A_368 : vector<16xf32>
        %add3A_421 = arith.addi %shift_left3A_396, %min3A_388 : vector<16xi32>
        %mul3A_422 = arith.mulf %select_n3A_358, %select_n3A_368 : vector<16xf32>
        %add3A_423 = arith.addi %shift_left3A_405, %min3A_382 : vector<16xi32>
        %mul3A_424 = arith.mulf %select_n3A, %select_n3A_378 : vector<16xf32>
        %add3A_425 = arith.addi %shift_left3A_405, %min3A_388 : vector<16xi32>
        %mul3A_426 = arith.mulf %select_n3A_358, %select_n3A_378 : vector<16xf32>
        %add3A_427 = arith.constant 0 : i32
        %add3A_428 = arith.addi %add3A_427, %mul3A_312 : i32
        %swap3A = arith.index_cast %add3A_428 : i32 to index
        %swap3A_429 = tpu.vector_load %arg10[%swap3A] {strides = array<i32>} : memref<4096xi32, #tpu.memory_space<vmem>>, vector<16xi32>,
        %swap3A_430 = vector.shape_cast %swap3A_429 : vector<16xi32> to vector<16xi32>
        %swap3A_431 = vector.shape_cast %add3A_419 : vector<16xi32> to vector<16xi32>
        tpu.vector_store %arg10[%swap3A], %swap3A_431 {strides = array<i32>} : memref<4096xi32, #tpu.memory_space<vmem>>, vector<16xi32>,
        %mul3A_432 = arith.mulf %get3A_408, %mul3A_420 : vector<16xf32>
        %add3A_433 = arith.constant 0 : i32
        %add3A_434 = arith.addi %add3A_433, %mul3A_312 : i32
        %swap3A_435 = arith.index_cast %add3A_434 : i32 to index
        %swap3A_436 = tpu.vector_load %arg12[%swap3A_435] {strides = array<i32>} : memref<4096xf32, #tpu.memory_space<vmem>>, vector<16xf32>,
        %swap3A_437 = vector.shape_cast %swap3A_436 : vector<16xf32> to vector<16xf32>
        %swap3A_438 = vector.shape_cast %mul3A_432 : vector<16xf32> to vector<16xf32>
        tpu.vector_store %arg12[%swap3A_435], %swap3A_438 {strides = array<i32>} : memref<4096xf32, #tpu.memory_space<vmem>>, vector<16xf32>,
        %mul3A_439 = arith.mulf %get3A_413, %mul3A_420 : vector<16xf32>
        %add3A_440 = arith.constant 0 : i32
        %add3A_441 = arith.addi %add3A_440, %mul3A_312 : i32
        %swap3A_442 = arith.index_cast %add3A_441 : i32 to index
        %swap3A_443 = tpu.vector_load %arg14[%swap3A_442] {strides = array<i32>} : memref<4096xf32, #tpu.memory_space<vmem>>, vector<16xf32>,
        %swap3A_444 = vector.shape_cast %swap3A_443 : vector<16xf32> to vector<16xf32>
        %swap3A_445 = vector.shape_cast %mul3A_439 : vector<16xf32> to vector<16xf32>
        tpu.vector_store %arg14[%swap3A_442], %swap3A_445 {strides = array<i32>} : memref<4096xf32, #tpu.memory_space<vmem>>, vector<16xf32>,
        %mul3A_446 = arith.mulf %get3A_418, %mul3A_420 : vector<16xf32>
        %add3A_447 = arith.constant 0 : i32
        %add3A_448 = arith.addi %add3A_447, %mul3A_312 : i32
        %swap3A_449 = arith.index_cast %add3A_448 : i32 to index
        %swap3A_450 = tpu.vector_load %arg16[%swap3A_449] {strides = array<i32>} : memref<4096xf32, #tpu.memory_space<vmem>>, vector<16xf32>,
        %swap3A_451 = vector.shape_cast %swap3A_450 : vector<16xf32> to vector<16xf32>
        %swap3A_452 = vector.shape_cast %mul3A_446 : vector<16xf32> to vector<16xf32>
        tpu.vector_store %arg16[%swap3A_449], %swap3A_452 {strides = array<i32>} : memref<4096xf32, #tpu.memory_space<vmem>>, vector<16xf32>,
        %add3A_453 = arith.constant 1024 : i32
        %add3A_454 = arith.addi %add3A_453, %mul3A_312 : i32
        %swap3A_455 = arith.index_cast %add3A_454 : i32 to index
        %swap3A_456 = tpu.vector_load %arg10[%swap3A_455] {strides = array<i32>} : memref<4096xi32, #tpu.memory_space<vmem>>, vector<16xi32>,
        %swap3A_457 = vector.shape_cast %swap3A_456 : vector<16xi32> to vector<16xi32>
        %swap3A_458 = vector.shape_cast %add3A_421 : vector<16xi32> to vector<16xi32>
        tpu.vector_store %arg10[%swap3A_455], %swap3A_458 {strides = array<i32>} : memref<4096xi32, #tpu.memory_space<vmem>>, vector<16xi32>,
        %mul3A_459 = arith.mulf %get3A_408, %mul3A_422 : vector<16xf32>
        %add3A_460 = arith.constant 1024 : i32
        %add3A_461 = arith.addi %add3A_460, %mul3A_312 : i32
        %swap3A_462 = arith.index_cast %add3A_461 : i32 to index
        %swap3A_463 = tpu.vector_load %arg12[%swap3A_462] {strides = array<i32>} : memref<4096xf32, #tpu.memory_space<vmem>>, vector<16xf32>,
        %swap3A_464 = vector.shape_cast %swap3A_463 : vector<16xf32> to vector<16xf32>
        %swap3A_465 = vector.shape_cast %mul3A_459 : vector<16xf32> to vector<16xf32>
        tpu.vector_store %arg12[%swap3A_462], %swap3A_465 {strides = array<i32>} : memref<4096xf32, #tpu.memory_space<vmem>>, vector<16xf32>,
        %mul3A_466 = arith.mulf %get3A_413, %mul3A_422 : vector<16xf32>
        %add3A_467 = arith.constant 1024 : i32
        %add3A_468 = arith.addi %add3A_467, %mul3A_312 : i32
        %swap3A_469 = arith.index_cast %add3A_468 : i32 to index
        %swap3A_470 = tpu.vector_load %arg14[%swap3A_469] {strides = array<i32>} : memref<4096xf32, #tpu.memory_space<vmem>>, vector<16xf32>,
        %swap3A_471 = vector.shape_cast %swap3A_470 : vector<16xf32> to vector<16xf32>
        %swap3A_472 = vector.shape_cast %mul3A_466 : vector<16xf32> to vector<16xf32>
        tpu.vector_store %arg14[%swap3A_469], %swap3A_472 {strides = array<i32>} : memref<4096xf32, #tpu.memory_space<vmem>>, vector<16xf32>,
        %mul3A_473 = arith.mulf %get3A_418, %mul3A_422 : vector<16xf32>
        %add3A_474 = arith.constant 1024 : i32
        %add3A_475 = arith.addi %add3A_474, %mul3A_312 : i32
        %swap3A_476 = arith.index_cast %add3A_475 : i32 to index
        %swap3A_477 = tpu.vector_load %arg16[%swap3A_476] {strides = array<i32>} : memref<4096xf32, #tpu.memory_space<vmem>>, vector<16xf32>,
        %swap3A_478 = vector.shape_cast %swap3A_477 : vector<16xf32> to vector<16xf32>
        %swap3A_479 = vector.shape_cast %mul3A_473 : vector<16xf32> to vector<16xf32>
        tpu.vector_store %arg16[%swap3A_476], %swap3A_479 {strides = array<i32>} : memref<4096xf32, #tpu.memory_space<vmem>>, vector<16xf32>,
        %add3A_480 = arith.constant 2048 : i32
        %add3A_481 = arith.addi %add3A_480, %mul3A_312 : i32
        %swap3A_482 = arith.index_cast %add3A_481 : i32 to index
        %swap3A_483 = tpu.vector_load %arg10[%swap3A_482] {strides = array<i32>} : memref<4096xi32, #tpu.memory_space<vmem>>, vector<16xi32>,
        %swap3A_484 = vector.shape_cast %swap3A_483 : vector<16xi32> to vector<16xi32>
        %swap3A_485 = vector.shape_cast %add3A_423 : vector<16xi32> to vector<16xi32>
        tpu.vector_store %arg10[%swap3A_482], %swap3A_485 {strides = array<i32>} : memref<4096xi32, #tpu.memory_space<vmem>>, vector<16xi32>,
        %mul3A_486 = arith.mulf %get3A_408, %mul3A_424 : vector<16xf32>
        %add3A_487 = arith.constant 2048 : i32
        %add3A_488 = arith.addi %add3A_487, %mul3A_312 : i32
        %swap3A_489 = arith.index_cast %add3A_488 : i32 to index
        %swap3A_490 = tpu.vector_load %arg12[%swap3A_489] {strides = array<i32>} : memref<4096xf32, #tpu.memory_space<vmem>>, vector<16xf32>,
        %swap3A_491 = vector.shape_cast %swap3A_490 : vector<16xf32> to vector<16xf32>
        %swap3A_492 = vector.shape_cast %mul3A_486 : vector<16xf32> to vector<16xf32>
        tpu.vector_store %arg12[%swap3A_489], %swap3A_492 {strides = array<i32>} : memref<4096xf32, #tpu.memory_space<vmem>>, vector<16xf32>,
        %mul3A_493 = arith.mulf %get3A_413, %mul3A_424 : vector<16xf32>
        %add3A_494 = arith.constant 2048 : i32
        %add3A_495 = arith.addi %add3A_494, %mul3A_312 : i32
        %swap3A_496 = arith.index_cast %add3A_495 : i32 to index
        %swap3A_497 = tpu.vector_load %arg14[%swap3A_496] {strides = array<i32>} : memref<4096xf32, #tpu.memory_space<vmem>>, vector<16xf32>,
        %swap3A_498 = vector.shape_cast %swap3A_497 : vector<16xf32> to vector<16xf32>
        %swap3A_499 = vector.shape_cast %mul3A_493 : vector<16xf32> to vector<16xf32>
        tpu.vector_store %arg14[%swap3A_496], %swap3A_499 {strides = array<i32>} : memref<4096xf32, #tpu.memory_space<vmem>>, vector<16xf32>,
        %mul3A_500 = arith.mulf %get3A_418, %mul3A_424 : vector<16xf32>
        %add3A_501 = arith.constant 2048 : i32
        %add3A_502 = arith.addi %add3A_501, %mul3A_312 : i32
        %swap3A_503 = arith.index_cast %add3A_502 : i32 to index
        %swap3A_504 = tpu.vector_load %arg16[%swap3A_503] {strides = array<i32>} : memref<4096xf32, #tpu.memory_space<vmem>>, vector<16xf32>,
        %swap3A_505 = vector.shape_cast %swap3A_504 : vector<16xf32> to vector<16xf32>
        %swap3A_506 = vector.shape_cast %mul3A_500 : vector<16xf32> to vector<16xf32>
        tpu.vector_store %arg16[%swap3A_503], %swap3A_506 {strides = array<i32>} : memref<4096xf32, #tpu.memory_space<vmem>>, vector<16xf32>,
        %add3A_507 = arith.constant 3072 : i32
        %add3A_508 = arith.addi %add3A_507, %mul3A_312 : i32
        %swap3A_509 = arith.index_cast %add3A_508 : i32 to index
        %swap3A_510 = tpu.vector_load %arg10[%swap3A_509] {strides = array<i32>} : memref<4096xi32, #tpu.memory_space<vmem>>, vector<16xi32>,
        %swap3A_511 = vector.shape_cast %swap3A_510 : vector<16xi32> to vector<16xi32>
        %swap3A_512 = vector.shape_cast %add3A_425 : vector<16xi32> to vector<16xi32>
        tpu.vector_store %arg10[%swap3A_509], %swap3A_512 {strides = array<i32>} : memref<4096xi32, #tpu.memory_space<vmem>>, vector<16xi32>,
        %mul3A_513 = arith.mulf %get3A_408, %mul3A_426 : vector<16xf32>
        %add3A_514 = arith.constant 3072 : i32
        %add3A_515 = arith.addi %add3A_514, %mul3A_312 : i32
        %swap3A_516 = arith.index_cast %add3A_515 : i32 to index
        %swap3A_517 = tpu.vector_load %arg12[%swap3A_516] {strides = array<i32>} : memref<4096xf32, #tpu.memory_space<vmem>>, vector<16xf32>,
        %swap3A_518 = vector.shape_cast %swap3A_517 : vector<16xf32> to vector<16xf32>
        %swap3A_519 = vector.shape_cast %mul3A_513 : vector<16xf32> to vector<16xf32>
        tpu.vector_store %arg12[%swap3A_516], %swap3A_519 {strides = array<i32>} : memref<4096xf32, #tpu.memory_space<vmem>>, vector<16xf32>,
        %mul3A_520 = arith.mulf %get3A_413, %mul3A_426 : vector<16xf32>
        %add3A_521 = arith.constant 3072 : i32
        %add3A_522 = arith.addi %add3A_521, %mul3A_312 : i32
        %swap3A_523 = arith.index_cast %add3A_522 : i32 to index
        %swap3A_524 = tpu.vector_load %arg14[%swap3A_523] {strides = array<i32>} : memref<4096xf32, #tpu.memory_space<vmem>>, vector<16xf32>,
        %swap3A_525 = vector.shape_cast %swap3A_524 : vector<16xf32> to vector<16xf32>
        %swap3A_526 = vector.shape_cast %mul3A_520 : vector<16xf32> to vector<16xf32>
        tpu.vector_store %arg14[%swap3A_523], %swap3A_526 {strides = array<i32>} : memref<4096xf32, #tpu.memory_space<vmem>>, vector<16xf32>,
        %mul3A_527 = arith.mulf %get3A_418, %mul3A_426 : vector<16xf32>
        %add3A_528 = arith.constant 3072 : i32
        %add3A_529 = arith.addi %add3A_528, %mul3A_312 : i32
        %swap3A_530 = arith.index_cast %add3A_529 : i32 to index
        %swap3A_531 = tpu.vector_load %arg16[%swap3A_530] {strides = array<i32>} : memref<4096xf32, #tpu.memory_space<vmem>>, vector<16xf32>,
        %swap3A_532 = vector.shape_cast %swap3A_531 : vector<16xf32> to vector<16xf32>
        %swap3A_533 = vector.shape_cast %mul3A_527 : vector<16xf32> to vector<16xf32>
        tpu.vector_store %arg16[%swap3A_530], %swap3A_533 {strides = array<i32>} : memref<4096xf32, #tpu.memory_space<vmem>>, vector<16xf32>,
        %scan3A_534 = arith.constant 0 : i32
        scf.yield %scan3A_534 : i32
      }
      %scan3A_254 = arith.constant 64 : i32
      %dma_start3A_255 = arith.constant 0 : i32
      %dma_start3A_256 = tpu.memref_slice %arg19[%dma_start3A_255] : memref<786432xf32, #tpu.memory_space<vmem_shared>> -> memref<262144xf32, #tpu.memory_space<vmem_shared>>
      %dma_start3A_257 = arith.constant 0 : i32
      %dma_start3A_258 = tpu.memref_slice %dma_start3A_256[%dma_start3A_257] : memref<262144xf32, #tpu.memory_space<vmem_shared>> -> memref<262144xf32, #tpu.memory_space<vmem_shared>>
      tpu.enqueue_indirect_dma source(%arg12 : memref<4096xf32, #tpu.memory_space<vmem>>) target(%dma_start3A_258 : memref<262144xf32, #tpu.memory_space<vmem_shared>>) offsets(%arg10 : memref<4096xi32, #tpu.memory_space<vmem>>) semaphore(%arg22 : memref<!tpu.dma_semaphore, #tpu.memory_space<semaphore_mem>>) {add = true}
      %dma_start3A_259 = arith.constant 262144 : i32
      %dma_start3A_260 = tpu.memref_slice %arg19[%dma_start3A_259] : memref<786432xf32, #tpu.memory_space<vmem_shared>> -> memref<262144xf32, #tpu.memory_space<vmem_shared>>
      %dma_start3A_261 = arith.constant 0 : i32
      %dma_start3A_262 = tpu.memref_slice %dma_start3A_260[%dma_start3A_261] : memref<262144xf32, #tpu.memory_space<vmem_shared>> -> memref<262144xf32, #tpu.memory_space<vmem_shared>>
      tpu.enqueue_indirect_dma source(%arg14 : memref<4096xf32, #tpu.memory_space<vmem>>) target(%dma_start3A_262 : memref<262144xf32, #tpu.memory_space<vmem_shared>>) offsets(%arg10 : memref<4096xi32, #tpu.memory_space<vmem>>) semaphore(%arg22 : memref<!tpu.dma_semaphore, #tpu.memory_space<semaphore_mem>>) {add = true}
      %dma_start3A_263 = arith.constant 524288 : i32
      %dma_start3A_264 = tpu.memref_slice %arg19[%dma_start3A_263] : memref<786432xf32, #tpu.memory_space<vmem_shared>> -> memref<262144xf32, #tpu.memory_space<vmem_shared>>
      %dma_start3A_265 = arith.constant 0 : i32
      %dma_start3A_266 = tpu.memref_slice %dma_start3A_264[%dma_start3A_265] : memref<262144xf32, #tpu.memory_space<vmem_shared>> -> memref<262144xf32, #tpu.memory_space<vmem_shared>>
      tpu.enqueue_indirect_dma source(%arg16 : memref<4096xf32, #tpu.memory_space<vmem>>) target(%dma_start3A_266 : memref<262144xf32, #tpu.memory_space<vmem_shared>>) offsets(%arg10 : memref<4096xi32, #tpu.memory_space<vmem>>) semaphore(%arg22 : memref<!tpu.dma_semaphore, #tpu.memory_space<semaphore_mem>>) {add = true}
      %mul3A_267 = arith.constant 2 : i32
      %mul3A_268 = arith.muli %scan3A_228, %mul3A_267 : i32
      %add3A_269 = arith.constant 1 : i32
      %add3A_270 = arith.addi %mul3A_268, %add3A_269 : i32
      %dma_wait3A_271 = arith.constant 0 : i32
      %dma_wait3A_272 = tpu.memref_slice %arg3[%dma_wait3A_271] : memref<2097152xf32, #tpu.memory_space<hbm>> -> memref<2048xf32, #tpu.memory_space<hbm>>
      %dma_wait3A_273 = arith.constant 0 : i32
      %dma_wait3A_274 = tpu.memref_slice %arg3[%dma_wait3A_273] : memref<2097152xf32, #tpu.memory_space<hbm>> -> memref<2048xf32, #tpu.memory_space<hbm>>
      tpu.wait_dma2 semaphore(%arg21 : memref<!tpu.dma_semaphore, #tpu.memory_space<semaphore_mem>>) src(%dma_wait3A_274 : memref<2048xf32, #tpu.memory_space<hbm>>) dst(%arg7 : memref<2048xf32, #tpu.memory_space<vmem>>)
      %dma_wait3A_275 = arith.constant 0 : i32
      %dma_wait3A_276 = tpu.memref_slice %arg2[%dma_wait3A_275] : memref<3145728xf32, #tpu.memory_space<hbm>> -> memref<3072xf32, #tpu.memory_space<hbm>>
      %dma_wait3A_277 = arith.constant 0 : i32
      %dma_wait3A_278 = tpu.memref_slice %arg2[%dma_wait3A_277] : memref<3145728xf32, #tpu.memory_space<hbm>> -> memref<3072xf32, #tpu.memory_space<hbm>>
      tpu.wait_dma2 semaphore(%arg21 : memref<!tpu.dma_semaphore, #tpu.memory_space<semaphore_mem>>) src(%dma_wait3A_278 : memref<3072xf32, #tpu.memory_space<hbm>>) dst(%arg9 : memref<3072xf32, #tpu.memory_space<vmem>>)
      %lt3A_279 = arith.constant 15 : i32
      %lt3A_280 = arith.cmpi slt, %add3A_270, %lt3A_279 : i32
      %convert_element_type3A_281 = arith.extui %lt3A_280 : i1 to i32
      %cond3A_282 = arith.constant 0 : i32
      %cond3A_283 = arith.cmpi ne, %convert_element_type3A_281, %cond3A_282 : i32
      scf.if %cond3A_283 {
        %add3A_309 = arith.constant 1 : i32
        %add3A_310 = arith.addi %add3A_270, %add3A_309 : i32
        %mul3A_311 = arith.constant 32 : i32
        %mul3A_312 = arith.muli %arg1, %mul3A_311 : i32
        %mul3A_313 = arith.constant 2 : i32
        %mul3A_314 = arith.muli %add3A_310, %mul3A_313 : i32
        %add3A_315 = arith.addi %mul3A_312, %mul3A_314 : i32
        %mul3A_316 = arith.constant 512 : i32
        %mul3A_317 = arith.muli %add3A_315, %mul3A_316 : i32
        %mul3A_318 = arith.constant 262144 : i32
        %mul3A_319 = arith.muli %add3A_118, %mul3A_318 : i32
        %add3A_320 = arith.addi %mul3A_319, %mul3A_317 : i32
        %dma_start3A_321 = arith.constant 0 : i32
        %dma_start3A_322 = tpu.memref_slice %arg6[%dma_start3A_321] : memref<2048xf32, #tpu.memory_space<vmem>> -> memref<1024xf32, #tpu.memory_space<vmem>>
        %dma_start3A_323 = tpu.memref_slice %arg3[%add3A_320] : memref<2097152xf32, #tpu.memory_space<hbm>> -> memref<1024xf32, #tpu.memory_space<hbm>>
        %dma_start3A_324 = arith.constant 0 : i32
        %dma_start3A_325 = tpu.memref_slice %arg6[%dma_start3A_324] : memref<2048xf32, #tpu.memory_space<vmem>> -> memref<1024xf32, #tpu.memory_space<vmem>>
        %dma_start3A_326 = tpu.memref_slice %arg3[%add3A_320] : memref<2097152xf32, #tpu.memory_space<hbm>> -> memref<1024xf32, #tpu.memory_space<hbm>>
        tpu.enqueue_dma source(%dma_start3A_326 : memref<1024xf32, #tpu.memory_space<hbm>>) target(%dma_start3A_325 : memref<1024xf32, #tpu.memory_space<vmem>>) target_semaphore(%arg20 : memref<!tpu.dma_semaphore, #tpu.memory_space<semaphore_mem>>)
        %mul3A_327 = arith.constant 262144 : i32
        %mul3A_328 = arith.muli %add3A_118, %mul3A_327 : i32
        %add3A_329 = arith.constant 1048576 : i32
        %add3A_330 = arith.addi %add3A_329, %mul3A_328 : i32
        %add3A_331 = arith.addi %add3A_330, %mul3A_317 : i32
        %dma_start3A_332 = arith.constant 1024 : i32
        %dma_start3A_333 = tpu.memref_slice %arg6[%dma_start3A_332] : memref<2048xf32, #tpu.memory_space<vmem>> -> memref<1024xf32, #tpu.memory_space<vmem>>
        %dma_start3A_334 = tpu.memref_slice %arg3[%add3A_331] : memref<2097152xf32, #tpu.memory_space<hbm>> -> memref<1024xf32, #tpu.memory_space<hbm>>
        %dma_start3A_335 = arith.constant 1024 : i32
        %dma_start3A_336 = tpu.memref_slice %arg6[%dma_start3A_335] : memref<2048xf32, #tpu.memory_space<vmem>> -> memref<1024xf32, #tpu.memory_space<vmem>>
        %dma_start3A_337 = tpu.memref_slice %arg3[%add3A_331] : memref<2097152xf32, #tpu.memory_space<hbm>> -> memref<1024xf32, #tpu.memory_space<hbm>>
        tpu.enqueue_dma source(%dma_start3A_337 : memref<1024xf32, #tpu.memory_space<hbm>>) target(%dma_start3A_336 : memref<1024xf32, #tpu.memory_space<vmem>>) target_semaphore(%arg20 : memref<!tpu.dma_semaphore, #tpu.memory_space<semaphore_mem>>)
        %mul3A_338 = arith.constant 3 : i32
        %mul3A_339 = arith.muli %add3A_118, %mul3A_338 : i32
        %add3A_340 = arith.constant 0 : i32
        %add3A_341 = arith.addi %mul3A_339, %add3A_340 : i32
        %mul3A_342 = arith.constant 262144 : i32
        %mul3A_343 = arith.muli %add3A_341, %mul3A_342 : i32
        %add3A_344 = arith.addi %mul3A_343, %mul3A_317 : i32
        %dma_start3A_345 = arith.constant 0 : i32
        %dma_start3A_346 = tpu.memref_slice %arg8[%dma_start3A_345] : memref<3072xf32, #tpu.memory_space<vmem>> -> memref<1024xf32, #tpu.memory_space<vmem>>
        %dma_start3A_347 = tpu.memref_slice %arg2[%add3A_344] : memref<3145728xf32, #tpu.memory_space<hbm>> -> memref<1024xf32, #tpu.memory_space<hbm>>
        %dma_start3A_348 = arith.constant 0 : i32
        %dma_start3A_349 = tpu.memref_slice %arg8[%dma_start3A_348] : memref<3072xf32, #tpu.memory_space<vmem>> -> memref<1024xf32, #tpu.memory_space<vmem>>
        %dma_start3A_350 = tpu.memref_slice %arg2[%add3A_344] : memref<3145728xf32, #tpu.memory_space<hbm>> -> memref<1024xf32, #tpu.memory_space<hbm>>
        tpu.enqueue_dma source(%dma_start3A_350 : memref<1024xf32, #tpu.memory_space<hbm>>) target(%dma_start3A_349 : memref<1024xf32, #tpu.memory_space<vmem>>) target_semaphore(%arg20 : memref<!tpu.dma_semaphore, #tpu.memory_space<semaphore_mem>>)
        %mul3A_351 = arith.constant 3 : i32
        %mul3A_352 = arith.muli %add3A_118, %mul3A_351 : i32
        %add3A_353 = arith.constant 1 : i32
        %add3A_354 = arith.addi %mul3A_352, %add3A_353 : i32
        %mul3A_355 = arith.constant 262144 : i32
        %mul3A_356 = arith.muli %add3A_354, %mul3A_355 : i32
        %add3A_357 = arith.addi %mul3A_356, %mul3A_317 : i32
        %dma_start3A_358 = arith.constant 1024 : i32
        %dma_start3A_359 = tpu.memref_slice %arg8[%dma_start3A_358] : memref<3072xf32, #tpu.memory_space<vmem>> -> memref<1024xf32, #tpu.memory_space<vmem>>
        %dma_start3A_360 = tpu.memref_slice %arg2[%add3A_357] : memref<3145728xf32, #tpu.memory_space<hbm>> -> memref<1024xf32, #tpu.memory_space<hbm>>
        %dma_start3A_361 = arith.constant 1024 : i32
        %dma_start3A_362 = tpu.memref_slice %arg8[%dma_start3A_361] : memref<3072xf32, #tpu.memory_space<vmem>> -> memref<1024xf32, #tpu.memory_space<vmem>>
        %dma_start3A_363 = tpu.memref_slice %arg2[%add3A_357] : memref<3145728xf32, #tpu.memory_space<hbm>> -> memref<1024xf32, #tpu.memory_space<hbm>>
        tpu.enqueue_dma source(%dma_start3A_363 : memref<1024xf32, #tpu.memory_space<hbm>>) target(%dma_start3A_362 : memref<1024xf32, #tpu.memory_space<vmem>>) target_semaphore(%arg20 : memref<!tpu.dma_semaphore, #tpu.memory_space<semaphore_mem>>)
        %mul3A_364 = arith.constant 3 : i32
        %mul3A_365 = arith.muli %add3A_118, %mul3A_364 : i32
        %add3A_366 = arith.constant 2 : i32
        %add3A_367 = arith.addi %mul3A_365, %add3A_366 : i32
        %mul3A_368 = arith.constant 262144 : i32
        %mul3A_369 = arith.muli %add3A_367, %mul3A_368 : i32
        %add3A_370 = arith.addi %mul3A_369, %mul3A_317 : i32
        %dma_start3A_371 = arith.constant 2048 : i32
        %dma_start3A_372 = tpu.memref_slice %arg8[%dma_start3A_371] : memref<3072xf32, #tpu.memory_space<vmem>> -> memref<1024xf32, #tpu.memory_space<vmem>>
        %dma_start3A_373 = tpu.memref_slice %arg2[%add3A_370] : memref<3145728xf32, #tpu.memory_space<hbm>> -> memref<1024xf32, #tpu.memory_space<hbm>>
        %dma_start3A_374 = arith.constant 2048 : i32
        %dma_start3A_375 = tpu.memref_slice %arg8[%dma_start3A_374] : memref<3072xf32, #tpu.memory_space<vmem>> -> memref<1024xf32, #tpu.memory_space<vmem>>
        %dma_start3A_376 = tpu.memref_slice %arg2[%add3A_370] : memref<3145728xf32, #tpu.memory_space<hbm>> -> memref<1024xf32, #tpu.memory_space<hbm>>
        tpu.enqueue_dma source(%dma_start3A_376 : memref<1024xf32, #tpu.memory_space<hbm>>) target(%dma_start3A_375 : memref<1024xf32, #tpu.memory_space<vmem>>) target_semaphore(%arg20 : memref<!tpu.dma_semaphore, #tpu.memory_space<semaphore_mem>>)
      } else {
      }
      %ge3A_284 = arith.constant 1 : i32
      %ge3A_285 = arith.cmpi sge, %scan3A_228, %ge3A_284 : i32
      %convert_element_type3A_286 = arith.extui %ge3A_285 : i1 to i32
      %cond3A_287 = arith.constant 0 : i32
      %cond3A_288 = arith.cmpi ne, %convert_element_type3A_286, %cond3A_287 : i32
      scf.if %cond3A_288 {
        %dma_wait3A_309 = arith.constant 0 : i32
        %dma_wait3A_310 = tpu.memref_slice %arg3[%dma_wait3A_309] : memref<2097152xf32, #tpu.memory_space<hbm>> -> memref<4096xf32, #tpu.memory_space<hbm>>
        %dma_wait3A_311 = arith.constant 0 : i32
        %dma_wait3A_312 = tpu.memref_slice %arg3[%dma_wait3A_311] : memref<2097152xf32, #tpu.memory_space<hbm>> -> memref<4096xf32, #tpu.memory_space<hbm>>
        tpu.wait_dma2 semaphore(%arg23 : memref<!tpu.dma_semaphore, #tpu.memory_space<semaphore_mem>>) src(%dma_wait3A_312 : memref<4096xf32, #tpu.memory_space<hbm>>) dst(%arg18 : memref<4096xf32, #tpu.memory_space<vmem>>)
        %dma_wait3A_313 = arith.constant 0 : i32
        %dma_wait3A_314 = tpu.memref_slice %arg3[%dma_wait3A_313] : memref<2097152xf32, #tpu.memory_space<hbm>> -> memref<4096xf32, #tpu.memory_space<hbm>>
        %dma_wait3A_315 = arith.constant 0 : i32
        %dma_wait3A_316 = tpu.memref_slice %arg3[%dma_wait3A_315] : memref<2097152xf32, #tpu.memory_space<hbm>> -> memref<4096xf32, #tpu.memory_space<hbm>>
        tpu.wait_dma2 semaphore(%arg23 : memref<!tpu.dma_semaphore, #tpu.memory_space<semaphore_mem>>) src(%dma_wait3A_316 : memref<4096xf32, #tpu.memory_space<hbm>>) dst(%arg18 : memref<4096xf32, #tpu.memory_space<vmem>>)
        %dma_wait3A_317 = arith.constant 0 : i32
        %dma_wait3A_318 = tpu.memref_slice %arg3[%dma_wait3A_317] : memref<2097152xf32, #tpu.memory_space<hbm>> -> memref<4096xf32, #tpu.memory_space<hbm>>
        %dma_wait3A_319 = arith.constant 0 : i32
        %dma_wait3A_320 = tpu.memref_slice %arg3[%dma_wait3A_319] : memref<2097152xf32, #tpu.memory_space<hbm>> -> memref<4096xf32, #tpu.memory_space<hbm>>
        tpu.wait_dma2 semaphore(%arg23 : memref<!tpu.dma_semaphore, #tpu.memory_space<semaphore_mem>>) src(%dma_wait3A_320 : memref<4096xf32, #tpu.memory_space<hbm>>) dst(%arg18 : memref<4096xf32, #tpu.memory_space<vmem>>)
      } else {
      }
      %scan3A_289 = arith.constant 0 : i32
      %scan3A_290 = arith.constant 0 : i32
      %scan3A_291 = arith.constant 64 : i32
      %scan3A_292 = arith.addi %scan3A_290, %scan3A_291 : i32
      %scan3A_293 = arith.constant 1 : i32
      %scan3A_294 = scf.for %scan3A_309 = %scan3A_290 to %scan3A_292 step %scan3A_293 iter_args(%scan3A_310 = %scan3A_289) -> (i32)  : i32 {
        %mul3A_311 = arith.constant 16 : i32
        %mul3A_312 = arith.muli %scan3A_309, %mul3A_311 : i32
        %get3A = arith.index_cast %mul3A_312 : i32 to index
        %get3A_313 = tpu.vector_load %arg7[%get3A] {strides = array<i32>} : memref<2048xf32, #tpu.memory_space<vmem>>, vector<16xf32>,
        %get3A_314 = vector.shape_cast %get3A_313 : vector<16xf32> to vector<16xf32>
        %add3A_315 = arith.constant 1024 : i32
        %add3A_316 = arith.addi %add3A_315, %mul3A_312 : i32
        %get3A_317 = arith.index_cast %add3A_316 : i32 to index
        %get3A_318 = tpu.vector_load %arg7[%get3A_317] {strides = array<i32>} : memref<2048xf32, #tpu.memory_space<vmem>>, vector<16xf32>,
        %get3A_319 = vector.shape_cast %get3A_318 : vector<16xf32> to vector<16xf32>
        %convert_element_type3A_320 = arith.fptosi %get3A_314 : vector<16xf32> to vector<16xi32>
        %convert_element_type3A_321 = arith.fptosi %get3A_319 : vector<16xf32> to vector<16xi32>
        %convert_element_type3A_322 = arith.sitofp %convert_element_type3A_320 : vector<16xi32> to vector<16xf32>
        %sub3A = arith.subf %get3A_314, %convert_element_type3A_322 : vector<16xf32>
        %convert_element_type3A_323 = arith.sitofp %convert_element_type3A_321 : vector<16xi32> to vector<16xf32>
        %sub3A_324 = arith.subf %get3A_319, %convert_element_type3A_323 : vector<16xf32>
        %sub3A_325 = arith.constant 1.000000e+00 : f32
        %sub3A_326 = vector.broadcast %sub3A_325 : f32 to vector<16xf32>
        %sub3A_327 = arith.subf %sub3A_326, %sub3A : vector<16xf32>
        %sub3A_328 = arith.constant 1.000000e+00 : f32
        %sub3A_329 = vector.broadcast %sub3A_328 : f32 to vector<16xf32>
        %sub3A_330 = arith.subf %sub3A_329, %sub3A_324 : vector<16xf32>
        %sub3A_331 = arith.constant 512 : i32
        %sub3A_332 = vector.broadcast %sub3A_331 : i32 to vector<16xi32>
        %sub3A_333 = arith.subi %convert_element_type3A_320, %sub3A_332 : vector<16xi32>
        %sub3A_334 = arith.constant 512 : i32
        %sub3A_335 = vector.broadcast %sub3A_334 : i32 to vector<16xi32>
        %sub3A_336 = arith.subi %convert_element_type3A_321, %sub3A_335 : vector<16xi32>
        %add3A_337 = arith.constant 1 : i32
        %add3A_338 = vector.broadcast %add3A_337 : i32 to vector<16xi32>
        %add3A_339 = arith.addi %sub3A_333, %add3A_338 : vector<16xi32>
        %add3A_340 = arith.constant 1 : i32
        %add3A_341 = vector.broadcast %add3A_340 : i32 to vector<16xi32>
        %add3A_342 = arith.addi %sub3A_336, %add3A_341 : vector<16xi32>
        %ge3A_343 = arith.constant 0 : i32
        %ge3A_344 = vector.broadcast %ge3A_343 : i32 to vector<16xi32>
        %ge3A_345 = arith.cmpi sge, %sub3A_333, %ge3A_344 : vector<16xi32>
        %lt3A_346 = arith.constant 512 : i32
        %lt3A_347 = vector.broadcast %lt3A_346 : i32 to vector<16xi32>
        %lt3A_348 = arith.cmpi slt, %sub3A_333, %lt3A_347 : vector<16xi32>
        %and3A = arith.andi %ge3A_345, %lt3A_348 : vector<16xi1>
        %jit3A = arith.constant 0.000000e+00 : f32
        %broadcast_in_dim3A = vector.broadcast %jit3A : f32 to vector<16xf32>
        %select_n3A = arith.select %and3A, %sub3A_327, %broadcast_in_dim3A : vector<16xi1>, vector<16xf32>
        %ge3A_349 = arith.constant 0 : i32
        %ge3A_350 = vector.broadcast %ge3A_349 : i32 to vector<16xi32>
        %ge3A_351 = arith.cmpi sge, %add3A_339, %ge3A_350 : vector<16xi32>
        %lt3A_352 = arith.constant 512 : i32
        %lt3A_353 = vector.broadcast %lt3A_352 : i32 to vector<16xi32>
        %lt3A_354 = arith.cmpi slt, %add3A_339, %lt3A_353 : vector<16xi32>
        %and3A_355 = arith.andi %ge3A_351, %lt3A_354 : vector<16xi1>
        %jit3A_356 = arith.constant 0.000000e+00 : f32
        %broadcast_in_dim3A_357 = vector.broadcast %jit3A_356 : f32 to vector<16xf32>
        %select_n3A_358 = arith.select %and3A_355, %sub3A, %broadcast_in_dim3A_357 : vector<16xi1>, vector<16xf32>
        %ge3A_359 = arith.constant 0 : i32
        %ge3A_360 = vector.broadcast %ge3A_359 : i32 to vector<16xi32>
        %ge3A_361 = arith.cmpi sge, %sub3A_336, %ge3A_360 : vector<16xi32>
        %lt3A_362 = arith.constant 512 : i32
        %lt3A_363 = vector.broadcast %lt3A_362 : i32 to vector<16xi32>
        %lt3A_364 = arith.cmpi slt, %sub3A_336, %lt3A_363 : vector<16xi32>
        %and3A_365 = arith.andi %ge3A_361, %lt3A_364 : vector<16xi1>
        %jit3A_366 = arith.constant 0.000000e+00 : f32
        %broadcast_in_dim3A_367 = vector.broadcast %jit3A_366 : f32 to vector<16xf32>
        %select_n3A_368 = arith.select %and3A_365, %sub3A_330, %broadcast_in_dim3A_367 : vector<16xi1>, vector<16xf32>
        %ge3A_369 = arith.constant 0 : i32
        %ge3A_370 = vector.broadcast %ge3A_369 : i32 to vector<16xi32>
        %ge3A_371 = arith.cmpi sge, %add3A_342, %ge3A_370 : vector<16xi32>
        %lt3A_372 = arith.constant 512 : i32
        %lt3A_373 = vector.broadcast %lt3A_372 : i32 to vector<16xi32>
        %lt3A_374 = arith.cmpi slt, %add3A_342, %lt3A_373 : vector<16xi32>
        %and3A_375 = arith.andi %ge3A_371, %lt3A_374 : vector<16xi1>
        %jit3A_376 = arith.constant 0.000000e+00 : f32
        %broadcast_in_dim3A_377 = vector.broadcast %jit3A_376 : f32 to vector<16xf32>
        %select_n3A_378 = arith.select %and3A_375, %sub3A_324, %broadcast_in_dim3A_377 : vector<16xi1>, vector<16xf32>
        %jit3A_379 = arith.constant 0 : i32
        %jit3A_380 = arith.constant 511 : i32
        %max3A = vector.broadcast %jit3A_379 : i32 to vector<16xi32>
        %max3A_381 = arith.maxsi %max3A, %sub3A_333 : vector<16xi32>
        %min3A = vector.broadcast %jit3A_380 : i32 to vector<16xi32>
        %min3A_382 = arith.minsi %min3A, %max3A_381 : vector<16xi32>
        %jit3A_383 = arith.constant 0 : i32
        %jit3A_384 = arith.constant 511 : i32
        %max3A_385 = vector.broadcast %jit3A_383 : i32 to vector<16xi32>
        %max3A_386 = arith.maxsi %max3A_385, %add3A_339 : vector<16xi32>
        %min3A_387 = vector.broadcast %jit3A_384 : i32 to vector<16xi32>
        %min3A_388 = arith.minsi %min3A_387, %max3A_386 : vector<16xi32>
        %jit3A_389 = arith.constant 0 : i32
        %jit3A_390 = arith.constant 511 : i32
        %max3A_391 = vector.broadcast %jit3A_389 : i32 to vector<16xi32>
        %max3A_392 = arith.maxsi %max3A_391, %sub3A_336 : vector<16xi32>
        %min3A_393 = vector.broadcast %jit3A_390 : i32 to vector<16xi32>
        %min3A_394 = arith.minsi %min3A_393, %max3A_392 : vector<16xi32>
        %shift_left3A = arith.constant 9 : i32
        %shift_left3A_395 = vector.broadcast %shift_left3A : i32 to vector<16xi32>
        %shift_left3A_396 = arith.shli %min3A_394, %shift_left3A_395 : vector<16xi32>
        %jit3A_397 = arith.constant 0 : i32
        %jit3A_398 = arith.constant 511 : i32
        %max3A_399 = vector.broadcast %jit3A_397 : i32 to vector<16xi32>
        %max3A_400 = arith.maxsi %max3A_399, %add3A_342 : vector<16xi32>
        %min3A_401 = vector.broadcast %jit3A_398 : i32 to vector<16xi32>
        %min3A_402 = arith.minsi %min3A_401, %max3A_400 : vector<16xi32>
        %shift_left3A_403 = arith.constant 9 : i32
        %shift_left3A_404 = vector.broadcast %shift_left3A_403 : i32 to vector<16xi32>
        %shift_left3A_405 = arith.shli %min3A_402, %shift_left3A_404 : vector<16xi32>
        %get3A_406 = arith.index_cast %mul3A_312 : i32 to index
        %get3A_407 = tpu.vector_load %arg9[%get3A_406] {strides = array<i32>} : memref<3072xf32, #tpu.memory_space<vmem>>, vector<16xf32>,
        %get3A_408 = vector.shape_cast %get3A_407 : vector<16xf32> to vector<16xf32>
        %add3A_409 = arith.constant 1024 : i32
        %add3A_410 = arith.addi %add3A_409, %mul3A_312 : i32
        %get3A_411 = arith.index_cast %add3A_410 : i32 to index
        %get3A_412 = tpu.vector_load %arg9[%get3A_411] {strides = array<i32>} : memref<3072xf32, #tpu.memory_space<vmem>>, vector<16xf32>,
        %get3A_413 = vector.shape_cast %get3A_412 : vector<16xf32> to vector<16xf32>
        %add3A_414 = arith.constant 2048 : i32
        %add3A_415 = arith.addi %add3A_414, %mul3A_312 : i32
        %get3A_416 = arith.index_cast %add3A_415 : i32 to index
        %get3A_417 = tpu.vector_load %arg9[%get3A_416] {strides = array<i32>} : memref<3072xf32, #tpu.memory_space<vmem>>, vector<16xf32>,
        %get3A_418 = vector.shape_cast %get3A_417 : vector<16xf32> to vector<16xf32>
        %add3A_419 = arith.addi %shift_left3A_396, %min3A_382 : vector<16xi32>
        %mul3A_420 = arith.mulf %select_n3A, %select_n3A_368 : vector<16xf32>
        %add3A_421 = arith.addi %shift_left3A_396, %min3A_388 : vector<16xi32>
        %mul3A_422 = arith.mulf %select_n3A_358, %select_n3A_368 : vector<16xf32>
        %add3A_423 = arith.addi %shift_left3A_405, %min3A_382 : vector<16xi32>
        %mul3A_424 = arith.mulf %select_n3A, %select_n3A_378 : vector<16xf32>
        %add3A_425 = arith.addi %shift_left3A_405, %min3A_388 : vector<16xi32>
        %mul3A_426 = arith.mulf %select_n3A_358, %select_n3A_378 : vector<16xf32>
        %add3A_427 = arith.constant 0 : i32
        %add3A_428 = arith.addi %add3A_427, %mul3A_312 : i32
        %swap3A = arith.index_cast %add3A_428 : i32 to index
        %swap3A_429 = tpu.vector_load %arg11[%swap3A] {strides = array<i32>} : memref<4096xi32, #tpu.memory_space<vmem>>, vector<16xi32>,
        %swap3A_430 = vector.shape_cast %swap3A_429 : vector<16xi32> to vector<16xi32>
        %swap3A_431 = vector.shape_cast %add3A_419 : vector<16xi32> to vector<16xi32>
        tpu.vector_store %arg11[%swap3A], %swap3A_431 {strides = array<i32>} : memref<4096xi32, #tpu.memory_space<vmem>>, vector<16xi32>,
        %mul3A_432 = arith.mulf %get3A_408, %mul3A_420 : vector<16xf32>
        %add3A_433 = arith.constant 0 : i32
        %add3A_434 = arith.addi %add3A_433, %mul3A_312 : i32
        %swap3A_435 = arith.index_cast %add3A_434 : i32 to index
        %swap3A_436 = tpu.vector_load %arg13[%swap3A_435] {strides = array<i32>} : memref<4096xf32, #tpu.memory_space<vmem>>, vector<16xf32>,
        %swap3A_437 = vector.shape_cast %swap3A_436 : vector<16xf32> to vector<16xf32>
        %swap3A_438 = vector.shape_cast %mul3A_432 : vector<16xf32> to vector<16xf32>
        tpu.vector_store %arg13[%swap3A_435], %swap3A_438 {strides = array<i32>} : memref<4096xf32, #tpu.memory_space<vmem>>, vector<16xf32>,
        %mul3A_439 = arith.mulf %get3A_413, %mul3A_420 : vector<16xf32>
        %add3A_440 = arith.constant 0 : i32
        %add3A_441 = arith.addi %add3A_440, %mul3A_312 : i32
        %swap3A_442 = arith.index_cast %add3A_441 : i32 to index
        %swap3A_443 = tpu.vector_load %arg15[%swap3A_442] {strides = array<i32>} : memref<4096xf32, #tpu.memory_space<vmem>>, vector<16xf32>,
        %swap3A_444 = vector.shape_cast %swap3A_443 : vector<16xf32> to vector<16xf32>
        %swap3A_445 = vector.shape_cast %mul3A_439 : vector<16xf32> to vector<16xf32>
        tpu.vector_store %arg15[%swap3A_442], %swap3A_445 {strides = array<i32>} : memref<4096xf32, #tpu.memory_space<vmem>>, vector<16xf32>,
        %mul3A_446 = arith.mulf %get3A_418, %mul3A_420 : vector<16xf32>
        %add3A_447 = arith.constant 0 : i32
        %add3A_448 = arith.addi %add3A_447, %mul3A_312 : i32
        %swap3A_449 = arith.index_cast %add3A_448 : i32 to index
        %swap3A_450 = tpu.vector_load %arg17[%swap3A_449] {strides = array<i32>} : memref<4096xf32, #tpu.memory_space<vmem>>, vector<16xf32>,
        %swap3A_451 = vector.shape_cast %swap3A_450 : vector<16xf32> to vector<16xf32>
        %swap3A_452 = vector.shape_cast %mul3A_446 : vector<16xf32> to vector<16xf32>
        tpu.vector_store %arg17[%swap3A_449], %swap3A_452 {strides = array<i32>} : memref<4096xf32, #tpu.memory_space<vmem>>, vector<16xf32>,
        %add3A_453 = arith.constant 1024 : i32
        %add3A_454 = arith.addi %add3A_453, %mul3A_312 : i32
        %swap3A_455 = arith.index_cast %add3A_454 : i32 to index
        %swap3A_456 = tpu.vector_load %arg11[%swap3A_455] {strides = array<i32>} : memref<4096xi32, #tpu.memory_space<vmem>>, vector<16xi32>,
        %swap3A_457 = vector.shape_cast %swap3A_456 : vector<16xi32> to vector<16xi32>
        %swap3A_458 = vector.shape_cast %add3A_421 : vector<16xi32> to vector<16xi32>
        tpu.vector_store %arg11[%swap3A_455], %swap3A_458 {strides = array<i32>} : memref<4096xi32, #tpu.memory_space<vmem>>, vector<16xi32>,
        %mul3A_459 = arith.mulf %get3A_408, %mul3A_422 : vector<16xf32>
        %add3A_460 = arith.constant 1024 : i32
        %add3A_461 = arith.addi %add3A_460, %mul3A_312 : i32
        %swap3A_462 = arith.index_cast %add3A_461 : i32 to index
        %swap3A_463 = tpu.vector_load %arg13[%swap3A_462] {strides = array<i32>} : memref<4096xf32, #tpu.memory_space<vmem>>, vector<16xf32>,
        %swap3A_464 = vector.shape_cast %swap3A_463 : vector<16xf32> to vector<16xf32>
        %swap3A_465 = vector.shape_cast %mul3A_459 : vector<16xf32> to vector<16xf32>
        tpu.vector_store %arg13[%swap3A_462], %swap3A_465 {strides = array<i32>} : memref<4096xf32, #tpu.memory_space<vmem>>, vector<16xf32>,
        %mul3A_466 = arith.mulf %get3A_413, %mul3A_422 : vector<16xf32>
        %add3A_467 = arith.constant 1024 : i32
        %add3A_468 = arith.addi %add3A_467, %mul3A_312 : i32
        %swap3A_469 = arith.index_cast %add3A_468 : i32 to index
        %swap3A_470 = tpu.vector_load %arg15[%swap3A_469] {strides = array<i32>} : memref<4096xf32, #tpu.memory_space<vmem>>, vector<16xf32>,
        %swap3A_471 = vector.shape_cast %swap3A_470 : vector<16xf32> to vector<16xf32>
        %swap3A_472 = vector.shape_cast %mul3A_466 : vector<16xf32> to vector<16xf32>
        tpu.vector_store %arg15[%swap3A_469], %swap3A_472 {strides = array<i32>} : memref<4096xf32, #tpu.memory_space<vmem>>, vector<16xf32>,
        %mul3A_473 = arith.mulf %get3A_418, %mul3A_422 : vector<16xf32>
        %add3A_474 = arith.constant 1024 : i32
        %add3A_475 = arith.addi %add3A_474, %mul3A_312 : i32
        %swap3A_476 = arith.index_cast %add3A_475 : i32 to index
        %swap3A_477 = tpu.vector_load %arg17[%swap3A_476] {strides = array<i32>} : memref<4096xf32, #tpu.memory_space<vmem>>, vector<16xf32>,
        %swap3A_478 = vector.shape_cast %swap3A_477 : vector<16xf32> to vector<16xf32>
        %swap3A_479 = vector.shape_cast %mul3A_473 : vector<16xf32> to vector<16xf32>
        tpu.vector_store %arg17[%swap3A_476], %swap3A_479 {strides = array<i32>} : memref<4096xf32, #tpu.memory_space<vmem>>, vector<16xf32>,
        %add3A_480 = arith.constant 2048 : i32
        %add3A_481 = arith.addi %add3A_480, %mul3A_312 : i32
        %swap3A_482 = arith.index_cast %add3A_481 : i32 to index
        %swap3A_483 = tpu.vector_load %arg11[%swap3A_482] {strides = array<i32>} : memref<4096xi32, #tpu.memory_space<vmem>>, vector<16xi32>,
        %swap3A_484 = vector.shape_cast %swap3A_483 : vector<16xi32> to vector<16xi32>
        %swap3A_485 = vector.shape_cast %add3A_423 : vector<16xi32> to vector<16xi32>
        tpu.vector_store %arg11[%swap3A_482], %swap3A_485 {strides = array<i32>} : memref<4096xi32, #tpu.memory_space<vmem>>, vector<16xi32>,
        %mul3A_486 = arith.mulf %get3A_408, %mul3A_424 : vector<16xf32>
        %add3A_487 = arith.constant 2048 : i32
        %add3A_488 = arith.addi %add3A_487, %mul3A_312 : i32
        %swap3A_489 = arith.index_cast %add3A_488 : i32 to index
        %swap3A_490 = tpu.vector_load %arg13[%swap3A_489] {strides = array<i32>} : memref<4096xf32, #tpu.memory_space<vmem>>, vector<16xf32>,
        %swap3A_491 = vector.shape_cast %swap3A_490 : vector<16xf32> to vector<16xf32>
        %swap3A_492 = vector.shape_cast %mul3A_486 : vector<16xf32> to vector<16xf32>
        tpu.vector_store %arg13[%swap3A_489], %swap3A_492 {strides = array<i32>} : memref<4096xf32, #tpu.memory_space<vmem>>, vector<16xf32>,
        %mul3A_493 = arith.mulf %get3A_413, %mul3A_424 : vector<16xf32>
        %add3A_494 = arith.constant 2048 : i32
        %add3A_495 = arith.addi %add3A_494, %mul3A_312 : i32
        %swap3A_496 = arith.index_cast %add3A_495 : i32 to index
        %swap3A_497 = tpu.vector_load %arg15[%swap3A_496] {strides = array<i32>} : memref<4096xf32, #tpu.memory_space<vmem>>, vector<16xf32>,
        %swap3A_498 = vector.shape_cast %swap3A_497 : vector<16xf32> to vector<16xf32>
        %swap3A_499 = vector.shape_cast %mul3A_493 : vector<16xf32> to vector<16xf32>
        tpu.vector_store %arg15[%swap3A_496], %swap3A_499 {strides = array<i32>} : memref<4096xf32, #tpu.memory_space<vmem>>, vector<16xf32>,
        %mul3A_500 = arith.mulf %get3A_418, %mul3A_424 : vector<16xf32>
        %add3A_501 = arith.constant 2048 : i32
        %add3A_502 = arith.addi %add3A_501, %mul3A_312 : i32
        %swap3A_503 = arith.index_cast %add3A_502 : i32 to index
        %swap3A_504 = tpu.vector_load %arg17[%swap3A_503] {strides = array<i32>} : memref<4096xf32, #tpu.memory_space<vmem>>, vector<16xf32>,
        %swap3A_505 = vector.shape_cast %swap3A_504 : vector<16xf32> to vector<16xf32>
        %swap3A_506 = vector.shape_cast %mul3A_500 : vector<16xf32> to vector<16xf32>
        tpu.vector_store %arg17[%swap3A_503], %swap3A_506 {strides = array<i32>} : memref<4096xf32, #tpu.memory_space<vmem>>, vector<16xf32>,
        %add3A_507 = arith.constant 3072 : i32
        %add3A_508 = arith.addi %add3A_507, %mul3A_312 : i32
        %swap3A_509 = arith.index_cast %add3A_508 : i32 to index
        %swap3A_510 = tpu.vector_load %arg11[%swap3A_509] {strides = array<i32>} : memref<4096xi32, #tpu.memory_space<vmem>>, vector<16xi32>,
        %swap3A_511 = vector.shape_cast %swap3A_510 : vector<16xi32> to vector<16xi32>
        %swap3A_512 = vector.shape_cast %add3A_425 : vector<16xi32> to vector<16xi32>
        tpu.vector_store %arg11[%swap3A_509], %swap3A_512 {strides = array<i32>} : memref<4096xi32, #tpu.memory_space<vmem>>, vector<16xi32>,
        %mul3A_513 = arith.mulf %get3A_408, %mul3A_426 : vector<16xf32>
        %add3A_514 = arith.constant 3072 : i32
        %add3A_515 = arith.addi %add3A_514, %mul3A_312 : i32
        %swap3A_516 = arith.index_cast %add3A_515 : i32 to index
        %swap3A_517 = tpu.vector_load %arg13[%swap3A_516] {strides = array<i32>} : memref<4096xf32, #tpu.memory_space<vmem>>, vector<16xf32>,
        %swap3A_518 = vector.shape_cast %swap3A_517 : vector<16xf32> to vector<16xf32>
        %swap3A_519 = vector.shape_cast %mul3A_513 : vector<16xf32> to vector<16xf32>
        tpu.vector_store %arg13[%swap3A_516], %swap3A_519 {strides = array<i32>} : memref<4096xf32, #tpu.memory_space<vmem>>, vector<16xf32>,
        %mul3A_520 = arith.mulf %get3A_413, %mul3A_426 : vector<16xf32>
        %add3A_521 = arith.constant 3072 : i32
        %add3A_522 = arith.addi %add3A_521, %mul3A_312 : i32
        %swap3A_523 = arith.index_cast %add3A_522 : i32 to index
        %swap3A_524 = tpu.vector_load %arg15[%swap3A_523] {strides = array<i32>} : memref<4096xf32, #tpu.memory_space<vmem>>, vector<16xf32>,
        %swap3A_525 = vector.shape_cast %swap3A_524 : vector<16xf32> to vector<16xf32>
        %swap3A_526 = vector.shape_cast %mul3A_520 : vector<16xf32> to vector<16xf32>
        tpu.vector_store %arg15[%swap3A_523], %swap3A_526 {strides = array<i32>} : memref<4096xf32, #tpu.memory_space<vmem>>, vector<16xf32>,
        %mul3A_527 = arith.mulf %get3A_418, %mul3A_426 : vector<16xf32>
        %add3A_528 = arith.constant 3072 : i32
        %add3A_529 = arith.addi %add3A_528, %mul3A_312 : i32
        %swap3A_530 = arith.index_cast %add3A_529 : i32 to index
        %swap3A_531 = tpu.vector_load %arg17[%swap3A_530] {strides = array<i32>} : memref<4096xf32, #tpu.memory_space<vmem>>, vector<16xf32>,
        %swap3A_532 = vector.shape_cast %swap3A_531 : vector<16xf32> to vector<16xf32>
        %swap3A_533 = vector.shape_cast %mul3A_527 : vector<16xf32> to vector<16xf32>
        tpu.vector_store %arg17[%swap3A_530], %swap3A_533 {strides = array<i32>} : memref<4096xf32, #tpu.memory_space<vmem>>, vector<16xf32>,
        %scan3A_534 = arith.constant 0 : i32
        scf.yield %scan3A_534 : i32
      }
      %scan3A_295 = arith.constant 64 : i32
      %dma_start3A_296 = arith.constant 0 : i32
      %dma_start3A_297 = tpu.memref_slice %arg19[%dma_start3A_296] : memref<786432xf32, #tpu.memory_space<vmem_shared>> -> memref<262144xf32, #tpu.memory_space<vmem_shared>>
      %dma_start3A_298 = arith.constant 0 : i32
      %dma_start3A_299 = tpu.memref_slice %dma_start3A_297[%dma_start3A_298] : memref<262144xf32, #tpu.memory_space<vmem_shared>> -> memref<262144xf32, #tpu.memory_space<vmem_shared>>
      tpu.enqueue_indirect_dma source(%arg13 : memref<4096xf32, #tpu.memory_space<vmem>>) target(%dma_start3A_299 : memref<262144xf32, #tpu.memory_space<vmem_shared>>) offsets(%arg11 : memref<4096xi32, #tpu.memory_space<vmem>>) semaphore(%arg23 : memref<!tpu.dma_semaphore, #tpu.memory_space<semaphore_mem>>) {add = true}
      %dma_start3A_300 = arith.constant 262144 : i32
      %dma_start3A_301 = tpu.memref_slice %arg19[%dma_start3A_300] : memref<786432xf32, #tpu.memory_space<vmem_shared>> -> memref<262144xf32, #tpu.memory_space<vmem_shared>>
      %dma_start3A_302 = arith.constant 0 : i32
      %dma_start3A_303 = tpu.memref_slice %dma_start3A_301[%dma_start3A_302] : memref<262144xf32, #tpu.memory_space<vmem_shared>> -> memref<262144xf32, #tpu.memory_space<vmem_shared>>
      tpu.enqueue_indirect_dma source(%arg15 : memref<4096xf32, #tpu.memory_space<vmem>>) target(%dma_start3A_303 : memref<262144xf32, #tpu.memory_space<vmem_shared>>) offsets(%arg11 : memref<4096xi32, #tpu.memory_space<vmem>>) semaphore(%arg23 : memref<!tpu.dma_semaphore, #tpu.memory_space<semaphore_mem>>) {add = true}
      %dma_start3A_304 = arith.constant 524288 : i32
      %dma_start3A_305 = tpu.memref_slice %arg19[%dma_start3A_304] : memref<786432xf32, #tpu.memory_space<vmem_shared>> -> memref<262144xf32, #tpu.memory_space<vmem_shared>>
      %dma_start3A_306 = arith.constant 0 : i32
      %dma_start3A_307 = tpu.memref_slice %dma_start3A_305[%dma_start3A_306] : memref<262144xf32, #tpu.memory_space<vmem_shared>> -> memref<262144xf32, #tpu.memory_space<vmem_shared>>
      tpu.enqueue_indirect_dma source(%arg17 : memref<4096xf32, #tpu.memory_space<vmem>>) target(%dma_start3A_307 : memref<262144xf32, #tpu.memory_space<vmem_shared>>) offsets(%arg11 : memref<4096xi32, #tpu.memory_space<vmem>>) semaphore(%arg23 : memref<!tpu.dma_semaphore, #tpu.memory_space<semaphore_mem>>) {add = true}
      %scan3A_308 = arith.constant 0 : i32
      scf.yield %scan3A_308 : i32
    }
    %scan3A_193 = arith.constant 8 : i32
    %dma_wait3A_194 = arith.constant 0 : i32
    %dma_wait3A_195 = tpu.memref_slice %arg3[%dma_wait3A_194] : memref<2097152xf32, #tpu.memory_space<hbm>> -> memref<4096xf32, #tpu.memory_space<hbm>>
    %dma_wait3A_196 = arith.constant 0 : i32
    %dma_wait3A_197 = tpu.memref_slice %arg3[%dma_wait3A_196] : memref<2097152xf32, #tpu.memory_space<hbm>> -> memref<4096xf32, #tpu.memory_space<hbm>>
    tpu.wait_dma2 semaphore(%arg22 : memref<!tpu.dma_semaphore, #tpu.memory_space<semaphore_mem>>) src(%dma_wait3A_197 : memref<4096xf32, #tpu.memory_space<hbm>>) dst(%arg18 : memref<4096xf32, #tpu.memory_space<vmem>>)
    %dma_wait3A_198 = arith.constant 0 : i32
    %dma_wait3A_199 = tpu.memref_slice %arg3[%dma_wait3A_198] : memref<2097152xf32, #tpu.memory_space<hbm>> -> memref<4096xf32, #tpu.memory_space<hbm>>
    %dma_wait3A_200 = arith.constant 0 : i32
    %dma_wait3A_201 = tpu.memref_slice %arg3[%dma_wait3A_200] : memref<2097152xf32, #tpu.memory_space<hbm>> -> memref<4096xf32, #tpu.memory_space<hbm>>
    tpu.wait_dma2 semaphore(%arg22 : memref<!tpu.dma_semaphore, #tpu.memory_space<semaphore_mem>>) src(%dma_wait3A_201 : memref<4096xf32, #tpu.memory_space<hbm>>) dst(%arg18 : memref<4096xf32, #tpu.memory_space<vmem>>)
    %dma_wait3A_202 = arith.constant 0 : i32
    %dma_wait3A_203 = tpu.memref_slice %arg3[%dma_wait3A_202] : memref<2097152xf32, #tpu.memory_space<hbm>> -> memref<4096xf32, #tpu.memory_space<hbm>>
    %dma_wait3A_204 = arith.constant 0 : i32
    %dma_wait3A_205 = tpu.memref_slice %arg3[%dma_wait3A_204] : memref<2097152xf32, #tpu.memory_space<hbm>> -> memref<4096xf32, #tpu.memory_space<hbm>>
    tpu.wait_dma2 semaphore(%arg22 : memref<!tpu.dma_semaphore, #tpu.memory_space<semaphore_mem>>) src(%dma_wait3A_205 : memref<4096xf32, #tpu.memory_space<hbm>>) dst(%arg18 : memref<4096xf32, #tpu.memory_space<vmem>>)
    %dma_wait3A_206 = arith.constant 0 : i32
    %dma_wait3A_207 = tpu.memref_slice %arg3[%dma_wait3A_206] : memref<2097152xf32, #tpu.memory_space<hbm>> -> memref<4096xf32, #tpu.memory_space<hbm>>
    %dma_wait3A_208 = arith.constant 0 : i32
    %dma_wait3A_209 = tpu.memref_slice %arg3[%dma_wait3A_208] : memref<2097152xf32, #tpu.memory_space<hbm>> -> memref<4096xf32, #tpu.memory_space<hbm>>
    tpu.wait_dma2 semaphore(%arg23 : memref<!tpu.dma_semaphore, #tpu.memory_space<semaphore_mem>>) src(%dma_wait3A_209 : memref<4096xf32, #tpu.memory_space<hbm>>) dst(%arg18 : memref<4096xf32, #tpu.memory_space<vmem>>)
    %dma_wait3A_210 = arith.constant 0 : i32
    %dma_wait3A_211 = tpu.memref_slice %arg3[%dma_wait3A_210] : memref<2097152xf32, #tpu.memory_space<hbm>> -> memref<4096xf32, #tpu.memory_space<hbm>>
    %dma_wait3A_212 = arith.constant 0 : i32
    %dma_wait3A_213 = tpu.memref_slice %arg3[%dma_wait3A_212] : memref<2097152xf32, #tpu.memory_space<hbm>> -> memref<4096xf32, #tpu.memory_space<hbm>>
    tpu.wait_dma2 semaphore(%arg23 : memref<!tpu.dma_semaphore, #tpu.memory_space<semaphore_mem>>) src(%dma_wait3A_213 : memref<4096xf32, #tpu.memory_space<hbm>>) dst(%arg18 : memref<4096xf32, #tpu.memory_space<vmem>>)
    %dma_wait3A_214 = arith.constant 0 : i32
    %dma_wait3A_215 = tpu.memref_slice %arg3[%dma_wait3A_214] : memref<2097152xf32, #tpu.memory_space<hbm>> -> memref<4096xf32, #tpu.memory_space<hbm>>
    %dma_wait3A_216 = arith.constant 0 : i32
    %dma_wait3A_217 = tpu.memref_slice %arg3[%dma_wait3A_216] : memref<2097152xf32, #tpu.memory_space<hbm>> -> memref<4096xf32, #tpu.memory_space<hbm>>
    tpu.wait_dma2 semaphore(%arg23 : memref<!tpu.dma_semaphore, #tpu.memory_space<semaphore_mem>>) src(%dma_wait3A_217 : memref<4096xf32, #tpu.memory_space<hbm>>) dst(%arg18 : memref<4096xf32, #tpu.memory_space<vmem>>)
    %barrier3A_218 = arith.constant 0 : index
    tpu.barrier barrier_id(%barrier3A_218)
    %mul3A_219 = arith.constant 49152 : i32
    %mul3A_220 = arith.muli %arg1, %mul3A_219 : i32
    %mul3A_221 = arith.constant 3 : i32
    %mul3A_222 = arith.muli %add3A_118, %mul3A_221 : i32
    %mul3A_223 = arith.constant 262144 : i32
    %mul3A_224 = arith.muli %mul3A_222, %mul3A_223 : i32
    %mul3A_225 = arith.constant 49152 : i32
    %mul3A_226 = arith.muli %arg1, %mul3A_225 : i32
    %add3A_227 = arith.addi %mul3A_224, %mul3A_226 : i32
    "tpu.region"() ({
      %run_scoped3A = tpu.sem_alloc : memref<!tpu.dma_semaphore, #tpu.memory_space<semaphore_mem>>
      %dma_start3A_228 = tpu.memref_slice %arg5[%add3A_227] : memref<3145728xf32, #tpu.memory_space<hbm>> -> memref<49152xf32, #tpu.memory_space<hbm>>
      %dma_start3A_229 = tpu.memref_slice %arg19[%mul3A_220] : memref<786432xf32, #tpu.memory_space<vmem_shared>> -> memref<49152xf32, #tpu.memory_space<vmem_shared>>
      tpu.enqueue_dma source(%dma_start3A_229 : memref<49152xf32, #tpu.memory_space<vmem_shared>>) target(%dma_start3A_228 : memref<49152xf32, #tpu.memory_space<hbm>>) target_semaphore(%run_scoped3A : memref<!tpu.dma_semaphore, #tpu.memory_space<semaphore_mem>>)
      %dma_wait3A_230 = tpu.memref_slice %arg5[%add3A_227] : memref<3145728xf32, #tpu.memory_space<hbm>> -> memref<49152xf32, #tpu.memory_space<hbm>>
      %dma_wait3A_231 = tpu.memref_slice %arg19[%mul3A_220] : memref<786432xf32, #tpu.memory_space<vmem_shared>> -> memref<49152xf32, #tpu.memory_space<vmem_shared>>
      tpu.wait_dma2 semaphore(%run_scoped3A : memref<!tpu.dma_semaphore, #tpu.memory_space<semaphore_mem>>) src(%dma_wait3A_231 : memref<49152xf32, #tpu.memory_space<vmem_shared>>) dst(%dma_wait3A_230 : memref<49152xf32, #tpu.memory_space<hbm>>)
      tpu.yield
    }) : () -> ()
    return
  }
}

</mosaic_0001>

<sc_bundles>
// kernel: kernel.3.cloned.1.call-start
scs
__scs_entry_jumppad:
0x0: {  	(pc) =	sbr.rel $0x88, $3  }
0x1: {  	(tag) =	ssettag $0x0;
	lr =	simm.s32 $0x1  }
0x2: {  	[smem:$0x3F9F] =	sst lr;
	_ =	strace $0xD0000000  }
0x3: {  	_ = 	snop  }
0x4: {  	_ = 	snop  }
0x5: {  	_ = 	snop  }
0x6: {  	_ = 	snop  }
0x7: {  	_ = 	snop  }
__scs_overlays_trampoline_lowered:
0x8: {  	[smem:$0x3FAE] =	sst s0  }
0x9: {  	[smem:$0x3FAF] =	sst s1  }
0xa: {  	[smem:$0x3FB0] =	sst s2  }
0xb: {  	[smem:$0x3FB1] =	sst s3  }
0xc: {  	[smem:$0x3FB2] =	sst s4  }
0xd: {  	[smem:$0x3FB3] =	sst s5  }
0xe: {  	[smem:$0x3FB4] =	sst s6  }
0xf: {  	[smem:$0x3FB5] =	sst s7  }
0x10: {  	[smem:$0x3FB6] =	sst s8  }
0x11: {  	[smem:$0x3FB7] =	sst s9;
	s0 =	simm.s32 @!p0 $0x0  }
0x12: {  	s1 =	sld [smem:$0x3F9D];
	s0 =	simm.s32 @p0 $0x1  }
0x13: {  	[smem:$0x3FB8] =	sst s0;
	s0 =	simm.s32 @!p1 $0x0  }
0x14: {  	s2 =	sld [smem:$0x3F9C];
	s0 =	simm.s32 @p1 $0x1  }
0x15: {  	[smem:$0x3FB9] =	sst s0;
	s0 =	simm.s32 @!p2 $0x0  }
0x16: {  	s3 =	sld [smem:$0x3FDB];
	s0 =	simm.s32 @p2 $0x1  }
0x17: {  	s4 =	simm.s32 $0x1BF5;
	[smem:$0x3FBB] =	sst s0  }
0x18: {  	s0 =	sld [smem:$0x3F9E];
	_ =	swait.ge [sflag:s4], $0x0  }
0x19: {  	s7 =	sld [smem:$0x3F9F]  }
0x1a: {  	s8 =	sadd.s32 $0xFFFFE003, lr  }
0x1b: {  	s9 =	sadd.s32 $0xFFFFFEF7, lr;
	s5 =	simm.s32 $0xFFFFFFFF;
	p2 =	slt.u32 s8, $0xFFFFF086  }
0x1c: {  	p1 =	slt.u32 s9, $0xF7A;
	s5 =	simm.s32 @!p2 $0x0  }
0x1d: {  	s5 =	simm.s32 @p1 $0x1;
	p0 =	seq.s32 s7, s2  }
0x1e: {  	s7 =	smul.u32 @!p0 $0xF7A, s2;
	p2 =	seq.s32 @!p0 s5, $0x0  }
0x1f: {  	s9 =	smul.u32 $0xF7A, s1;
	s8 =	simm.s32 @!p0 $0x1BF5;
	p2 =	por !p2, p0  }
0x20: {  	[sflag:s8] =	ssyncset.s32 @!p0 $0xFFFFF086;
	s6 =	sadd.s32 @!p0 s3, s7;
	s7 =	simm.s32 @!p0 $0x108  }
0x21: {  	s3 =	sadd.s32 s3, s9;
	s6 =	sadd.s32 @!p0 $0x88, s6;
	s7 =	simm.s32 @p2 $0x1082  }
0x22: {  	[simem:s7], [sflag:s8] =	dma.local @!p0 [hbm:s6], $0xF7A  }
0x23: {  	s9 =	sor.u32 $0xD0000000, s2;
	s6 =	simm.s32 $0x108;
	_ =	swait.ge @!p0 [sflag:s8], $0x0  }
0x24: {  	s3 =	sadd.s32 $0x88, s3;
	s6 =	simm.s32 @!p1 $0x1082;
	[sflag:s4] =	ssyncset.s32 $0xFFFFF086  }
0x25: {  	[simem:s6], [sflag:s4] =	dma.local [hbm:s3], $0xF7A  }
0x26: {  	[smem:$0x3F9F] =	sst s1;
	(tag) =	ssettag s2;
	_ =	strace s9  }
0x27: {  	s1 =	sld [smem:$0x3FAF]  }
0x28: {  	s2 =	sld [smem:$0x3FB0]  }
0x29: {  	s4 =	sld [smem:$0x3FB2]  }
0x2a: {  	p0 =	seq.s32 s5, $0x0;
	s5 =	sld [smem:$0x3FB3]  }
0x2b: {  	s6 =	sld [smem:$0x3FB4]  }
0x2c: {  	s7 =	sld [smem:$0x3FB5]  }
0x2d: {  	s3 =	simm.s32 $0x108;
	s8 =	sld [smem:$0x3FB6]  }
0x2e: {  	s3 =	simm.s32 @!p0 $0x1082;
	s9 =	sld [smem:$0x3FB7]  }
0x2f: {  	lr =	sadd.s32 s0, s3;
	s0 =	sld [smem:$0x3FAE]  }
0x30: {  	s3 =	sld [smem:$0x3FB1]  }
0x31: {  	[smem:$0x3FBA] =	sst s10  }
0x32: {  	s10 =	sld [smem:$0x3FB8];
	_ =	sdelay $0x3  }
0x33: {  	p0 =	seq.s32 s10, $0x1;
	s10 =	sld [smem:$0x3FBA];
	_ =	sdelay $0x3  }
0x34: {  	[smem:$0x3FBA] =	sst s10  }
0x35: {  	s10 =	sld [smem:$0x3FB9];
	_ =	sdelay $0x3  }
0x36: {  	p1 =	seq.s32 s10, $0x1;
	s10 =	sld [smem:$0x3FBA];
	_ =	sdelay $0x3  }
0x37: {  	[smem:$0x3FBA] =	sst s10  }
0x38: {  	s10 =	sld [smem:$0x3FBB]  }
0x39: {  	_ = 	snop;
	(pc) =	sbr.ind lr, $3  }
0x3a: {  	_ = 	snop  }
0x3b: {  	_ = 	snop  }
0x3c: {  	p2 =	seq.s32 s10, $0x1;
	s10 =	sld [smem:$0x3FBA]  }
0x3d: {  	_ =	shalt  }
0x3e: {  	_ =	shalt  }
0x3f: {  	_ =	shalt  }
0x40: {  	_ =	shalt  }
0x41: {  	_ =	shalt  }
0x42: {  	_ =	shalt  }
0x43: {  	_ =	shalt  }
0x44: {  	_ =	shalt  }
0x45: {  	_ =	shalt  }
0x46: {  	_ =	shalt  }
0x47: {  	_ =	shalt  }
0x48: {  	_ =	shalt  }
0x49: {  	_ =	shalt  }
0x4a: {  	_ =	shalt  }
0x4b: {  	_ =	shalt  }
0x4c: {  	_ =	shalt  }
0x4d: {  	_ =	shalt  }
0x4e: {  	_ =	shalt  }
0x4f: {  	_ =	shalt  }
0x50: {  	_ =	shalt  }
0x51: {  	_ =	shalt  }
0x52: {  	_ =	shalt  }
0x53: {  	_ =	shalt  }
0x54: {  	_ =	shalt  }
0x55: {  	_ =	shalt  }
0x56: {  	_ =	shalt  }
0x57: {  	_ =	shalt  }
0x58: {  	_ =	shalt  }
0x59: {  	_ =	shalt  }
0x5a: {  	_ =	shalt  }
0x5b: {  	_ =	shalt  }
0x5c: {  	_ =	shalt  }
0x5d: {  	_ =	shalt  }
0x5e: {  	_ =	shalt  }
0x5f: {  	_ =	shalt  }
0x60: {  	_ =	shalt  }
0x61: {  	_ =	shalt  }
0x62: {  	_ =	shalt  }
0x63: {  	_ =	shalt  }
0x64: {  	_ =	shalt  }
0x65: {  	_ =	shalt  }
0x66: {  	_ =	shalt  }
0x67: {  	_ =	shalt  }
0x68: {  	_ =	shalt  }
0x69: {  	_ =	shalt  }
0x6a: {  	_ =	shalt  }
0x6b: {  	_ =	shalt  }
0x6c: {  	_ =	shalt  }
0x6d: {  	_ =	shalt  }
0x6e: {  	_ =	shalt  }
0x6f: {  	_ =	shalt  }
0x70: {  	_ =	shalt  }
0x71: {  	_ =	shalt  }
0x72: {  	_ =	shalt  }
0x73: {  	_ =	shalt  }
0x74: {  	_ =	shalt  }
0x75: {  	_ =	shalt  }
0x76: {  	_ =	shalt  }
0x77: {  	_ =	shalt  }
0x78: {  	_ =	shalt  }
0x79: {  	_ =	shalt  }
0x7a: {  	_ =	shalt  }
0x7b: {  	_ =	shalt  }
0x7c: {  	_ =	shalt  }
0x7d: {  	_ =	shalt  }
0x7e: {  	_ =	shalt  }
0x7f: {  	_ =	shalt  }
0x80: {  	_ =	shalt  }
0x81: {  	_ =	shalt  }
0x82: {  	_ =	shalt  }
0x83: {  	_ =	shalt  }
0x84: {  	_ =	shalt  }
0x85: {  	_ =	shalt  }
0x86: {  	_ =	shalt  }
0x87: {  	_ =	shalt  }
.Lfunc_end0:
.L_simem_size_0:
called_computation_lowered:
.L_overlay_start_0:
0x88: {  	s2 =	sld [smem:$0x3FD9]  }
0x89: {  	s3 =	sld [smem:$0x3FFE];
	_ =	sdelay $0x1  }
0x8a: {  	s1 =	srdreg.scid  }
0x8b: {  	s0 =	sand.u32 $0x1, s1  }
0x8c: {  	s17 =	sshll.u32 s0, $0xA;
	s2 =	sadd.s32 s3, s2  }
0x8d: {  	s2 =	sadd.s32 s2, s17  }
0x8e: {  	[smem:$0x3FC6] =	sst s2  }
0x8f: {  	_ = 	snop  }
0x90: {  	s2 =	sld [smem:$0x3FD0];
	(tm) =	ssettm $0x1  }
0x91: {  	s18 =	sld [smem:$0x3FFB];
	_ =	sdelay $0x3  }
0x92: {  	_ =	strace s18  }
0x93: {  	s3 =	sld [smem:$0x3FFC];
	_ =	sdelay $0x3  }
0x94: {  	_ =	strace s3  }
0x95: {  	s3 =	sld [smem:$0x3FFD];
	_ =	sdelay $0x3  }
0x96: {  	_ =	strace s3  }
0x97: {  	_ =	strace $0x8FFFFFFF  }
0x98: {  	s19 =	sld [smem:$0x3FDB];
	_ =	sdelay $0x1  }
0x99: {  	s4 =	simm.s32 $_scs_section_size  }
0x9a: {  	s5 =	simm.s32 $_size__tile_overlayer_lowered;
	s6 =	simm.s32 $_tile_overlayer_lowered  }
0x9b: {  	s22 =	simm.s32 $0x1BFF;
	s21 =	sshll.u32 s6, $0x1;
	s3 =	sadd.s32 s4, s19  }
0x9c: {  	s7 =	simm.s32 $0x0;
	s20 =	sshll.u32 s5, $0x1;
	s5 =	sadd.s32 s21, s3  }
0x9d: {  	[timem:s7], [sflag:s22] =	dma.local [hbm:s5], s20  }
0x9e: {  	_ =	swait.ge [sflag:s22], s20  }
0x9f: {  	s4 =	ssub.s32 $0x0, s20;
	[sflag:s22] =	ssyncset.done $0x0  }
0xa0: {  	[sflag:s22] =	ssyncadd.s32 s4;
	_ =	sdelay $0x1  }
0xa1: {  	s23 =	simm.s32 $0x1B8B  }
0xa2: {  	_ =	swait.ge [sflag:s23], $0x1  }
0xa3: {  	[sflag:s23] =	ssyncset.done $0x0  }
0xa4: {  	s25 =	simm.s32 $0x1B8E;
	s24 =	sld [smem:$0x3FFE];
	[sflag:s23] =	ssyncadd.s32 $0xFFFFFFFF  }
0xa5: {  	s26 =	simm.s32 $execute0_lowered;
	[smem:$0x3FD2] =	sst s25  }
0xa6: {  	s5 =	sshll.u32 s26, $0x1;
	_ =	strace $0x80000046;
	[dreg:$0x1] =	wrdreg $0xFFFFFFFF  }
0xa7: {  	s28 =	simm.s32 $_size_execute0_lowered;
	s3 =	sadd.s32 s3, s5;
	[dreg:$0x0] =	wrdreg $0x0  }
0xa8: {  	s5 =	sshll.u32 s28, $0x1;
	[dreg:$0x2] =	wrdreg s3  }
0xa9: {  	[dreg:$0x3] =	wrdreg s5  }
0xaa: {  	[dreg:$0x4] =	wrdreg $0xC0  }
0xab: {  	_ =	task [dreg:s7], $0x5FFFF  }
0xac: {  	[dreg:$0x1] =	wrdreg $0xFFFFFFFF  }
0xad: {  	[dreg:$0x0] =	wrdreg $0x60  }
0xae: {  	[dreg:$0x2] =	wrdreg s2  }
0xaf: {  	[dreg:$0x3] =	wrdreg s24  }
0xb0: {  	[dreg:$0x4] =	wrdreg $0xA8000  }
0xb1: {  	[dreg:$0x5] =	wrdreg $0x9  }
0xb2: {  	_ =	task.clear_ibuf [dreg:s7], $0x6FFFF;
	_ =	strace $0x90000046  }
0xb3: {  	s29 =	simm.s32 $0x9;
	_ =	strace $0x80000048  }
0xb4: {  	_ =	swait.ge [sflag:s29], $0x1  }
0xb5: {  	[sflag:s29] =	ssyncadd.s32 $0xFFFFFFFF  }
0xb6: {  	_ =	strace $0x90000048  }
0xb7: {  	_ =	sfence  }
0xb8: {  	s30 =	sld [smem:$0x0];
	_ =	sdelay $0x2  }
0xb9: {  	s31 =	sshll.u32 s1, $0xD;
	s1 =	sshrl.u32 s1, $0x2  }
0xba: {  	s3 =	sand.u32 $0x4000, s31;
	s1 =	sadd.s32 s1, s30  }
0xbb: {  	s0 =	sor.u32 s3, s0;
	s1 =	sshll.u32 s1, $0x11  }
0xbc: {  	s0 =	sor.u32 s1, s0  }
0xbd: {  	s0 =	sadd.s32 $0x8F2B, s0  }
0xbe: {  	[sflag:s0] =	ssyncadd.remote.s32 $0x1  }
0xbf: {  	_ =	sfence.sel $0xFFFF  }
0xc0: {  	[dreg:$0x0] =	wrdreg $0xFFFFFFFF;
	(pc) =	sbr.abs _section_cstart, $3  }
0xc1: {  	[dreg:$0x1] =	wrdreg $0xFFFFFFFF  }
0xc2: {  	_ =	task.clear_ibuf [dreg:s7], $0x2FFFF;
	_ =	strace $0x9FFFFFFF  }
0xc3: {  	(tm) =	ssettm $0x7FFFFFFF  }
tec
execute0_lowered:
.L_overlay_start_1:
0x0: {  	(tag) =	ssettag $0x1  }
0x1: {  	s2 =	rddreg [dreg:$0x0]  }
0x2: {  	s0 =	rddreg [dreg:$0x1]  }
0x3: {  	s3 =	rddreg [dreg:$0x2];
	s18 =	stileid.u32  }
0x4: {  	s4 =	simm.s32 $0x0;
	s7 =	srdreg.scid;
	s29 =	simm.s32 $0x5  }
0x5: {  	s30 =	simm.s32 $0x2800;
	s1 =	smul.u32 $0xC000, s18;
	[smem:$0x7FF] =	sst s4  }
0x6: {  	s5 =	sadd.s32 $0x1200, s0;
	s10 =	sand.u32 $0x1, s7;
	s13 =	sshll.u32 s18, $0xE  }
0x7: {  	_ =	strace $0x80000047;
	s11 =	ssub.s32 $0x2, s10;
	s8 =	smul.u32 $0x180000, s10  }
0x8: {  	s6 =	sshrl.u32 s1, $0x3;
	s12 =	sshrl.u32 s11, $0x1;
	s26 =	sadd.s32 s1, s3  }
0x9: {  	s9 =	sadd.s32 s6, s0;
	s0 =	sadd.s32 $0x59200, s0;
	s6 =	sshll.u32 s10, $0x13  }
0xa: {  	s17 =	ssub.s32 s11, s12;
	s21 =	sor.u32 s13, s8;
	s12 =	sadd.s32 $0x80000, s8  }
0xb: {  	s10 =	sshllo.u32 s10, $0x1;
	[dreg:$0x9] =	wrdreg s26;
	s31 =	sadd.s32 s1, s8  }
0xc: {  	s7 =	sor.u32 $0x100000, s6;
	s14 =	sor.u32 s13, s6;
	s22 =	sshrl.u32 s21, $0x3  }
0xd: {  	s24 =	sor.u32 s13, s12;
	s9 =	sadd.s32 $0x41200, s9;
	s15 =	sor.u32 s13, s7  }
0xe: {  	s16 =	sshrl.u32 s14, $0x3;
	s14 =	sadd.s32 s2, s22;
	[dreg:$0xa] =	wrdreg s9  }
0xf: {  	s9 =	sshrl.u32 s31, $0x3;
	s31 =	smax.u32 s17, $0x1;
	s17 =	simm.s32 $0x0  }
0x10: {  	s19 =	sshrl.u32 s15, $0x3;
	s11 =	sadd.s32 s5, s16;
	[dreg:$0x6] =	wrdreg s14  }
0x11: {  	s15 =	sshrl.u32 s24, $0x3;
	s16 =	smul.u32 $0xC0000, s10;
	[dreg:$0x13] =	wrdreg s31  }
0x12: {  	s9 =	sadd.s32 s0, s9;
	[dreg:$0x4] =	wrdreg s11;
	s20 =	sadd.s32 s5, s19  }
0x13: {  	s11 =	sor.u32 $0x40000, s8;
	s25 =	sadd.s32 s2, s15;
	[dreg:$0xb] =	wrdreg s9  }
0x14: {  	s19 =	sshll.u32 s10, $0x12;
	s10 =	sshll.u32 s18, $0x6;
	[dreg:$0x5] =	wrdreg s20  }
0x15: {  	s23 =	sor.u32 s13, s11;
	[dreg:$0x8] =	wrdreg s25;
	s1 =	sadd.s32 s1, s16  }
0x16: {  	s21 =	sor.u32 $0x100000, s19;
	s18 =	sor.u32 $0x1C05, s10;
	s15 =	sor.u32 s13, s16  }
0x17: {  	s26 =	sadd.s32 $0x40000, s16;
	s28 =	sadd.s32 $0x80000, s16;
	s10 =	sadd.s32 $0x40000, s3  }
0x18: {  	s14 =	sshrl.u32 s23, $0x3;
	s1 =	sshrl.u32 s1, $0x3;
	s9 =	sor.u32 s13, s21  }
0x19: {  	s20 =	sor.u32 s13, s26;
	s22 =	sor.u32 s13, s28;
	[dreg:$0xd] =	wrdreg s18  }
0x1a: {  	s14 =	sadd.s32 s2, s14;
	s0 =	sadd.s32 s0, s1;
	s1 =	sor.u32 s13, s19  }
0x1b: {  	s23 =	sshrl.u32 s20, $0x3;
	s24 =	sshrl.u32 s22, $0x3;
	[dreg:$0x7] =	wrdreg s14  }
0x1c: {  	s22 =	simm.s32 $0x3800;
	s20 =	simm.s32 $0x7800;
	[dreg:$0xc] =	wrdreg s0  }
0x1d: {  	s0 =	sshrl.u32 s1, $0x3;
	s1 =	sshrl.u32 s9, $0x3;
	s25 =	sadd.s32 s2, s24  }
0x1e: {  	s9 =	sor.u32 $0x400, s13;
	s24 =	simm.s32 $0x9800;
	s0 =	sadd.s32 s5, s0  }
0x1f: {  	s14 =	sadd.s32 s5, s1;
	[dreg:$0x12] =	wrdreg s25;
	s1 =	sor.u32 $0x800, s13  }
0x20: {  	s13 =	sadd.s32 $0x80000, s3;
	[dreg:$0xe] =	wrdreg s0;
	s0 =	sshrl.u32 s15, $0x3  }
0x21: {  	s25 =	simm.s32 $0x4;
	[dreg:$0xf] =	wrdreg s14;
	s0 =	sadd.s32 s2, s0  }
0x22: {  	s15 =	simm.s32 $0x1000;
	[dreg:$0x10] =	wrdreg s0;
	s0 =	sadd.s32 s2, s23  }
0x23: {  	s14 =	simm.s32 $0x1;
	s23 =	simm.s32 $0x2;
	[dreg:$0x11] =	wrdreg s0  }
.LBB2_1:
0x24: {  	[dreg:$0x14] =	wrdreg s17  }
0x25: {  	s0 =	rddreg [dreg:$0x4]  }
0x26: {  	[tilespmem:s4], [sflag:$0x1] =	stream.linear.gather [hbm4b:s0+s4], $0x400, $0x38;
	[tilespmem:$0x16800] =	vst v63  }
0x27: {  	s17 =	rddreg [dreg:$0x5];
	s31 =	simm.s32 $0x400  }
0x28: {  	[tilespmem:s31], [sflag:$0x1] =	stream.linear.gather [hbm4b:s17+s4], $0x400, $0x38;
	[tilespmem:$0x16800] =	vst v63  }
0x29: {  	s31 =	rddreg [dreg:$0x6]  }
0x2a: {  	[tilespmem:s15], [sflag:$0x1] =	stream.linear.gather [hbm4b:s31+s4], $0x400, $0x38;
	[tilespmem:$0x16800] =	vst v63  }
0x2b: {  	s17 =	rddreg [dreg:$0x7];
	s31 =	simm.s32 $0x1400  }
0x2c: {  	[tilespmem:s31], [sflag:$0x1] =	stream.linear.gather [hbm4b:s17+s4], $0x400, $0x38;
	[tilespmem:$0x16800] =	vst v63  }
0x2d: {  	s17 =	rddreg [dreg:$0x8];
	s31 =	simm.s32 $0x1800  }
0x2e: {  	[tilespmem:s31], [sflag:$0x1] =	stream.linear.gather [hbm4b:s17+s4], $0x400, $0x38;
	[tilespmem:$0x16800] =	vst v63  }
0x2f: {  	s31 =	rddreg [dreg:$0x9]  }
0x30: {  	s0 =	sshrl.u32 s31, $0x3;
	s31 =	rddreg [dreg:$0xa]  }
0x31: {  	[dreg:$0x15] =	wrdreg s0  }
0x32: {  	[spmem:s0], [sflag:s18] =	dma.local [hbm:s31], $0x1800  }
0x33: {  	_ =	swait.ge [sflag:s29], $0x1800  }
0x34: {  	[sflag:s29] =	ssyncset.done $0x0  }
0x35: {  	[sflag:s29] =	ssyncadd.s32 $0xFFFFE800  }
0x36: {  	s29 =	simm.s32 $0x0;
	[bflag:$0x0] =	sbarrier.arrive $0xFFFF  }
.LBB2_2:
0x37: {  	_ =	swait.ge [sflag:s14], $0x800  }
0x38: {  	s31 =	sshll.u32 s29, $0xB;
	[sflag:s14] =	ssyncset.done $0x0  }
0x39: {  	s0 =	sor.u32 s9, s31;
	[sflag:s14] =	ssyncadd.s32 $0xFFFFF800  }
0x3a: {  	s17 =	sor.u32 s6, s0;
	_ =	swait.ge [sflag:s14], $0xC00  }
0x3b: {  	s17 =	sshrl.u32 s17, $0x3;
	[sflag:s14] =	ssyncset.done $0x0  }
0x3c: {  	s18 =	simm.s32 $0x800;
	s17 =	sadd.s32 s5, s17;
	[sflag:s14] =	ssyncadd.s32 $0xFFFFF400  }
0x3d: {  	[tilespmem:s18], [sflag:$0x2] =	stream.linear.gather [hbm4b:s17+s4], $0x400, $0x38;
	[tilespmem:$0x16800] =	vst v63  }
0x3e: {  	s18 =	sor.u32 s7, s0  }
0x3f: {  	s17 =	sshrl.u32 s18, $0x3  }
0x40: {  	s18 =	simm.s32 $0xC00;
	s17 =	sadd.s32 s5, s17  }
0x41: {  	[tilespmem:s18], [sflag:$0x2] =	stream.linear.gather [hbm4b:s17+s4], $0x400, $0x38;
	[tilespmem:$0x16800] =	vst v63  }
0x42: {  	s18 =	sor.u32 s8, s0  }
0x43: {  	s17 =	sshrl.u32 s18, $0x3  }
0x44: {  	s18 =	simm.s32 $0x1C00;
	s17 =	sadd.s32 s2, s17  }
0x45: {  	[tilespmem:s18], [sflag:$0x2] =	stream.linear.gather [hbm4b:s17+s4], $0x400, $0x38;
	[tilespmem:$0x16800] =	vst v63  }
0x46: {  	s18 =	sor.u32 s11, s0  }
0x47: {  	s0 =	sor.u32 s12, s0;
	s17 =	sshrl.u32 s18, $0x3  }
0x48: {  	s18 =	simm.s32 $0x2000;
	s0 =	sshrl.u32 s0, $0x3;
	s17 =	sadd.s32 s2, s17  }
0x49: {  	[tilespmem:s18], [sflag:$0x2] =	stream.linear.gather [hbm4b:s17+s4], $0x400, $0x38;
	[tilespmem:$0x16800] =	vst v63  }
0x4a: {  	p0 =	seq.s32 s29, $0x0;
	s0 =	sadd.s32 s2, s0;
	s18 =	simm.s32 $0x2400  }
0x4b: {  	[tilespmem:s18], [sflag:$0x2] =	stream.linear.gather [hbm4b:s0+s4], $0x400, $0x38;
	[tilespmem:$0x16800] =	vst v63  }
0x4c: {  	s0 =	simm.s32 @!p0 $0x3  }
0x4d: {  	_ =	swait.ge @!p0 [sflag:s0], $0x1000  }
0x4e: {  	[sflag:s0] =	ssyncset.done @!p0 $0x0  }
0x4f: {  	[sflag:s0] =	ssyncadd.s32 @!p0 $0xFFFFF000  }
0x50: {  	_ =	swait.ge @!p0 [sflag:s0], $0x1000  }
0x51: {  	[sflag:s0] =	ssyncset.done @!p0 $0x0  }
0x52: {  	[sflag:s0] =	ssyncadd.s32 @!p0 $0xFFFFF000  }
0x53: {  	_ =	swait.ge @!p0 [sflag:s0], $0x1000  }
0x54: {  	[sflag:s0] =	ssyncset.done @!p0 $0x0  }
0x55: {  	[sflag:s0] =	ssyncadd.s32 @!p0 $0xFFFFF000;
	s0 =	simm.s32 $0x0  }
0x56: {  	v0 =	vld [tilespmem:s0+$0x0]  }
0x57: {  	v1 =	vld [tilespmem:s0+$0x400];
	_ =	sdelay $0x3  }
0x58: {  	v2 =	vtrunc.f32 v0  }
0x59: {  	v3 =	vtrunc.f32 v1;
	v2 =	vcvt.f32.s32 v2  }
0x5a: {  	v3 =	vcvt.f32.s32 v3  }
0x5b: {  	v4 =	vcvt.s32.f32 v2  }
0x5c: {  	v5 =	vadd.s32 $0xFFFFFE01, v2;
	v6 =	vadd.s32 $0xFFFFFE00, v2;
	v7 =	vand.u32 $0xFFFFFE00, v3  }
0x5d: {  	v8 =	vadd.s32 $0xFFFFFE00, v3;
	v4 =	vsub.f32 v0, v4;
	v0 =	vcvt.s32.f32 v3  }
0x5e: {  	v9 =	vadd.s32 $0xFFFFFE01, v3;
	v2 =	vand.u32 $0xFFFFFE00, v2;
	vm1 =	vlt.u32 v5, $0x200  }
0x5f: {  	vm2 =	veq.s32 v7, $0x200;
	v1 =	vsub.f32 v1, v0;
	v3 =	vsub.f32 $1.000000000e+00, v4  }
0x60: {  	vm3 =	veq.s32 v2, $0x200;
	vm12 =	vlt.u32 v9, $0x200;
	v0 =	vld [tilespmem:s0+$0x1800];
	v7 =	vnsel vm1, $0x0, v4  }
0x61: {  	v2 =	vsub.f32 $1.000000000e+00, v1;
	v10 =	vnsel vm3, $0x0, v3;
	v1 =	vnsel vm12, $0x0, v1  }
0x62: {  	v4 =	vmul.f32 v1, v10;
	v3 =	vmul.f32 v1, v7;
	v1 =	vld [tilespmem:s0+$0x1000]  }
0x63: {  	vm0 =	vgt.s32 v5, $0x0;
	v11 =	vnsel vm2, $0x0, v2;
	v2 =	vld [tilespmem:s0+$0x1400]  }
0x64: {  	vm13 =	vgt.s32 v8, $0x0;
	vm14 =	vgt.s32 v9, $0x0;
	vm15 =	vgt.s32 v6, $0x0  }
0x65: {  	v12 =	vnsel vm13, $0x0, v8;
	v13 =	vnsel vm14, $0x0, v9;
	v14 =	vmul.f32 v4, v0  }
0x66: {  	v6 =	vnsel vm15, $0x0, v6;
	v5 =	vnsel vm0, $0x0, v5;
	v8 =	vmul.f32 v11, v10  }
0x67: {  	s17 =	simm.s32 $0x80;
	s18 =	simm.s32 $0x10;
	v9 =	vmin.u32 v12, $0x1FF;
	v7 =	vmul.f32 v11, v7;
	v10 =	vmin.u32 v13, $0x1FF;
	[tilespmem:s0+$0x9000] =	vst v14  }
.LBB2_3:
0x68: {  	p0 =	sne.s32 s17, $0xFC0;
	v11 =	vld [tilespmem:s18+$0x0];
	v9 =	vshll.u32 v9, $0x9;
	v12 =	vmul.f32 v8, v1;
	v13 =	vmul.f32 v8, v2  }
0x69: {  	v10 =	vshll.u32 v10, $0x9;
	v8 =	vmul.f32 v8, v0;
	v15 =	vmul.f32 v7, v1;
	v14 =	vld [tilespmem:s18+$0x1000]  }
0x6a: {  	v6 =	vmin.u32 v6, $0x1FF;
	v16 =	vld [tilespmem:s18+$0x400];
	[tilespmem:s0+$0x4800] =	vst v12;
	v12 =	vmul.f32 v7, v2;
	v7 =	vmul.f32 v7, v0  }
0x6b: {  	v5 =	vmin.u32 v5, $0x1FF;
	v17 =	vld [tilespmem:s18+$0x1400];
	[tilespmem:s0+$0x6800] =	vst v13;
	v13 =	vmul.f32 v4, v1;
	v4 =	vmul.f32 v4, v2  }
0x6c: {  	v19 =	vmul.f32 v3, v2;
	v18 =	vor.u32 v6, v9;
	[tilespmem:s0+$0x8800] =	vst v8;
	v8 =	vmul.f32 v3, v1  }
0x6d: {  	v9 =	vor.u32 v5, v9;
	v3 =	vmul.f32 v3, v0;
	v2 =	vtrunc.f32 v11;
	[tilespmem:s0+$0x4C00] =	vst v15  }
0x6e: {  	v6 =	vor.u32 v6, v10;
	v5 =	vor.u32 v5, v10;
	v0 =	vcvt.f32.s32 v2;
	[tilespmem:s0+$0x6C00] =	vst v12;
	v1 =	vmovc v14  }
0x6f: {  	v14 =	vtrunc.f32 v16;
	[tilespmem:s0+$0x8C00] =	vst v7  }
0x70: {  	v7 =	vcvt.f32.s32 v14;
	v10 =	vcvt.s32.f32 v0;
	v12 =	vadd.s32 $0xFFFFFE01, v0;
	[tilespmem:s0+$0x5000] =	vst v13;
	v2 =	vmovc v17  }
0x71: {  	v13 =	vadd.s32 $0xFFFFFE00, v0;
	vm1 =	vlt.u32 v12, $0x200;
	vm0 =	vgt.s32 v12, $0x0;
	[tilespmem:s0+$0x7000] =	vst v4  }
0x72: {  	v4 =	vsub.f32 v11, v10;
	v10 =	vcvt.s32.f32 v7;
	v11 =	vand.u32 $0xFFFFFE00, v7;
	[tilespmem:s0+$0x5400] =	vst v8  }
0x73: {  	v8 =	vadd.s32 $0xFFFFFE00, v7;
	v7 =	vadd.s32 $0xFFFFFE01, v7;
	vm2 =	veq.s32 v11, $0x200;
	[tilespmem:s0+$0x7400] =	vst v19  }
0x74: {  	v14 =	vand.u32 $0xFFFFFE00, v0;
	v10 =	vsub.f32 v16, v10;
	v11 =	vsub.f32 $1.000000000e+00, v4;
	v0 =	vld [tilespmem:s18+$0x1800];
	[tilespmem:s0+$0x9400] =	vst v3  }
0x75: {  	vm3 =	veq.s32 v14, $0x200;
	v14 =	vnsel vm1, $0x0, v4;
	vm1 =	vlt.u32 v7, $0x200;
	[tilespmem:s0+$0x2800] =	vst v18  }
0x76: {  	v3 =	vsub.f32 $1.000000000e+00, v10;
	v11 =	vnsel vm3, $0x0, v11;
	v10 =	vnsel vm1, $0x0, v10;
	[tilespmem:s0+$0x2C00] =	vst v9  }
.Ltmp0:
0x77: {  	vm1 =	vgt.s32 v8, $0x0;
	vm3 =	vgt.s32 v7, $0x0;
	v4 =	vmul.f32 v10, v11;
	[tilespmem:s0+$0x3000] =	vst v6;
	(pc) =	sbr.rel @p0 .LBB2_3-.Ltmp0, $4  }
0x78: {  	v9 =	vnsel vm1, $0x0, v8;
	v6 =	vnsel vm2, $0x0, v3;
	v3 =	vmul.f32 v10, v14;
	[tilespmem:s0+$0x3400] =	vst v5;
	s0 =	smov.u32 s18  }
0x79: {  	v10 =	vnsel vm3, $0x0, v7;
	v8 =	vmul.f32 v6, v11;
	v11 =	vmul.f32 v4, v0  }
0x7a: {  	vm1 =	vgt.s32 v13, $0x0;
	v9 =	vmin.u32 v9, $0x1FF;
	v7 =	vmul.f32 v6, v14  }
0x7b: {  	s18 =	sshra.s32 s17, $0x2;
	s17 =	sadd.s32 $0x40, s17;
	v5 =	vnsel vm0, $0x0, v12;
	v6 =	vnsel vm1, $0x0, v13;
	v10 =	vmin.u32 v10, $0x1FF;
	[tilespmem:s0+$0x9000] =	vst v11  }
0x7c: {  	v11 =	vld [tilespmem:s18+$0x0];
	v12 =	vmul.f32 v8, v1  }
0x7d: {  	v14 =	vld [tilespmem:s18+$0x400];
	v15 =	vmul.f32 v8, v2  }
0x7e: {  	v13 =	vld [tilespmem:s18+$0x1000];
	v8 =	vmul.f32 v8, v0;
	[tilespmem:s0+$0x4800] =	vst v12  }
0x7f: {  	v16 =	vmul.f32 v7, v1;
	v54 =	vmul.f32 v7, v2;
	v12 =	vld [tilespmem:s18+$0x1400];
	[tilespmem:s0+$0x6800] =	vst v15  }
0x80: {  	v7 =	vmul.f32 v7, v0;
	v0 =	vmul.f32 v3, v0;
	[tilespmem:s0+$0x8800] =	vst v8  }
0x81: {  	v8 =	vmul.f32 v4, v1;
	[tilespmem:s0+$0x4C00] =	vst v16;
	v17 =	vtrunc.f32 v11  }
0x82: {  	v9 =	vshll.u32 v9, $0x9;
	[tilespmem:s0+$0x6C00] =	vst v54;
	v56 =	vtrunc.f32 v14;
	v55 =	vcvt.f32.s32 v17  }
0x83: {  	v10 =	vshll.u32 v10, $0x9;
	v4 =	vmul.f32 v4, v2;
	[tilespmem:s0+$0x8C00] =	vst v7;
	v7 =	vcvt.f32.s32 v56  }
0x84: {  	v6 =	vmin.u32 v6, $0x1FF;
	v1 =	vmul.f32 v3, v1;
	[tilespmem:s0+$0x5000] =	vst v8;
	v57 =	vcvt.s32.f32 v55  }
0x85: {  	v5 =	vmin.u32 v5, $0x1FF;
	v2 =	vmul.f32 v3, v2;
	[tilespmem:s0+$0x7000] =	vst v4;
	v4 =	vcvt.s32.f32 v7  }
0x86: {  	v8 =	vor.u32 v6, v9;
	[tilespmem:s0+$0x5400] =	vst v1;
	v6 =	vor.u32 v6, v10;
	v11 =	vsub.f32 v11, v57  }
0x87: {  	[tilespmem:s0+$0x7400] =	vst v2;
	v1 =	vand.u32 $0xFFFFFE00, v7;
	v58 =	vand.u32 $0xFFFFFE00, v55;
	v2 =	vsub.f32 v14, v4  }
0x88: {  	v59 =	vld [tilespmem:s18+$0x1800];
	v3 =	vadd.s32 $0xFFFFFE01, v7;
	vm0 =	veq.s32 v58, $0x200;
	v4 =	vsub.f32 $1.000000000e+00, v11  }
0x89: {  	vm1 =	vlt.u32 v3, $0x200;
	vm2 =	veq.s32 v1, $0x200;
	v60 =	vsub.f32 $1.000000000e+00, v2  }
0x8a: {  	[tilespmem:s0+$0x9400] =	vst v0;
	v1 =	vnsel vm1, $0x0, v2;
	v2 =	vor.u32 v5, v9;
	v0 =	vnsel vm0, $0x0, v4  }
0x8b: {  	[tilespmem:s0+$0x2800] =	vst v8;
	v9 =	vadd.s32 $0xFFFFFE01, v55;
	v8 =	vnsel vm2, $0x0, v60;
	v4 =	vmul.f32 v1, v0  }
0x8c: {  	[tilespmem:s0+$0x3000] =	vst v6;
	vm4 =	vlt.u32 v9, $0x200;
	v0 =	vmul.f32 v8, v0  }
0x8d: {  	[tilespmem:s0+$0x2C00] =	vst v2;
	v2 =	vor.u32 v5, v10;
	v6 =	vnsel vm4, $0x0, v11;
	v5 =	vmul.f32 v4, v59  }
0x8e: {  	[tilespmem:s0+$0x3400] =	vst v2;
	v8 =	vmul.f32 v8, v6;
	v2 =	vmul.f32 v0, v13  }
0x8f: {  	v1 =	vmul.f32 v1, v6;
	v6 =	vmul.f32 v4, v13;
	[tilespmem:s18+$0x9000] =	vst v5  }
0x90: {  	v4 =	vmul.f32 v4, v12;
	[tilespmem:s18+$0x4800] =	vst v2  }
0x91: {  	v5 =	vmul.f32 v0, v12;
	[tilespmem:s18+$0x5000] =	vst v6  }
0x92: {  	v0 =	vmul.f32 v0, v59;
	[tilespmem:s18+$0x7000] =	vst v4  }
0x93: {  	vm7 =	vgt.s32 v3, $0x0;
	v2 =	vmul.f32 v8, v13;
	[tilespmem:s18+$0x6800] =	vst v5  }
0x94: {  	v3 =	vnsel vm7, $0x0, v3;
	v6 =	vmul.f32 v1, v12;
	[tilespmem:s18+$0x8800] =	vst v0  }
0x95: {  	vm5 =	vgt.s32 v9, $0x0;
	v5 =	vmul.f32 v8, v12;
	[tilespmem:s18+$0x4C00] =	vst v2;
	v2 =	vadd.s32 $0xFFFFFE00, v7  }
0x96: {  	v0 =	vadd.s32 $0xFFFFFE00, v55;
	v8 =	vmul.f32 v8, v59;
	[tilespmem:s18+$0x7400] =	vst v6;
	vm6 =	vgt.s32 v2, $0x0  }
0x97: {  	vm8 =	vgt.s32 v0, $0x0;
	[tilespmem:s18+$0x6C00] =	vst v5;
	v2 =	vnsel vm6, $0x0, v2;
	v5 =	vmul.f32 v1, v13  }
0x98: {  	[tilespmem:s18+$0x8C00] =	vst v8;
	v0 =	vnsel vm8, $0x0, v0;
	v1 =	vmul.f32 v1, v59;
	v2 =	vmin.u32 v2, $0x1FF  }
0x99: {  	v4 =	vnsel vm5, $0x0, v9;
	v0 =	vmin.u32 v0, $0x1FF;
	[tilespmem:s18+$0x5400] =	vst v5;
	v2 =	vshll.u32 v2, $0x9  }
0x9a: {  	v3 =	vmin.u32 v3, $0x1FF;
	v4 =	vmin.u32 v4, $0x1FF;
	[tilespmem:s18+$0x9400] =	vst v1;
	v5 =	vor.u32 v0, v2  }
0x9b: {  	v1 =	vshll.u32 v3, $0x9;
	v2 =	vor.u32 v4, v2;
	[tilespmem:s18+$0x2800] =	vst v5  }
0x9c: {  	v0 =	vor.u32 v0, v1;
	[tilespmem:s18+$0x2C00] =	vst v2  }
0x9d: {  	v1 =	vor.u32 v4, v1;
	[tilespmem:s18+$0x3000] =	vst v0  }
0x9e: {  	[tilespmem:s18+$0x3400] =	vst v1;
	s18 =	simm.s32 $0x4800  }
0x9f: {  	[spmem:s3] =	stream.indirect.scatter.add.f32 [tilespmem:s18], [sflag:$0x3], $0x1, s30, s15, $0xb8;
	[tilespmem:$0x16800] =	vst v63  }
0xa0: {  	s17 =	simm.s32 $0x6800  }
0xa1: {  	[spmem:s10] =	stream.indirect.scatter.add.f32 [tilespmem:s17], [sflag:$0x3], $0x1, s30, s15, $0xb8;
	[tilespmem:$0x16800] =	vst v63  }
0xa2: {  	s18 =	simm.s32 $0x8800  }
0xa3: {  	[spmem:s13] =	stream.indirect.scatter.add.f32 [tilespmem:s18], [sflag:$0x3], $0x1, s30, s15, $0xb8;
	[tilespmem:$0x16800] =	vst v63  }
0xa4: {  	_ =	swait.ge [sflag:s23], $0x800  }
0xa5: {  	p0 =	sgt.u32 s29, $0x6;
	[sflag:s23] =	ssyncset.done $0x0  }
0xa6: {  	s0 =	sadd.s32 @!p0 s31, s1;
	[sflag:s23] =	ssyncadd.s32 $0xFFFFF800  }
0xa7: {  	s17 =	sor.u32 @!p0 s6, s0;
	_ =	swait.ge [sflag:s23], $0xC00  }
0xa8: {  	s17 =	sshrl.u32 @!p0 s17, $0x3;
	[sflag:s23] =	ssyncset.done $0x0  }
0xa9: {  	s17 =	sadd.s32 @!p0 s5, s17;
	s18 =	simm.s32 @!p0 $0x0;
	[sflag:s23] =	ssyncadd.s32 $0xFFFFF400  }
0xaa: {  	[tilespmem:s18], [sflag:$0x1] =	stream.linear.gather @!p0 [hbm4b:s17+s18], $0x400, $0x38;
	[tilespmem:$0x16800] =	vst v63  }
0xab: {  	s17 =	sor.u32 @!p0 s7, s0  }
0xac: {  	s17 =	sshrl.u32 @!p0 s17, $0x3  }
0xad: {  	s31 =	simm.s32 @!p0 $0x400;
	s17 =	sadd.s32 @!p0 s5, s17  }
0xae: {  	[tilespmem:s31], [sflag:$0x1] =	stream.linear.gather @!p0 [hbm4b:s17+s18], $0x400, $0x38;
	[tilespmem:$0x16800] =	vst v63  }
0xaf: {  	s17 =	sor.u32 @!p0 s8, s0  }
0xb0: {  	s17 =	sshrl.u32 @!p0 s17, $0x3  }
0xb1: {  	s31 =	simm.s32 @!p0 $0x1000;
	s17 =	sadd.s32 @!p0 s2, s17  }
0xb2: {  	[tilespmem:s31], [sflag:$0x1] =	stream.linear.gather @!p0 [hbm4b:s17+s18], $0x400, $0x38;
	[tilespmem:$0x16800] =	vst v63  }
0xb3: {  	s17 =	sadd.s32 @!p0 s11, s0  }
0xb4: {  	s0 =	sor.u32 @!p0 s12, s0;
	s17 =	sshrl.u32 @!p0 s17, $0x3  }
0xb5: {  	s31 =	simm.s32 @!p0 $0x1400;
	s0 =	sshrl.u32 @!p0 s0, $0x3;
	s17 =	sadd.s32 @!p0 s2, s17  }
0xb6: {  	[tilespmem:s31], [sflag:$0x1] =	stream.linear.gather @!p0 [hbm4b:s17+s18], $0x400, $0x38;
	[tilespmem:$0x16800] =	vst v63  }
0xb7: {  	p1 =	seq.s32 @!p0 s29, $0x0;
	s0 =	sadd.s32 @!p0 s2, s0;
	s17 =	simm.s32 @!p0 $0x1800  }
0xb8: {  	[tilespmem:s17], [sflag:$0x1] =	stream.linear.gather @!p0 [hbm4b:s0+s18], $0x400, $0x38;
	[tilespmem:$0x16800] =	vst v63  }
0xb9: {  	p0 =	por p0, !p1  }
0xba: {  	_ =	swait.ge @p0 [sflag:s25], $0x1000  }
0xbb: {  	[sflag:s25] =	ssyncset.done @p0 $0x0  }
0xbc: {  	[sflag:s25] =	ssyncadd.s32 @p0 $0xFFFFF000  }
0xbd: {  	_ =	swait.ge @p0 [sflag:s25], $0x1000  }
0xbe: {  	[sflag:s25] =	ssyncset.done @p0 $0x0  }
0xbf: {  	[sflag:s25] =	ssyncadd.s32 @p0 $0xFFFFF000  }
0xc0: {  	_ =	swait.ge @p0 [sflag:s25], $0x1000  }
0xc1: {  	[sflag:s25] =	ssyncset.done @p0 $0x0  }
0xc2: {  	s0 =	simm.s32 $0x0;
	[sflag:s25] =	ssyncadd.s32 @p0 $0xFFFFF000  }
0xc3: {  	v0 =	vld [tilespmem:s0+$0x800]  }
0xc4: {  	v1 =	vld [tilespmem:s0+$0xC00];
	_ =	sdelay $0x3  }
0xc5: {  	v2 =	vtrunc.f32 v0  }
0xc6: {  	v3 =	vtrunc.f32 v1;
	v2 =	vcvt.f32.s32 v2  }
0xc7: {  	v3 =	vcvt.f32.s32 v3  }
0xc8: {  	v4 =	vcvt.s32.f32 v2  }
0xc9: {  	v5 =	vadd.s32 $0xFFFFFE01, v2;
	v6 =	vadd.s32 $0xFFFFFE00, v2;
	v7 =	vand.u32 $0xFFFFFE00, v3  }
0xca: {  	v8 =	vadd.s32 $0xFFFFFE00, v3;
	v4 =	vsub.f32 v0, v4;
	v0 =	vcvt.s32.f32 v3  }
0xcb: {  	v9 =	vadd.s32 $0xFFFFFE01, v3;
	v2 =	vand.u32 $0xFFFFFE00, v2;
	vm9 =	vlt.u32 v5, $0x200  }
0xcc: {  	vm11 =	veq.s32 v7, $0x200;
	v1 =	vsub.f32 v1, v0;
	v3 =	vsub.f32 $1.000000000e+00, v4  }
0xcd: {  	vm3 =	veq.s32 v2, $0x200;
	vm12 =	vlt.u32 v9, $0x200;
	v0 =	vld [tilespmem:s0+$0x2400];
	v7 =	vnsel vm9, $0x0, v4  }
0xce: {  	v2 =	vsub.f32 $1.000000000e+00, v1;
	v10 =	vnsel vm3, $0x0, v3;
	v1 =	vnsel vm12, $0x0, v1  }
0xcf: {  	v4 =	vmul.f32 v1, v10;
	v3 =	vmul.f32 v1, v7;
	v1 =	vld [tilespmem:s0+$0x1C00]  }
0xd0: {  	vm10 =	vgt.s32 v5, $0x0;
	v11 =	vnsel vm11, $0x0, v2;
	v2 =	vld [tilespmem:s0+$0x2000]  }
0xd1: {  	vm13 =	vgt.s32 v8, $0x0;
	vm14 =	vgt.s32 v9, $0x0;
	vm15 =	vgt.s32 v6, $0x0  }
0xd2: {  	v61 =	vnsel vm13, $0x0, v8;
	v62 =	vnsel vm14, $0x0, v9;
	v63 =	vmul.f32 v4, v0  }
0xd3: {  	v6 =	vnsel vm15, $0x0, v6;
	v5 =	vnsel vm10, $0x0, v5;
	v8 =	vmul.f32 v11, v10  }
0xd4: {  	s18 =	simm.s32 $0x10;
	s17 =	simm.s32 $0x80;
	v9 =	vmin.u32 v61, $0x1FF;
	v7 =	vmul.f32 v11, v7;
	v10 =	vmin.u32 v62, $0x1FF;
	[tilespmem:s0+$0xA000] =	vst v63  }
.LBB2_5:
0xd5: {  	p0 =	sne.s32 s17, $0xFC0;
	v11 =	vld [tilespmem:s18+$0x800];
	v9 =	vshll.u32 v9, $0x9;
	v12 =	vmul.f32 v8, v1;
	v13 =	vmul.f32 v8, v2  }
0xd6: {  	v10 =	vshll.u32 v10, $0x9;
	v8 =	vmul.f32 v8, v0;
	v15 =	vmul.f32 v7, v1;
	v14 =	vld [tilespmem:s18+$0x1C00]  }
0xd7: {  	v6 =	vmin.u32 v6, $0x1FF;
	v16 =	vld [tilespmem:s18+$0xC00];
	[tilespmem:s0+$0x5800] =	vst v12;
	v12 =	vmul.f32 v7, v2;
	v7 =	vmul.f32 v7, v0  }
0xd8: {  	v5 =	vmin.u32 v5, $0x1FF;
	v17 =	vld [tilespmem:s18+$0x2000];
	[tilespmem:s0+$0x7800] =	vst v13;
	v13 =	vmul.f32 v4, v1;
	v4 =	vmul.f32 v4, v2  }
0xd9: {  	v19 =	vmul.f32 v3, v2;
	v18 =	vor.u32 v6, v9;
	[tilespmem:s0+$0x9800] =	vst v8;
	v8 =	vmul.f32 v3, v1  }
0xda: {  	v9 =	vor.u32 v5, v9;
	v3 =	vmul.f32 v3, v0;
	v2 =	vtrunc.f32 v11;
	[tilespmem:s0+$0x5C00] =	vst v15  }
0xdb: {  	v6 =	vor.u32 v6, v10;
	v5 =	vor.u32 v5, v10;
	v0 =	vcvt.f32.s32 v2;
	[tilespmem:s0+$0x7C00] =	vst v12;
	v1 =	vmovc v14  }
0xdc: {  	v14 =	vtrunc.f32 v16;
	[tilespmem:s0+$0x9C00] =	vst v7  }
0xdd: {  	v7 =	vcvt.f32.s32 v14;
	v10 =	vcvt.s32.f32 v0;
	v12 =	vadd.s32 $0xFFFFFE01, v0;
	[tilespmem:s0+$0x6000] =	vst v13;
	v2 =	vmovc v17  }
0xde: {  	v13 =	vadd.s32 $0xFFFFFE00, v0;
	vm1 =	vlt.u32 v12, $0x200;
	vm0 =	vgt.s32 v12, $0x0;
	[tilespmem:s0+$0x8000] =	vst v4  }
0xdf: {  	v4 =	vsub.f32 v11, v10;
	v10 =	vcvt.s32.f32 v7;
	v11 =	vand.u32 $0xFFFFFE00, v7;
	[tilespmem:s0+$0x6400] =	vst v8  }
0xe0: {  	v8 =	vadd.s32 $0xFFFFFE00, v7;
	v7 =	vadd.s32 $0xFFFFFE01, v7;
	vm2 =	veq.s32 v11, $0x200;
	[tilespmem:s0+$0x8400] =	vst v19  }
0xe1: {  	v14 =	vand.u32 $0xFFFFFE00, v0;
	v10 =	vsub.f32 v16, v10;
	v11 =	vsub.f32 $1.000000000e+00, v4;
	v0 =	vld [tilespmem:s18+$0x2400];
	[tilespmem:s0+$0xA400] =	vst v3  }
0xe2: {  	vm3 =	veq.s32 v14, $0x200;
	v14 =	vnsel vm1, $0x0, v4;
	vm1 =	vlt.u32 v7, $0x200;
	[tilespmem:s0+$0x3800] =	vst v18  }
0xe3: {  	v3 =	vsub.f32 $1.000000000e+00, v10;
	v11 =	vnsel vm3, $0x0, v11;
	v10 =	vnsel vm1, $0x0, v10;
	[tilespmem:s0+$0x3C00] =	vst v9  }
.Ltmp1:
0xe4: {  	vm1 =	vgt.s32 v8, $0x0;
	vm3 =	vgt.s32 v7, $0x0;
	v4 =	vmul.f32 v10, v11;
	[tilespmem:s0+$0x4000] =	vst v6;
	(pc) =	sbr.rel @p0 .LBB2_5-.Ltmp1, $4  }
0xe5: {  	v9 =	vnsel vm1, $0x0, v8;
	v6 =	vnsel vm2, $0x0, v3;
	v3 =	vmul.f32 v10, v14;
	[tilespmem:s0+$0x4400] =	vst v5;
	s0 =	smov.u32 s18  }
0xe6: {  	v10 =	vnsel vm3, $0x0, v7;
	v8 =	vmul.f32 v6, v11;
	v11 =	vmul.f32 v4, v0  }
0xe7: {  	vm1 =	vgt.s32 v13, $0x0;
	v9 =	vmin.u32 v9, $0x1FF;
	v7 =	vmul.f32 v6, v14  }
0xe8: {  	s18 =	sshra.s32 s17, $0x2;
	s17 =	sadd.s32 $0x40, s17;
	v5 =	vnsel vm0, $0x0, v12;
	v6 =	vnsel vm1, $0x0, v13;
	v10 =	vmin.u32 v10, $0x1FF;
	[tilespmem:s0+$0xA000] =	vst v11  }
0xe9: {  	v11 =	vld [tilespmem:s18+$0x800]  }
0xea: {  	v12 =	vmul.f32 v8, v1;
	v14 =	vld [tilespmem:s18+$0xC00]  }
0xeb: {  	v15 =	vmul.f32 v8, v2;
	v23 =	vmul.f32 v8, v0  }
0xec: {  	v13 =	vld [tilespmem:s18+$0x1C00];
	v16 =	vmul.f32 v7, v1;
	v24 =	vmul.f32 v7, v2;
	[tilespmem:s0+$0x5800] =	vst v12  }
0xed: {  	v25 =	vmul.f32 v7, v0;
	v26 =	vmul.f32 v4, v1;
	v12 =	vld [tilespmem:s18+$0x2000];
	[tilespmem:s0+$0x7800] =	vst v15  }
0xee: {  	v29 =	vmul.f32 v4, v2;
	v31 =	vmul.f32 v3, v1;
	[tilespmem:s0+$0x9800] =	vst v23  }
0xef: {  	v9 =	vshll.u32 v9, $0x9;
	[tilespmem:s0+$0x5C00] =	vst v16;
	v17 =	vtrunc.f32 v11;
	v28 =	vtrunc.f32 v14  }
0xf0: {  	v10 =	vshll.u32 v10, $0x9;
	[tilespmem:s0+$0x7C00] =	vst v24;
	v27 =	vcvt.f32.s32 v17;
	v30 =	vcvt.f32.s32 v28  }
0xf1: {  	v6 =	vmin.u32 v6, $0x1FF;
	v33 =	vmul.f32 v3, v2;
	v36 =	vmul.f32 v3, v0;
	[tilespmem:s0+$0x9C00] =	vst v25  }
0xf2: {  	v5 =	vmin.u32 v5, $0x1FF;
	[tilespmem:s0+$0x6000] =	vst v26;
	v32 =	vcvt.s32.f32 v27;
	v34 =	vcvt.s32.f32 v30  }
0xf3: {  	v35 =	vor.u32 v6, v9;
	v46 =	vor.u32 v5, v9;
	[tilespmem:s0+$0x8000] =	vst v29;
	v39 =	vadd.s32 $0xFFFFFE01, v30  }
0xf4: {  	[tilespmem:s0+$0x6400] =	vst v31;
	v48 =	vadd.s32 $0xFFFFFE01, v27;
	v11 =	vsub.f32 v11, v32;
	v38 =	vsub.f32 v14, v34  }
0xf5: {  	v6 =	vor.u32 v6, v10;
	[tilespmem:s0+$0x8400] =	vst v33;
	vm1 =	vlt.u32 v39, $0x200;
	vm11 =	vlt.u32 v48, $0x200  }
0xf6: {  	v49 =	vor.u32 v5, v10;
	v42 =	vld [tilespmem:s18+$0x2400];
	[tilespmem:s0+$0xA400] =	vst v36;
	v45 =	vnsel vm1, $0x0, v38;
	v51 =	vnsel vm11, $0x0, v11  }
0xf7: {  	[tilespmem:s0+$0x3800] =	vst v35;
	v41 =	vand.u32 $0xFFFFFE00, v27;
	v40 =	vsub.f32 $1.000000000e+00, v11;
	v1 =	vmul.f32 v45, v51  }
0xf8: {  	[tilespmem:s0+$0x3C00] =	vst v46;
	v37 =	vand.u32 $0xFFFFFE00, v30;
	vm0 =	veq.s32 v41, $0x200;
	v43 =	vsub.f32 $1.000000000e+00, v38  }
0xf9: {  	[tilespmem:s0+$0x4000] =	vst v6;
	vm2 =	veq.s32 v37, $0x200;
	v44 =	vnsel vm0, $0x0, v40;
	v59 =	vmul.f32 v1, v13  }
0xfa: {  	[tilespmem:s0+$0x4400] =	vst v49;
	v47 =	vnsel vm2, $0x0, v43;
	v4 =	vmul.f32 v45, v44;
	v60 =	vmul.f32 v1, v12  }
0xfb: {  	v0 =	vmul.f32 v47, v44;
	v1 =	vmul.f32 v1, v42;
	[tilespmem:s18+$0x6400] =	vst v59  }
0xfc: {  	v50 =	vmul.f32 v4, v42;
	[tilespmem:s18+$0x8400] =	vst v60  }
0xfd: {  	v52 =	vmul.f32 v0, v13;
	[tilespmem:s18+$0xA400] =	vst v1  }
0xfe: {  	v8 =	vmul.f32 v47, v51;
	v53 =	vmul.f32 v0, v12;
	[tilespmem:s18+$0xA000] =	vst v50  }
0xff: {  	v56 =	vadd.s32 $0xFFFFFE00, v27;
	v0 =	vmul.f32 v0, v42;
	[tilespmem:s18+$0x5800] =	vst v52  }
0x100: {  	v57 =	vadd.s32 $0xFFFFFE00, v30;
	vm12 =	vgt.s32 v48, $0x0;
	v54 =	vmul.f32 v8, v13;
	[tilespmem:s18+$0x7800] =	vst v53  }
0x101: {  	vm13 =	vgt.s32 v57, $0x0;
	vm14 =	vgt.s32 v39, $0x0;
	v55 =	vmul.f32 v8, v12;
	[tilespmem:s18+$0x9800] =	vst v0  }
0x102: {  	vm15 =	vgt.s32 v56, $0x0;
	v2 =	vnsel vm13, $0x0, v57;
	v8 =	vmul.f32 v8, v42;
	[tilespmem:s18+$0x5C00] =	vst v54  }
0x103: {  	v3 =	vnsel vm14, $0x0, v39;
	v58 =	vmul.f32 v4, v13;
	v4 =	vmul.f32 v4, v12;
	[tilespmem:s18+$0x7C00] =	vst v55  }
0x104: {  	v61 =	vnsel vm12, $0x0, v48;
	v2 =	vmin.u32 v2, $0x1FF;
	v3 =	vmin.u32 v3, $0x1FF;
	[tilespmem:s18+$0x9C00] =	vst v8  }
0x105: {  	v63 =	vshll.u32 v3, $0x9;
	[tilespmem:s18+$0x8000] =	vst v4;
	v0 =	vnsel vm15, $0x0, v56;
	v4 =	vmin.u32 v61, $0x1FF  }
0x106: {  	v2 =	vshll.u32 v2, $0x9;
	[tilespmem:s18+$0x6000] =	vst v58;
	v0 =	vmin.u32 v0, $0x1FF;
	v1 =	vor.u32 v4, v63  }
0x107: {  	v62 =	vor.u32 v0, v2;
	[tilespmem:s18+$0x4400] =	vst v1  }
0x108: {  	v2 =	vor.u32 v4, v2;
	[tilespmem:s18+$0x3800] =	vst v62  }
0x109: {  	s29 =	sadd.s32 $0x1, s29;
	v0 =	vor.u32 v0, v63;
	[tilespmem:s18+$0x3C00] =	vst v2  }
0x10a: {  	s31 =	simm.s32 $0x5800;
	p0 =	sne.s32 s29, $0x8;
	[tilespmem:s18+$0x4000] =	vst v0  }
0x10b: {  	[spmem:s3] =	stream.indirect.scatter.add.f32 [tilespmem:s31], [sflag:$0x4], $0x1, s22, s15, $0xb8;
	[tilespmem:$0x16800] =	vst v63  }
.Ltmp2:
0x10c: {  	_ = 	snop;
	(pc) =	sbr.rel @p0 .LBB2_2-.Ltmp2, $4  }
0x10d: {  	_ = 	snop  }
0x10e: {  	[spmem:s10] =	stream.indirect.scatter.add.f32 [tilespmem:s20], [sflag:$0x4], $0x1, s22, s15, $0xb8;
	[tilespmem:$0x16800] =	vst v63  }
0x10f: {  	_ = 	snop  }
0x110: {  	[spmem:s13] =	stream.indirect.scatter.add.f32 [tilespmem:s24], [sflag:$0x4], $0x1, s22, s15, $0xb8;
	[tilespmem:$0x16800] =	vst v63  }
0x111: {  	s0 =	simm.s32 $0x3  }
0x112: {  	_ =	swait.ge [sflag:s0], $0x1000  }
0x113: {  	[sflag:s0] =	ssyncset.done $0x0  }
0x114: {  	[sflag:s0] =	ssyncadd.s32 $0xFFFFF000  }
0x115: {  	_ =	swait.ge [sflag:s0], $0x1000  }
0x116: {  	[sflag:s0] =	ssyncset.done $0x0  }
0x117: {  	[sflag:s0] =	ssyncadd.s32 $0xFFFFF000  }
0x118: {  	_ =	swait.ge [sflag:s0], $0x1000  }
0x119: {  	[sflag:s0] =	ssyncset.done $0x0  }
0x11a: {  	[sflag:s0] =	ssyncadd.s32 $0xFFFFF000  }
0x11b: {  	_ =	swait.ge [sflag:s25], $0x1000  }
0x11c: {  	[sflag:s25] =	ssyncset.done $0x0  }
0x11d: {  	[sflag:s25] =	ssyncadd.s32 $0xFFFFF000  }
0x11e: {  	_ =	swait.ge [sflag:s25], $0x1000  }
0x11f: {  	[sflag:s25] =	ssyncset.done $0x0  }
0x120: {  	[sflag:s25] =	ssyncadd.s32 $0xFFFFF000  }
0x121: {  	_ =	swait.ge [sflag:s25], $0x1000  }
0x122: {  	[sflag:s25] =	ssyncset.done $0x0  }
0x123: {  	[sflag:s25] =	ssyncadd.s32 $0xFFFFF000  }
0x124: {  	[bflag:$0x0] =	sbarrier.arrive $0xFFFF  }
0x125: {  	s18 =	rddreg [dreg:$0xb]  }
0x126: {  	s17 =	rddreg [dreg:$0xd]  }
0x127: {  	s29 =	rddreg [dreg:$0x15]  }
0x128: {  	[hbm:s18], [sflag:s17] =	dma.local [spmem:s29], $0x1800  }
0x129: {  	s18 =	simm.s32 $0x5  }
0x12a: {  	_ =	swait.ge [sflag:s18], $0x1800  }
0x12b: {  	[sflag:s18] =	ssyncset.done $0x0  }
0x12c: {  	s31 =	rddreg [dreg:$0xa];
	[sflag:s18] =	ssyncadd.s32 $0xFFFFE800  }
0x12d: {  	[spmem:s29], [sflag:s17] =	dma.local [hbm:s31], $0x1800  }
0x12e: {  	_ =	swait.ge [sflag:s18], $0x1800  }
0x12f: {  	[sflag:s18] =	ssyncset.done $0x0  }
0x130: {  	s29 =	simm.s32 $0x0;
	s17 =	rddreg [dreg:$0xe];
	[sflag:s18] =	ssyncadd.s32 $0xFFFFE800  }
0x131: {  	[tilespmem:s29], [sflag:$0x1] =	stream.linear.gather [hbm4b:s17+s29], $0x400, $0x38;
	[tilespmem:$0x16800] =	vst v63  }
0x132: {  	s31 =	simm.s32 $0x400;
	s18 =	rddreg [dreg:$0xf]  }
0x133: {  	[tilespmem:s31], [sflag:$0x1] =	stream.linear.gather [hbm4b:s18+s29], $0x400, $0x38;
	[tilespmem:$0x16800] =	vst v63  }
0x134: {  	s17 =	rddreg [dreg:$0x10]  }
0x135: {  	[tilespmem:s15], [sflag:$0x1] =	stream.linear.gather [hbm4b:s17+s29], $0x400, $0x38;
	[tilespmem:$0x16800] =	vst v63  }
0x136: {  	s18 =	rddreg [dreg:$0x11];
	s31 =	simm.s32 $0x1400  }
0x137: {  	[tilespmem:s31], [sflag:$0x1] =	stream.linear.gather [hbm4b:s18+s29], $0x400, $0x38;
	[tilespmem:$0x16800] =	vst v63  }
0x138: {  	s18 =	rddreg [dreg:$0x12];
	s31 =	simm.s32 $0x1800  }
0x139: {  	[tilespmem:s31], [sflag:$0x1] =	stream.linear.gather [hbm4b:s18+s29], $0x400, $0x38;
	[tilespmem:$0x16800] =	vst v63  }
0x13a: {  	[bflag:$0x0] =	sbarrier.arrive $0xFFFF  }
.LBB2_8:
0x13b: {  	_ =	swait.ge [sflag:s14], $0x800  }
0x13c: {  	s31 =	sshll.u32 s29, $0xB;
	[sflag:s14] =	ssyncset.done $0x0  }
0x13d: {  	s0 =	sor.u32 s9, s31;
	[sflag:s14] =	ssyncadd.s32 $0xFFFFF800  }
0x13e: {  	s17 =	sor.u32 s19, s0;
	_ =	swait.ge [sflag:s14], $0xC00  }
0x13f: {  	s17 =	sshrl.u32 s17, $0x3;
	[sflag:s14] =	ssyncset.done $0x0  }
0x140: {  	s18 =	simm.s32 $0x800;
	s17 =	sadd.s32 s5, s17;
	[sflag:s14] =	ssyncadd.s32 $0xFFFFF400  }
0x141: {  	[tilespmem:s18], [sflag:$0x2] =	stream.linear.gather [hbm4b:s17+s4], $0x400, $0x38;
	[tilespmem:$0x16800] =	vst v63  }
0x142: {  	s18 =	sor.u32 s21, s0  }
0x143: {  	s17 =	sshrl.u32 s18, $0x3  }
0x144: {  	s18 =	simm.s32 $0xC00;
	s17 =	sadd.s32 s5, s17  }
0x145: {  	[tilespmem:s18], [sflag:$0x2] =	stream.linear.gather [hbm4b:s17+s4], $0x400, $0x38;
	[tilespmem:$0x16800] =	vst v63  }
0x146: {  	s18 =	sor.u32 s16, s0  }
0x147: {  	s17 =	sshrl.u32 s18, $0x3  }
0x148: {  	s18 =	simm.s32 $0x1C00;
	s17 =	sadd.s32 s2, s17  }
0x149: {  	[tilespmem:s18], [sflag:$0x2] =	stream.linear.gather [hbm4b:s17+s4], $0x400, $0x38;
	[tilespmem:$0x16800] =	vst v63  }
0x14a: {  	s18 =	sor.u32 s26, s0  }
0x14b: {  	s0 =	sor.u32 s28, s0;
	s17 =	sshrl.u32 s18, $0x3  }
0x14c: {  	s18 =	simm.s32 $0x2000;
	s0 =	sshrl.u32 s0, $0x3;
	s17 =	sadd.s32 s2, s17  }
0x14d: {  	[tilespmem:s18], [sflag:$0x2] =	stream.linear.gather [hbm4b:s17+s4], $0x400, $0x38;
	[tilespmem:$0x16800] =	vst v63  }
0x14e: {  	p0 =	seq.s32 s29, $0x0;
	s0 =	sadd.s32 s2, s0;
	s18 =	simm.s32 $0x2400  }
0x14f: {  	[tilespmem:s18], [sflag:$0x2] =	stream.linear.gather [hbm4b:s0+s4], $0x400, $0x38;
	[tilespmem:$0x16800] =	vst v63  }
0x150: {  	s0 =	simm.s32 @!p0 $0x3  }
0x151: {  	_ =	swait.ge @!p0 [sflag:s0], $0x1000  }
0x152: {  	[sflag:s0] =	ssyncset.done @!p0 $0x0  }
0x153: {  	[sflag:s0] =	ssyncadd.s32 @!p0 $0xFFFFF000  }
0x154: {  	_ =	swait.ge @!p0 [sflag:s0], $0x1000  }
0x155: {  	[sflag:s0] =	ssyncset.done @!p0 $0x0  }
0x156: {  	[sflag:s0] =	ssyncadd.s32 @!p0 $0xFFFFF000  }
0x157: {  	_ =	swait.ge @!p0 [sflag:s0], $0x1000  }
0x158: {  	[sflag:s0] =	ssyncset.done @!p0 $0x0  }
0x159: {  	[sflag:s0] =	ssyncadd.s32 @!p0 $0xFFFFF000;
	s0 =	simm.s32 $0x0  }
0x15a: {  	v0 =	vld [tilespmem:s0+$0x0]  }
0x15b: {  	v1 =	vld [tilespmem:s0+$0x400];
	_ =	sdelay $0x3  }
0x15c: {  	v2 =	vtrunc.f32 v0  }
0x15d: {  	v3 =	vtrunc.f32 v1;
	v2 =	vcvt.f32.s32 v2  }
0x15e: {  	v3 =	vcvt.f32.s32 v3  }
0x15f: {  	v4 =	vcvt.s32.f32 v2  }
0x160: {  	v5 =	vadd.s32 $0xFFFFFE01, v2;
	v6 =	vadd.s32 $0xFFFFFE00, v2;
	v7 =	vand.u32 $0xFFFFFE00, v3  }
0x161: {  	v8 =	vadd.s32 $0xFFFFFE00, v3;
	v4 =	vsub.f32 v0, v4;
	v0 =	vcvt.s32.f32 v3  }
0x162: {  	v9 =	vadd.s32 $0xFFFFFE01, v3;
	v2 =	vand.u32 $0xFFFFFE00, v2;
	vm1 =	vlt.u32 v5, $0x200  }
0x163: {  	vm2 =	veq.s32 v7, $0x200;
	v1 =	vsub.f32 v1, v0;
	v3 =	vsub.f32 $1.000000000e+00, v4  }
0x164: {  	vm3 =	veq.s32 v2, $0x200;
	vm12 =	vlt.u32 v9, $0x200;
	v0 =	vld [tilespmem:s0+$0x1800];
	v7 =	vnsel vm1, $0x0, v4  }
0x165: {  	v2 =	vsub.f32 $1.000000000e+00, v1;
	v10 =	vnsel vm3, $0x0, v3;
	v1 =	vnsel vm12, $0x0, v1  }
0x166: {  	v4 =	vmul.f32 v1, v10;
	v3 =	vmul.f32 v1, v7;
	v1 =	vld [tilespmem:s0+$0x1000]  }
0x167: {  	vm0 =	vgt.s32 v5, $0x0;
	v11 =	vnsel vm2, $0x0, v2;
	v2 =	vld [tilespmem:s0+$0x1400]  }
0x168: {  	vm13 =	vgt.s32 v8, $0x0;
	vm14 =	vgt.s32 v9, $0x0;
	vm15 =	vgt.s32 v6, $0x0  }
0x169: {  	v12 =	vnsel vm13, $0x0, v8;
	v13 =	vnsel vm14, $0x0, v9;
	v14 =	vmul.f32 v4, v0  }
0x16a: {  	v6 =	vnsel vm15, $0x0, v6;
	v5 =	vnsel vm0, $0x0, v5;
	v8 =	vmul.f32 v11, v10  }
0x16b: {  	s17 =	simm.s32 $0x80;
	s18 =	simm.s32 $0x10;
	v9 =	vmin.u32 v12, $0x1FF;
	v7 =	vmul.f32 v11, v7;
	v10 =	vmin.u32 v13, $0x1FF;
	[tilespmem:s0+$0x9000] =	vst v14  }
.LBB2_9:
0x16c: {  	p0 =	sne.s32 s17, $0xFC0;
	v11 =	vld [tilespmem:s18+$0x0];
	v9 =	vshll.u32 v9, $0x9;
	v12 =	vmul.f32 v8, v1;
	v13 =	vmul.f32 v8, v2  }
0x16d: {  	v10 =	vshll.u32 v10, $0x9;
	v8 =	vmul.f32 v8, v0;
	v15 =	vmul.f32 v7, v1;
	v14 =	vld [tilespmem:s18+$0x1000]  }
0x16e: {  	v6 =	vmin.u32 v6, $0x1FF;
	v16 =	vld [tilespmem:s18+$0x400];
	[tilespmem:s0+$0x4800] =	vst v12;
	v12 =	vmul.f32 v7, v2;
	v7 =	vmul.f32 v7, v0  }
0x16f: {  	v5 =	vmin.u32 v5, $0x1FF;
	v17 =	vld [tilespmem:s18+$0x1400];
	[tilespmem:s0+$0x6800] =	vst v13;
	v13 =	vmul.f32 v4, v1;
	v4 =	vmul.f32 v4, v2  }
0x170: {  	v19 =	vmul.f32 v3, v2;
	v18 =	vor.u32 v6, v9;
	[tilespmem:s0+$0x8800] =	vst v8;
	v8 =	vmul.f32 v3, v1  }
0x171: {  	v9 =	vor.u32 v5, v9;
	v3 =	vmul.f32 v3, v0;
	v2 =	vtrunc.f32 v11;
	[tilespmem:s0+$0x4C00] =	vst v15  }
0x172: {  	v6 =	vor.u32 v6, v10;
	v5 =	vor.u32 v5, v10;
	v0 =	vcvt.f32.s32 v2;
	[tilespmem:s0+$0x6C00] =	vst v12;
	v1 =	vmovc v14  }
0x173: {  	v14 =	vtrunc.f32 v16;
	[tilespmem:s0+$0x8C00] =	vst v7  }
0x174: {  	v7 =	vcvt.f32.s32 v14;
	v10 =	vcvt.s32.f32 v0;
	v12 =	vadd.s32 $0xFFFFFE01, v0;
	[tilespmem:s0+$0x5000] =	vst v13;
	v2 =	vmovc v17  }
0x175: {  	v13 =	vadd.s32 $0xFFFFFE00, v0;
	vm1 =	vlt.u32 v12, $0x200;
	vm0 =	vgt.s32 v12, $0x0;
	[tilespmem:s0+$0x7000] =	vst v4  }
0x176: {  	v4 =	vsub.f32 v11, v10;
	v10 =	vcvt.s32.f32 v7;
	v11 =	vand.u32 $0xFFFFFE00, v7;
	[tilespmem:s0+$0x5400] =	vst v8  }
0x177: {  	v8 =	vadd.s32 $0xFFFFFE00, v7;
	v7 =	vadd.s32 $0xFFFFFE01, v7;
	vm2 =	veq.s32 v11, $0x200;
	[tilespmem:s0+$0x7400] =	vst v19  }
0x178: {  	v14 =	vand.u32 $0xFFFFFE00, v0;
	v10 =	vsub.f32 v16, v10;
	v11 =	vsub.f32 $1.000000000e+00, v4;
	v0 =	vld [tilespmem:s18+$0x1800];
	[tilespmem:s0+$0x9400] =	vst v3  }
0x179: {  	vm3 =	veq.s32 v14, $0x200;
	v14 =	vnsel vm1, $0x0, v4;
	vm1 =	vlt.u32 v7, $0x200;
	[tilespmem:s0+$0x2800] =	vst v18  }
0x17a: {  	v3 =	vsub.f32 $1.000000000e+00, v10;
	v11 =	vnsel vm3, $0x0, v11;
	v10 =	vnsel vm1, $0x0, v10;
	[tilespmem:s0+$0x2C00] =	vst v9  }
.Ltmp3:
0x17b: {  	vm1 =	vgt.s32 v8, $0x0;
	vm3 =	vgt.s32 v7, $0x0;
	v4 =	vmul.f32 v10, v11;
	[tilespmem:s0+$0x3000] =	vst v6;
	(pc) =	sbr.rel @p0 .LBB2_9-.Ltmp3, $4  }
0x17c: {  	v9 =	vnsel vm1, $0x0, v8;
	v6 =	vnsel vm2, $0x0, v3;
	v3 =	vmul.f32 v10, v14;
	[tilespmem:s0+$0x3400] =	vst v5;
	s0 =	smov.u32 s18  }
0x17d: {  	v10 =	vnsel vm3, $0x0, v7;
	v8 =	vmul.f32 v6, v11;
	v11 =	vmul.f32 v4, v0  }
0x17e: {  	vm1 =	vgt.s32 v13, $0x0;
	v9 =	vmin.u32 v9, $0x1FF;
	v7 =	vmul.f32 v6, v14  }
0x17f: {  	s18 =	sshra.s32 s17, $0x2;
	s17 =	sadd.s32 $0x40, s17;
	v5 =	vnsel vm0, $0x0, v12;
	v6 =	vnsel vm1, $0x0, v13;
	v10 =	vmin.u32 v10, $0x1FF;
	[tilespmem:s0+$0x9000] =	vst v11  }
0x180: {  	v11 =	vld [tilespmem:s18+$0x0];
	v12 =	vmul.f32 v8, v1  }
0x181: {  	v14 =	vld [tilespmem:s18+$0x400];
	v15 =	vmul.f32 v8, v2  }
0x182: {  	v13 =	vld [tilespmem:s18+$0x1000];
	v8 =	vmul.f32 v8, v0;
	[tilespmem:s0+$0x4800] =	vst v12  }
0x183: {  	v16 =	vmul.f32 v7, v1;
	v54 =	vmul.f32 v7, v2;
	v12 =	vld [tilespmem:s18+$0x1400];
	[tilespmem:s0+$0x6800] =	vst v15  }
0x184: {  	v7 =	vmul.f32 v7, v0;
	v0 =	vmul.f32 v3, v0;
	[tilespmem:s0+$0x8800] =	vst v8  }
0x185: {  	v8 =	vmul.f32 v4, v1;
	[tilespmem:s0+$0x4C00] =	vst v16;
	v17 =	vtrunc.f32 v11  }
0x186: {  	v9 =	vshll.u32 v9, $0x9;
	[tilespmem:s0+$0x6C00] =	vst v54;
	v56 =	vtrunc.f32 v14;
	v55 =	vcvt.f32.s32 v17  }
0x187: {  	v10 =	vshll.u32 v10, $0x9;
	v4 =	vmul.f32 v4, v2;
	[tilespmem:s0+$0x8C00] =	vst v7;
	v7 =	vcvt.f32.s32 v56  }
0x188: {  	v6 =	vmin.u32 v6, $0x1FF;
	v1 =	vmul.f32 v3, v1;
	[tilespmem:s0+$0x5000] =	vst v8;
	v57 =	vcvt.s32.f32 v55  }
0x189: {  	v5 =	vmin.u32 v5, $0x1FF;
	v2 =	vmul.f32 v3, v2;
	[tilespmem:s0+$0x7000] =	vst v4;
	v4 =	vcvt.s32.f32 v7  }
0x18a: {  	v8 =	vor.u32 v6, v9;
	[tilespmem:s0+$0x5400] =	vst v1;
	v6 =	vor.u32 v6, v10;
	v11 =	vsub.f32 v11, v57  }
0x18b: {  	[tilespmem:s0+$0x7400] =	vst v2;
	v1 =	vand.u32 $0xFFFFFE00, v7;
	v58 =	vand.u32 $0xFFFFFE00, v55;
	v2 =	vsub.f32 v14, v4  }
0x18c: {  	v59 =	vld [tilespmem:s18+$0x1800];
	v3 =	vadd.s32 $0xFFFFFE01, v7;
	vm0 =	veq.s32 v58, $0x200;
	v4 =	vsub.f32 $1.000000000e+00, v11  }
0x18d: {  	vm1 =	vlt.u32 v3, $0x200;
	vm2 =	veq.s32 v1, $0x200;
	v60 =	vsub.f32 $1.000000000e+00, v2  }
0x18e: {  	[tilespmem:s0+$0x9400] =	vst v0;
	v1 =	vnsel vm1, $0x0, v2;
	v2 =	vor.u32 v5, v9;
	v0 =	vnsel vm0, $0x0, v4  }
0x18f: {  	[tilespmem:s0+$0x2800] =	vst v8;
	v9 =	vadd.s32 $0xFFFFFE01, v55;
	v8 =	vnsel vm2, $0x0, v60;
	v4 =	vmul.f32 v1, v0  }
0x190: {  	[tilespmem:s0+$0x3000] =	vst v6;
	vm4 =	vlt.u32 v9, $0x200;
	v0 =	vmul.f32 v8, v0  }
0x191: {  	[tilespmem:s0+$0x2C00] =	vst v2;
	v2 =	vor.u32 v5, v10;
	v6 =	vnsel vm4, $0x0, v11;
	v5 =	vmul.f32 v4, v59  }
0x192: {  	[tilespmem:s0+$0x3400] =	vst v2;
	v8 =	vmul.f32 v8, v6;
	v2 =	vmul.f32 v0, v13  }
0x193: {  	v1 =	vmul.f32 v1, v6;
	v6 =	vmul.f32 v4, v13;
	[tilespmem:s18+$0x9000] =	vst v5  }
0x194: {  	v4 =	vmul.f32 v4, v12;
	[tilespmem:s18+$0x4800] =	vst v2  }
0x195: {  	v5 =	vmul.f32 v0, v12;
	[tilespmem:s18+$0x5000] =	vst v6  }
0x196: {  	v0 =	vmul.f32 v0, v59;
	[tilespmem:s18+$0x7000] =	vst v4  }
0x197: {  	vm7 =	vgt.s32 v3, $0x0;
	v2 =	vmul.f32 v8, v13;
	[tilespmem:s18+$0x6800] =	vst v5  }
0x198: {  	v3 =	vnsel vm7, $0x0, v3;
	v6 =	vmul.f32 v1, v12;
	[tilespmem:s18+$0x8800] =	vst v0  }
0x199: {  	vm5 =	vgt.s32 v9, $0x0;
	v5 =	vmul.f32 v8, v12;
	[tilespmem:s18+$0x4C00] =	vst v2;
	v2 =	vadd.s32 $0xFFFFFE00, v7  }
0x19a: {  	v0 =	vadd.s32 $0xFFFFFE00, v55;
	v8 =	vmul.f32 v8, v59;
	[tilespmem:s18+$0x7400] =	vst v6;
	vm6 =	vgt.s32 v2, $0x0  }
0x19b: {  	vm8 =	vgt.s32 v0, $0x0;
	[tilespmem:s18+$0x6C00] =	vst v5;
	v2 =	vnsel vm6, $0x0, v2;
	v5 =	vmul.f32 v1, v13  }
0x19c: {  	[tilespmem:s18+$0x8C00] =	vst v8;
	v0 =	vnsel vm8, $0x0, v0;
	v1 =	vmul.f32 v1, v59;
	v2 =	vmin.u32 v2, $0x1FF  }
0x19d: {  	v4 =	vnsel vm5, $0x0, v9;
	v0 =	vmin.u32 v0, $0x1FF;
	[tilespmem:s18+$0x5400] =	vst v5;
	v2 =	vshll.u32 v2, $0x9  }
0x19e: {  	v3 =	vmin.u32 v3, $0x1FF;
	v4 =	vmin.u32 v4, $0x1FF;
	[tilespmem:s18+$0x9400] =	vst v1;
	v5 =	vor.u32 v0, v2  }
0x19f: {  	v1 =	vshll.u32 v3, $0x9;
	v2 =	vor.u32 v4, v2;
	[tilespmem:s18+$0x2800] =	vst v5  }
0x1a0: {  	v0 =	vor.u32 v0, v1;
	[tilespmem:s18+$0x2C00] =	vst v2  }
0x1a1: {  	v1 =	vor.u32 v4, v1;
	[tilespmem:s18+$0x3000] =	vst v0  }
0x1a2: {  	[tilespmem:s18+$0x3400] =	vst v1;
	s18 =	simm.s32 $0x4800  }
0x1a3: {  	[spmem:s3] =	stream.indirect.scatter.add.f32 [tilespmem:s18], [sflag:$0x3], $0x1, s30, s15, $0xb8;
	[tilespmem:$0x16800] =	vst v63  }
0x1a4: {  	s17 =	simm.s32 $0x6800  }
0x1a5: {  	[spmem:s10] =	stream.indirect.scatter.add.f32 [tilespmem:s17], [sflag:$0x3], $0x1, s30, s15, $0xb8;
	[tilespmem:$0x16800] =	vst v63  }
0x1a6: {  	s18 =	simm.s32 $0x8800  }
0x1a7: {  	[spmem:s13] =	stream.indirect.scatter.add.f32 [tilespmem:s18], [sflag:$0x3], $0x1, s30, s15, $0xb8;
	[tilespmem:$0x16800] =	vst v63  }
0x1a8: {  	_ =	swait.ge [sflag:s23], $0x800  }
0x1a9: {  	p0 =	sgt.u32 s29, $0x6;
	[sflag:s23] =	ssyncset.done $0x0  }
0x1aa: {  	s0 =	sadd.s32 @!p0 s31, s1;
	[sflag:s23] =	ssyncadd.s32 $0xFFFFF800  }
0x1ab: {  	s17 =	sadd.s32 @!p0 s19, s0;
	_ =	swait.ge [sflag:s23], $0xC00  }
0x1ac: {  	s17 =	sshrl.u32 @!p0 s17, $0x3;
	[sflag:s23] =	ssyncset.done $0x0  }
0x1ad: {  	s17 =	sadd.s32 @!p0 s5, s17;
	s18 =	simm.s32 @!p0 $0x0;
	[sflag:s23] =	ssyncadd.s32 $0xFFFFF400  }
0x1ae: {  	[tilespmem:s18], [sflag:$0x1] =	stream.linear.gather @!p0 [hbm4b:s17+s18], $0x400, $0x38;
	[tilespmem:$0x16800] =	vst v63  }
0x1af: {  	s17 =	sadd.s32 @!p0 s21, s0  }
0x1b0: {  	s17 =	sshrl.u32 @!p0 s17, $0x3  }
0x1b1: {  	s31 =	simm.s32 @!p0 $0x400;
	s17 =	sadd.s32 @!p0 s5, s17  }
0x1b2: {  	[tilespmem:s31], [sflag:$0x1] =	stream.linear.gather @!p0 [hbm4b:s17+s18], $0x400, $0x38;
	[tilespmem:$0x16800] =	vst v63  }
0x1b3: {  	s17 =	sadd.s32 @!p0 s16, s0  }
0x1b4: {  	s17 =	sshrl.u32 @!p0 s17, $0x3  }
0x1b5: {  	s31 =	simm.s32 @!p0 $0x1000;
	s17 =	sadd.s32 @!p0 s2, s17  }
0x1b6: {  	[tilespmem:s31], [sflag:$0x1] =	stream.linear.gather @!p0 [hbm4b:s17+s18], $0x400, $0x38;
	[tilespmem:$0x16800] =	vst v63  }
0x1b7: {  	s17 =	sor.u32 @!p0 s26, s0  }
0x1b8: {  	s0 =	sadd.s32 @!p0 s28, s0;
	s17 =	sshrl.u32 @!p0 s17, $0x3  }
0x1b9: {  	s31 =	simm.s32 @!p0 $0x1400;
	s0 =	sshrl.u32 @!p0 s0, $0x3;
	s17 =	sadd.s32 @!p0 s2, s17  }
0x1ba: {  	[tilespmem:s31], [sflag:$0x1] =	stream.linear.gather @!p0 [hbm4b:s17+s18], $0x400, $0x38;
	[tilespmem:$0x16800] =	vst v63  }
0x1bb: {  	p1 =	seq.s32 @!p0 s29, $0x0;
	s0 =	sadd.s32 @!p0 s2, s0;
	s17 =	simm.s32 @!p0 $0x1800  }
0x1bc: {  	[tilespmem:s17], [sflag:$0x1] =	stream.linear.gather @!p0 [hbm4b:s0+s18], $0x400, $0x38;
	[tilespmem:$0x16800] =	vst v63  }
0x1bd: {  	p0 =	por p0, !p1  }
0x1be: {  	_ =	swait.ge @p0 [sflag:s25], $0x1000  }
0x1bf: {  	[sflag:s25] =	ssyncset.done @p0 $0x0  }
0x1c0: {  	[sflag:s25] =	ssyncadd.s32 @p0 $0xFFFFF000  }
0x1c1: {  	_ =	swait.ge @p0 [sflag:s25], $0x1000  }
0x1c2: {  	[sflag:s25] =	ssyncset.done @p0 $0x0  }
0x1c3: {  	[sflag:s25] =	ssyncadd.s32 @p0 $0xFFFFF000  }
0x1c4: {  	_ =	swait.ge @p0 [sflag:s25], $0x1000  }
0x1c5: {  	[sflag:s25] =	ssyncset.done @p0 $0x0  }
0x1c6: {  	s0 =	simm.s32 $0x0;
	[sflag:s25] =	ssyncadd.s32 @p0 $0xFFFFF000  }
0x1c7: {  	v0 =	vld [tilespmem:s0+$0x800]  }
0x1c8: {  	v1 =	vld [tilespmem:s0+$0xC00];
	_ =	sdelay $0x3  }
0x1c9: {  	v2 =	vtrunc.f32 v0  }
0x1ca: {  	v3 =	vtrunc.f32 v1;
	v2 =	vcvt.f32.s32 v2  }
0x1cb: {  	v3 =	vcvt.f32.s32 v3  }
0x1cc: {  	v4 =	vcvt.s32.f32 v2  }
0x1cd: {  	v5 =	vadd.s32 $0xFFFFFE01, v2;
	v6 =	vadd.s32 $0xFFFFFE00, v2;
	v7 =	vand.u32 $0xFFFFFE00, v3  }
0x1ce: {  	v8 =	vadd.s32 $0xFFFFFE00, v3;
	v4 =	vsub.f32 v0, v4;
	v0 =	vcvt.s32.f32 v3  }
0x1cf: {  	v9 =	vadd.s32 $0xFFFFFE01, v3;
	v2 =	vand.u32 $0xFFFFFE00, v2;
	vm9 =	vlt.u32 v5, $0x200  }
0x1d0: {  	vm11 =	veq.s32 v7, $0x200;
	v1 =	vsub.f32 v1, v0;
	v3 =	vsub.f32 $1.000000000e+00, v4  }
0x1d1: {  	vm3 =	veq.s32 v2, $0x200;
	vm12 =	vlt.u32 v9, $0x200;
	v0 =	vld [tilespmem:s0+$0x2400];
	v7 =	vnsel vm9, $0x0, v4  }
0x1d2: {  	v2 =	vsub.f32 $1.000000000e+00, v1;
	v10 =	vnsel vm3, $0x0, v3;
	v1 =	vnsel vm12, $0x0, v1  }
0x1d3: {  	v4 =	vmul.f32 v1, v10;
	v3 =	vmul.f32 v1, v7;
	v1 =	vld [tilespmem:s0+$0x1C00]  }
0x1d4: {  	vm10 =	vgt.s32 v5, $0x0;
	v11 =	vnsel vm11, $0x0, v2;
	v2 =	vld [tilespmem:s0+$0x2000]  }
0x1d5: {  	vm13 =	vgt.s32 v8, $0x0;
	vm14 =	vgt.s32 v9, $0x0;
	vm15 =	vgt.s32 v6, $0x0  }
0x1d6: {  	v61 =	vnsel vm13, $0x0, v8;
	v62 =	vnsel vm14, $0x0, v9;
	v63 =	vmul.f32 v4, v0  }
0x1d7: {  	v6 =	vnsel vm15, $0x0, v6;
	v5 =	vnsel vm10, $0x0, v5;
	v8 =	vmul.f32 v11, v10  }
0x1d8: {  	s18 =	simm.s32 $0x10;
	s17 =	simm.s32 $0x80;
	v9 =	vmin.u32 v61, $0x1FF;
	v7 =	vmul.f32 v11, v7;
	v10 =	vmin.u32 v62, $0x1FF;
	[tilespmem:s0+$0xA000] =	vst v63  }
.LBB2_11:
0x1d9: {  	p0 =	sne.s32 s17, $0xFC0;
	v11 =	vld [tilespmem:s18+$0x800];
	v9 =	vshll.u32 v9, $0x9;
	v12 =	vmul.f32 v8, v1;
	v13 =	vmul.f32 v8, v2  }
0x1da: {  	v10 =	vshll.u32 v10, $0x9;
	v8 =	vmul.f32 v8, v0;
	v15 =	vmul.f32 v7, v1;
	v14 =	vld [tilespmem:s18+$0x1C00]  }
0x1db: {  	v6 =	vmin.u32 v6, $0x1FF;
	v16 =	vld [tilespmem:s18+$0xC00];
	[tilespmem:s0+$0x5800] =	vst v12;
	v12 =	vmul.f32 v7, v2;
	v7 =	vmul.f32 v7, v0  }
0x1dc: {  	v5 =	vmin.u32 v5, $0x1FF;
	v17 =	vld [tilespmem:s18+$0x2000];
	[tilespmem:s0+$0x7800] =	vst v13;
	v13 =	vmul.f32 v4, v1;
	v4 =	vmul.f32 v4, v2  }
0x1dd: {  	v19 =	vmul.f32 v3, v2;
	v18 =	vor.u32 v6, v9;
	[tilespmem:s0+$0x9800] =	vst v8;
	v8 =	vmul.f32 v3, v1  }
0x1de: {  	v9 =	vor.u32 v5, v9;
	v3 =	vmul.f32 v3, v0;
	v2 =	vtrunc.f32 v11;
	[tilespmem:s0+$0x5C00] =	vst v15  }
0x1df: {  	v6 =	vor.u32 v6, v10;
	v5 =	vor.u32 v5, v10;
	v0 =	vcvt.f32.s32 v2;
	[tilespmem:s0+$0x7C00] =	vst v12;
	v1 =	vmovc v14  }
0x1e0: {  	v14 =	vtrunc.f32 v16;
	[tilespmem:s0+$0x9C00] =	vst v7  }
0x1e1: {  	v7 =	vcvt.f32.s32 v14;
	v10 =	vcvt.s32.f32 v0;
	v12 =	vadd.s32 $0xFFFFFE01, v0;
	[tilespmem:s0+$0x6000] =	vst v13;
	v2 =	vmovc v17  }
0x1e2: {  	v13 =	vadd.s32 $0xFFFFFE00, v0;
	vm1 =	vlt.u32 v12, $0x200;
	vm0 =	vgt.s32 v12, $0x0;
	[tilespmem:s0+$0x8000] =	vst v4  }
0x1e3: {  	v4 =	vsub.f32 v11, v10;
	v10 =	vcvt.s32.f32 v7;
	v11 =	vand.u32 $0xFFFFFE00, v7;
	[tilespmem:s0+$0x6400] =	vst v8  }
0x1e4: {  	v8 =	vadd.s32 $0xFFFFFE00, v7;
	v7 =	vadd.s32 $0xFFFFFE01, v7;
	vm2 =	veq.s32 v11, $0x200;
	[tilespmem:s0+$0x8400] =	vst v19  }
0x1e5: {  	v14 =	vand.u32 $0xFFFFFE00, v0;
	v10 =	vsub.f32 v16, v10;
	v11 =	vsub.f32 $1.000000000e+00, v4;
	v0 =	vld [tilespmem:s18+$0x2400];
	[tilespmem:s0+$0xA400] =	vst v3  }
0x1e6: {  	vm3 =	veq.s32 v14, $0x200;
	v14 =	vnsel vm1, $0x0, v4;
	vm1 =	vlt.u32 v7, $0x200;
	[tilespmem:s0+$0x3800] =	vst v18  }
0x1e7: {  	v3 =	vsub.f32 $1.000000000e+00, v10;
	v11 =	vnsel vm3, $0x0, v11;
	v10 =	vnsel vm1, $0x0, v10;
	[tilespmem:s0+$0x3C00] =	vst v9  }
.Ltmp4:
0x1e8: {  	vm1 =	vgt.s32 v8, $0x0;
	vm3 =	vgt.s32 v7, $0x0;
	v4 =	vmul.f32 v10, v11;
	[tilespmem:s0+$0x4000] =	vst v6;
	(pc) =	sbr.rel @p0 .LBB2_11-.Ltmp4, $4  }
0x1e9: {  	v9 =	vnsel vm1, $0x0, v8;
	v6 =	vnsel vm2, $0x0, v3;
	v3 =	vmul.f32 v10, v14;
	[tilespmem:s0+$0x4400] =	vst v5;
	s0 =	smov.u32 s18  }
0x1ea: {  	v10 =	vnsel vm3, $0x0, v7;
	v8 =	vmul.f32 v6, v11;
	v11 =	vmul.f32 v4, v0  }
0x1eb: {  	vm1 =	vgt.s32 v13, $0x0;
	v9 =	vmin.u32 v9, $0x1FF;
	v7 =	vmul.f32 v6, v14  }
0x1ec: {  	s18 =	sshra.s32 s17, $0x2;
	s17 =	sadd.s32 $0x40, s17;
	v5 =	vnsel vm0, $0x0, v12;
	v6 =	vnsel vm1, $0x0, v13;
	v10 =	vmin.u32 v10, $0x1FF;
	[tilespmem:s0+$0xA000] =	vst v11  }
0x1ed: {  	v11 =	vld [tilespmem:s18+$0x800]  }
0x1ee: {  	v12 =	vmul.f32 v8, v1;
	v14 =	vld [tilespmem:s18+$0xC00]  }
0x1ef: {  	v15 =	vmul.f32 v8, v2;
	v23 =	vmul.f32 v8, v0  }
0x1f0: {  	v13 =	vld [tilespmem:s18+$0x1C00];
	v16 =	vmul.f32 v7, v1;
	v24 =	vmul.f32 v7, v2;
	[tilespmem:s0+$0x5800] =	vst v12  }
0x1f1: {  	v25 =	vmul.f32 v7, v0;
	v26 =	vmul.f32 v4, v1;
	v12 =	vld [tilespmem:s18+$0x2000];
	[tilespmem:s0+$0x7800] =	vst v15  }
0x1f2: {  	v29 =	vmul.f32 v4, v2;
	v31 =	vmul.f32 v3, v1;
	[tilespmem:s0+$0x9800] =	vst v23  }
0x1f3: {  	v9 =	vshll.u32 v9, $0x9;
	[tilespmem:s0+$0x5C00] =	vst v16;
	v17 =	vtrunc.f32 v11;
	v28 =	vtrunc.f32 v14  }
0x1f4: {  	v10 =	vshll.u32 v10, $0x9;
	[tilespmem:s0+$0x7C00] =	vst v24;
	v27 =	vcvt.f32.s32 v17;
	v30 =	vcvt.f32.s32 v28  }
0x1f5: {  	v6 =	vmin.u32 v6, $0x1FF;
	v33 =	vmul.f32 v3, v2;
	v36 =	vmul.f32 v3, v0;
	[tilespmem:s0+$0x9C00] =	vst v25  }
0x1f6: {  	v5 =	vmin.u32 v5, $0x1FF;
	[tilespmem:s0+$0x6000] =	vst v26;
	v32 =	vcvt.s32.f32 v27;
	v34 =	vcvt.s32.f32 v30  }
0x1f7: {  	v35 =	vor.u32 v6, v9;
	v46 =	vor.u32 v5, v9;
	[tilespmem:s0+$0x8000] =	vst v29;
	v39 =	vadd.s32 $0xFFFFFE01, v30  }
0x1f8: {  	[tilespmem:s0+$0x6400] =	vst v31;
	v48 =	vadd.s32 $0xFFFFFE01, v27;
	v11 =	vsub.f32 v11, v32;
	v38 =	vsub.f32 v14, v34  }
0x1f9: {  	v6 =	vor.u32 v6, v10;
	[tilespmem:s0+$0x8400] =	vst v33;
	vm1 =	vlt.u32 v39, $0x200;
	vm11 =	vlt.u32 v48, $0x200  }
0x1fa: {  	v49 =	vor.u32 v5, v10;
	v42 =	vld [tilespmem:s18+$0x2400];
	[tilespmem:s0+$0xA400] =	vst v36;
	v45 =	vnsel vm1, $0x0, v38;
	v51 =	vnsel vm11, $0x0, v11  }
0x1fb: {  	[tilespmem:s0+$0x3800] =	vst v35;
	v41 =	vand.u32 $0xFFFFFE00, v27;
	v40 =	vsub.f32 $1.000000000e+00, v11;
	v1 =	vmul.f32 v45, v51  }
0x1fc: {  	[tilespmem:s0+$0x3C00] =	vst v46;
	v37 =	vand.u32 $0xFFFFFE00, v30;
	vm0 =	veq.s32 v41, $0x200;
	v43 =	vsub.f32 $1.000000000e+00, v38  }
0x1fd: {  	[tilespmem:s0+$0x4000] =	vst v6;
	vm2 =	veq.s32 v37, $0x200;
	v44 =	vnsel vm0, $0x0, v40;
	v59 =	vmul.f32 v1, v13  }
0x1fe: {  	[tilespmem:s0+$0x4400] =	vst v49;
	v47 =	vnsel vm2, $0x0, v43;
	v4 =	vmul.f32 v45, v44;
	v60 =	vmul.f32 v1, v12  }
0x1ff: {  	v0 =	vmul.f32 v47, v44;
	v1 =	vmul.f32 v1, v42;
	[tilespmem:s18+$0x6400] =	vst v59  }
0x200: {  	v50 =	vmul.f32 v4, v42;
	[tilespmem:s18+$0x8400] =	vst v60  }
0x201: {  	v52 =	vmul.f32 v0, v13;
	[tilespmem:s18+$0xA400] =	vst v1  }
0x202: {  	v8 =	vmul.f32 v47, v51;
	v53 =	vmul.f32 v0, v12;
	[tilespmem:s18+$0xA000] =	vst v50  }
0x203: {  	v56 =	vadd.s32 $0xFFFFFE00, v27;
	v0 =	vmul.f32 v0, v42;
	[tilespmem:s18+$0x5800] =	vst v52  }
0x204: {  	v57 =	vadd.s32 $0xFFFFFE00, v30;
	vm12 =	vgt.s32 v48, $0x0;
	v54 =	vmul.f32 v8, v13;
	[tilespmem:s18+$0x7800] =	vst v53  }
0x205: {  	vm13 =	vgt.s32 v57, $0x0;
	vm14 =	vgt.s32 v39, $0x0;
	v55 =	vmul.f32 v8, v12;
	[tilespmem:s18+$0x9800] =	vst v0  }
0x206: {  	vm15 =	vgt.s32 v56, $0x0;
	v2 =	vnsel vm13, $0x0, v57;
	v8 =	vmul.f32 v8, v42;
	[tilespmem:s18+$0x5C00] =	vst v54  }
0x207: {  	v3 =	vnsel vm14, $0x0, v39;
	v58 =	vmul.f32 v4, v13;
	v4 =	vmul.f32 v4, v12;
	[tilespmem:s18+$0x7C00] =	vst v55  }
0x208: {  	v61 =	vnsel vm12, $0x0, v48;
	v2 =	vmin.u32 v2, $0x1FF;
	v3 =	vmin.u32 v3, $0x1FF;
	[tilespmem:s18+$0x9C00] =	vst v8  }
0x209: {  	v63 =	vshll.u32 v3, $0x9;
	[tilespmem:s18+$0x8000] =	vst v4;
	v0 =	vnsel vm15, $0x0, v56;
	v4 =	vmin.u32 v61, $0x1FF  }
0x20a: {  	v2 =	vshll.u32 v2, $0x9;
	[tilespmem:s18+$0x6000] =	vst v58;
	v0 =	vmin.u32 v0, $0x1FF;
	v1 =	vor.u32 v4, v63  }
0x20b: {  	v62 =	vor.u32 v0, v2;
	[tilespmem:s18+$0x4400] =	vst v1  }
0x20c: {  	v2 =	vor.u32 v4, v2;
	[tilespmem:s18+$0x3800] =	vst v62  }
0x20d: {  	s29 =	sadd.s32 $0x1, s29;
	v0 =	vor.u32 v0, v63;
	[tilespmem:s18+$0x3C00] =	vst v2  }
0x20e: {  	s31 =	simm.s32 $0x5800;
	p0 =	sne.s32 s29, $0x8;
	[tilespmem:s18+$0x4000] =	vst v0  }
0x20f: {  	[spmem:s3] =	stream.indirect.scatter.add.f32 [tilespmem:s31], [sflag:$0x4], $0x1, s22, s15, $0xb8;
	[tilespmem:$0x16800] =	vst v63  }
.Ltmp5:
0x210: {  	_ = 	snop;
	(pc) =	sbr.rel @p0 .LBB2_8-.Ltmp5, $4  }
0x211: {  	_ = 	snop  }
0x212: {  	[spmem:s10] =	stream.indirect.scatter.add.f32 [tilespmem:s20], [sflag:$0x4], $0x1, s22, s15, $0xb8;
	[tilespmem:$0x16800] =	vst v63  }
0x213: {  	_ = 	snop  }
0x214: {  	[spmem:s13] =	stream.indirect.scatter.add.f32 [tilespmem:s24], [sflag:$0x4], $0x1, s22, s15, $0xb8;
	[tilespmem:$0x16800] =	vst v63  }
0x215: {  	s0 =	simm.s32 $0x3  }
0x216: {  	_ =	swait.ge [sflag:s0], $0x1000  }
0x217: {  	[sflag:s0] =	ssyncset.done $0x0  }
0x218: {  	[sflag:s0] =	ssyncadd.s32 $0xFFFFF000  }
0x219: {  	_ =	swait.ge [sflag:s0], $0x1000  }
0x21a: {  	[sflag:s0] =	ssyncset.done $0x0  }
0x21b: {  	[sflag:s0] =	ssyncadd.s32 $0xFFFFF000  }
0x21c: {  	_ =	swait.ge [sflag:s0], $0x1000  }
0x21d: {  	[sflag:s0] =	ssyncset.done $0x0  }
0x21e: {  	[sflag:s0] =	ssyncadd.s32 $0xFFFFF000  }
0x21f: {  	_ =	swait.ge [sflag:s25], $0x1000  }
0x220: {  	[sflag:s25] =	ssyncset.done $0x0  }
0x221: {  	[sflag:s25] =	ssyncadd.s32 $0xFFFFF000  }
0x222: {  	_ =	swait.ge [sflag:s25], $0x1000  }
0x223: {  	[sflag:s25] =	ssyncset.done $0x0  }
0x224: {  	[sflag:s25] =	ssyncadd.s32 $0xFFFFF000  }
0x225: {  	_ =	swait.ge [sflag:s25], $0x1000  }
0x226: {  	[sflag:s25] =	ssyncset.done $0x0  }
0x227: {  	[sflag:s25] =	ssyncadd.s32 $0xFFFFF000  }
0x228: {  	[bflag:$0x0] =	sbarrier.arrive $0xFFFF  }
0x229: {  	s31 =	rddreg [dreg:$0xc]  }
0x22a: {  	s18 =	rddreg [dreg:$0xd]  }
0x22b: {  	s29 =	simm.s32 $0x5;
	s17 =	rddreg [dreg:$0x15]  }
0x22c: {  	[hbm:s31], [sflag:s18] =	dma.local [spmem:s17], $0x1800  }
0x22d: {  	_ =	swait.ge [sflag:s29], $0x1800  }
0x22e: {  	s0 =	rddreg [dreg:$0x14]  }
0x22f: {  	s31 =	rddreg [dreg:$0x13];
	s17 =	sadd.s32 $0x1, s0  }
0x230: {  	p0 =	sne.s32 s17, s31  }
.Ltmp6:
0x231: {  	_ = 	snop;
	(pc) =	sbr.rel @p0 .LBB2_1-.Ltmp6, $3  }
0x232: {  	_ =	sdelay $0x1  }
0x233: {  	[sflag:s29] =	ssyncset.done $0x0  }
0x234: {  	[sflag:s29] =	ssyncadd.s32 $0xFFFFE800  }
0x235: {  	_ =	sfence.sel $0x180000  }
0x236: {  	[bflag:$0x0] =	sbarrier.arrive $0xFFFF  }
0x237: {  	_ =	strace $0x90000047  }
0x238: {  	s0 =	stileid.u32;
	[bflag:$0x2] =	sbarrier.arrive $0xFFFF  }
0x239: {  	p0 =	sne.s32 s0, $0x0;
	s0 =	rddreg [dreg:$0x3]  }
0x23a: {  	s0 =	sadd.s32 @!p0 $0x100000, s0  }
0x23b: {  	[sflag:s0] =	ssyncadd.tile.s32 @!p0 $0x1;
	_ =	shalt  }
.Lfunc_end2:
_tile_overlayer_lowered:
.L_overlay_start_2:
0x23c: {  	(tag) =	ssettag $0x2  }
0x23d: {  	s0 =	rddreg [dreg:$0x0];
	s2 =	stileid.u32  }
0x23e: {  	s1 =	rddreg [dreg:$0x1];
	p0 =	sne.s32 s2, $0x0  }
0x23f: {  	s3 =	rddreg [dreg:$0x2];
	[bflag:$0x3] =	sbarrier.arrive $0xFFFF;
	s2 =	simm.s32 @!p0 $0x1C05  }
0x240: {  	[timem:s3], [sflag:s2] =	dma.local @!p0 [hbm:s0], s1  }
0x241: {  	s0 =	simm.s32 @!p0 $0x5  }
0x242: {  	_ =	swait.ge @!p0 [sflag:s0], s1  }
0x243: {  	s1 =	ssub.s32 @!p0 $0x0, s1;
	[sflag:s0] =	ssyncset.done @!p0 $0x0  }
0x244: {  	[sflag:s0] =	ssyncadd.s32 @!p0 s1  }
0x245: {  	[bflag:$0x3] =	sbarrier.arrive $0xFFFF  }
0x246: {  	_ =	shalt  }

</sc_bundles>
